<compile_context>
chip_gen: v7x
topology: tpu7x:2x2x1
jax: 0.10.2.dev20260603
libtpu: 0.0.44.dev20260713+nightly
codegen_flags: <defaults>
</compile_context>

<pallas_src>
import functools

import jax
import jax.numpy as jnp
from jax import lax
from jax.experimental import pallas as pl
from jax.experimental.pallas import tpu as pltpu
from jax.experimental.pallas import tpu_sc as plsc

_N = 10000
_PN = 10240
_C = 128
_E = 320000
_NW = 32
_CH = 80
_NCH = 128
_EPW = _CH * _NCH
_EPAD = _NW * _EPW
_TOTCH = _EPAD // _CH
_NSUB = 256
_NE0 = 180
_NE1 = 76
_NC0 = 176
_NC1 = 80
_RPT = _PN // 16
_BLK = 1024
_NBLK = _PN // _BLK
_NB = 2

_mesh = plsc.VectorSubcoreMesh(core_axis_name="c", subcore_axis_name="s")


def _deg_pipe(dst_hbm, s, lo, n, deg_sp, idx_v, ones_v, sem):
    pltpu.sync_copy(dst_hbm.at[s, pl.ds(lo, n)], idx_v.at[pl.ds(0, n)])

    def fire(i, _):
        pltpu.async_copy(ones_v, deg_sp.at[idx_v.at[i]], sem, add=True)
        return ()

    def drain(i, _):
        pltpu.make_async_copy(ones_v, deg_sp.at[idx_v.at[i]], sem).wait()
        return ()

    lax.fori_loop(0, n, fire, ())
    lax.fori_loop(0, n, drain, ())


def _deg_body(dst_hbm, deg_out, deg_sp, idx_v, ones_v, sem):
    c = lax.axis_index("c")
    s = lax.axis_index("s")
    zero16 = jnp.zeros((16,), jnp.float32)
    for j in range(_CH // 16):
        ones_v[pl.ds(j * 16, 16)] = zero16
    for p in range(_RPT // _CH):
        pltpu.sync_copy(ones_v, deg_sp.at[pl.ds(s * _RPT + p * _CH, _CH)])
    one16 = jnp.ones((16,), jnp.float32)
    for j in range(_CH // 16):
        ones_v[pl.ds(j * 16, 16)] = one16
    plsc.subcore_barrier()

    @pl.when(c == 0)
    def _():
        _deg_pipe(dst_hbm, s, 0, _NC0, deg_sp, idx_v, ones_v, sem)

    @pl.when(c == 1)
    def _():
        _deg_pipe(dst_hbm, s, _NC0, _NC1, deg_sp, idx_v, ones_v, sem)

    plsc.subcore_barrier()
    pltpu.sync_copy(deg_sp.at[pl.ds(s * _RPT, _RPT)],
                    deg_out.at[c, pl.ds(s * _RPT, _RPT)])


_deg_call = pl.kernel(
    _deg_body,
    out_type=jax.ShapeDtypeStruct((2, _PN), jnp.float32),
    mesh=_mesh,
    scratch_types=[
        pltpu.VMEM_SHARED((_PN,), jnp.float32),
        pltpu.VMEM((_NC0, _CH), jnp.int32),
        pltpu.VMEM((_CH,), jnp.float32),
        pltpu.SemaphoreType.DMA,
    ],
)


def _edge_pipe(src_hbm, dst_hbm, s, lo, n, z_hbm, dinv_hbm, g_sp, u_sp,
               srcb_v, dstb_v, rows_v, val_v,
               sem_i, sem_g, sem_s, sem_d, sem_t):
    _NI = 3

    def i_start(g):
        pltpu.async_copy(src_hbm.at[s, lo + g], srcb_v.at[g % _NI], sem_i)
        pltpu.async_copy(dst_hbm.at[s, lo + g], dstb_v.at[g % _NI], sem_i)

    def i_wait(g):
        pltpu.make_async_copy(src_hbm.at[s, lo + g], srcb_v.at[g % _NI],
                              sem_i).wait()
        pltpu.make_async_copy(dst_hbm.at[s, lo + g], dstb_v.at[g % _NI],
                              sem_i).wait()

    def du_start(g):
        pltpu.async_copy(dinv_hbm.at[dstb_v.at[g % _NI]], val_v.at[g % _NB],
                         sem_d)

    def du_wait(g):
        pltpu.make_async_copy(dinv_hbm.at[dstb_v.at[g % _NI]],
                              val_v.at[g % _NB], sem_d).wait()

    def su_start(g):
        pltpu.async_copy(val_v.at[g % _NB], u_sp.at[srcb_v.at[g % _NI]],
                         sem_t, add=True)

    def su_wait(g):
        pltpu.make_async_copy(val_v.at[g % _NB], u_sp.at[srcb_v.at[g % _NI]],
                              sem_t).wait()

    def gv_start(g):
        pltpu.async_copy(z_hbm.at[srcb_v.at[g % _NI]], rows_v.at[g % _NB],
                         sem_g)

    def gv_wait(g):
        pltpu.make_async_copy(z_hbm.at[srcb_v.at[g % _NI]],
                              rows_v.at[g % _NB], sem_g).wait()

    def sv_start(g):
        pltpu.async_copy(rows_v.at[g % _NB], g_sp.at[dstb_v.at[g % _NI]],
                         sem_s, add=True)

    def sv_wait(g):
        pltpu.make_async_copy(rows_v.at[g % _NB], g_sp.at[dstb_v.at[g % _NI]],
                              sem_s).wait()

    i_start(0)
    i_wait(0)
    gv_start(0)
    du_start(0)
    i_start(1)

    def ring(g, _):
        gv_wait(g)
        sv_start(g)
        du_wait(g)
        su_start(g)

        @pl.when(g >= 1)
        def _():
            sv_wait(g - 1)
            su_wait(g - 1)

        @pl.when(g + 2 < n)
        def _():
            i_start(g + 2)

        @pl.when(g + 1 < n)
        def _():
            i_wait(g + 1)
            gv_start(g + 1)
            du_start(g + 1)

        return ()

    lax.fori_loop(0, n, ring, ())
    sv_wait(n - 1)
    su_wait(n - 1)


def _edge_body(src_hbm, dst_hbm, z_hbm, dinv_hbm, g_out, u_out, g_sp, u_sp,
               srcb_v, dstb_v, rows_v, val_v,
               sem_i, sem_g, sem_s, sem_d, sem_t):
    c = lax.axis_index("c")
    s = lax.axis_index("s")
    zero16 = jnp.zeros((16,), jnp.float32)

    def zrow_loop(r, _):
        for j in range(_C // 16):
            rows_v[0, r, pl.ds(j * 16, 16)] = zero16
        return ()

    lax.fori_loop(0, _CH, zrow_loop, ())
    for j in range(_CH // 16):
        val_v[0, pl.ds(j * 16, 16)] = zero16

    for p in range(_RPT // _CH):
        pltpu.sync_copy(rows_v.at[0],
                        g_sp.at[pl.ds(s * _RPT + p * _CH, _CH)])
        pltpu.sync_copy(val_v.at[0],
                        u_sp.at[pl.ds(s * _RPT + p * _CH, _CH)])

    plsc.subcore_barrier()

    @pl.when(c == 0)
    def _():
        _edge_pipe(src_hbm, dst_hbm, s, 0, _NE0, z_hbm, dinv_hbm, g_sp, u_sp,
                   srcb_v, dstb_v, rows_v, val_v,
                   sem_i, sem_g, sem_s, sem_d, sem_t)

    @pl.when(c == 1)
    def _():
        _edge_pipe(src_hbm, dst_hbm, s, _NE0, _NE1, z_hbm, dinv_hbm, g_sp,
                   u_sp, srcb_v, dstb_v, rows_v, val_v,
                   sem_i, sem_g, sem_s, sem_d, sem_t)

    plsc.subcore_barrier()
    pltpu.sync_copy(g_sp.at[pl.ds(s * _RPT, _RPT)],
                    g_out.at[c, pl.ds(s * _RPT, _RPT)])
    pltpu.sync_copy(u_sp.at[pl.ds(s * _RPT, _RPT)],
                    u_out.at[c, pl.ds(s * _RPT, _RPT)])


_edge_call = pl.kernel(
    _edge_body,
    out_type=(jax.ShapeDtypeStruct((2, _PN, _C), jnp.float32),
              jax.ShapeDtypeStruct((2, _PN), jnp.float32)),
    mesh=_mesh,
    scratch_types=[
        pltpu.VMEM_SHARED((_PN, _C), jnp.float32),
        pltpu.VMEM_SHARED((_PN,), jnp.float32),
        pltpu.VMEM((3, _CH), jnp.int32),
        pltpu.VMEM((3, _CH), jnp.int32),
        pltpu.VMEM((_NB, _CH, _C), jnp.float32),
        pltpu.VMEM((_NB, _CH), jnp.float32),
        pltpu.SemaphoreType.DMA,
        pltpu.SemaphoreType.DMA,
        pltpu.SemaphoreType.DMA,
        pltpu.SemaphoreType.DMA,
        pltpu.SemaphoreType.DMA,
    ],
)


def _stats_body(x_ref, gamma_ref, out_ref):
    i = pl.program_id(0)

    @pl.when(i == 0)
    def _():
        out_ref[...] = jnp.zeros_like(out_ref)

    xb = x_ref[...]
    out_ref[0:1, :] += jnp.sum(xb, axis=0, keepdims=True)
    out_ref[1:2, :] += jnp.sum(xb * xb, axis=0, keepdims=True)

    @pl.when(i == _NBLK - 1)
    def _():
        mean = out_ref[0:1, :] / _N
        var = out_ref[1:2, :] / _N - mean * mean
        out_ref[0:1, :] = mean
        out_ref[1:2, :] = gamma_ref[...] * lax.rsqrt(var + 1e-5)


def _stats_call(x_pad, gamma):
    return pl.pallas_call(
        _stats_body,
        grid=(_NBLK,),
        in_specs=[pl.BlockSpec((_BLK, _C), lambda i: (i, 0)),
                  pl.BlockSpec((1, _C), lambda i: (0, 0))],
        out_specs=pl.BlockSpec((8, _C), lambda i: (0, 0)),
        out_shape=jax.ShapeDtypeStruct((8, _C), jnp.float32),
    )(x_pad, gamma)


def _z_body(x_ref, stats_ref, beta_ref, d0_ref, d1_ref, z_ref, dinv_ref):
    i = pl.program_id(0)
    mean = stats_ref[0:1, :]
    scale = stats_ref[1:2, :]
    dsum = d0_ref[...] + d1_ref[...] + 1.0
    dv = lax.rsqrt(dsum)
    rows = i * _BLK + lax.broadcasted_iota(jnp.int32, (_BLK, 1), 0)
    dv = jnp.where(rows < _N, dv, 0.0)
    bn = (x_ref[...] - mean) * scale + beta_ref[...]
    z_ref[...] = dv * bn
    dinv_ref[...] = dv


def _z_call(x_pad, stats, beta, d0, d1):
    return pl.pallas_call(
        _z_body,
        grid=(_NBLK,),
        in_specs=[pl.BlockSpec((_BLK, _C), lambda i: (i, 0)),
                  pl.BlockSpec((8, _C), lambda i: (0, 0)),
                  pl.BlockSpec((1, _C), lambda i: (0, 0)),
                  pl.BlockSpec((_BLK, 1), lambda i: (i, 0)),
                  pl.BlockSpec((_BLK, 1), lambda i: (i, 0))],
        out_specs=[pl.BlockSpec((_BLK, _C), lambda i: (i, 0)),
                   pl.BlockSpec((_BLK, 1), lambda i: (i, 0))],
        out_shape=(jax.ShapeDtypeStruct((_PN, _C), jnp.float32),
                   jax.ShapeDtypeStruct((_PN, 1), jnp.float32)),
    )(x_pad, stats, beta, d0, d1)


def _final_body(g0_ref, g1_ref, z_ref, dinv_ref, u0_ref, u1_ref,
                w1_ref, b1_ref, w2_ref, b2_ref, out_ref, acc_ref):
    i = pl.program_id(0)
    dv = dinv_ref[...]
    p = dv * (g0_ref[0] + g1_ref[0] + z_ref[...])
    pre = jnp.dot(p, w1_ref[...], preferred_element_type=jnp.float32)
    pre = pre + b1_ref[...]
    leaky = jnp.where(pre >= 0, pre, 0.1 * pre)
    sv = dv * (u0_ref[...] + u1_ref[...] + dv)
    part = jnp.sum(sv * leaky, axis=0, keepdims=True)

    @pl.when(i == 0)
    def _():
        acc_ref[...] = jnp.zeros_like(acc_ref)

    acc_ref[0:1, :] += part

    @pl.when(i == _NBLK - 1)
    def _():
        pooled = acc_ref[0:1, :] / _N
        out_ref[...] = (jnp.dot(pooled, w2_ref[...],
                                preferred_element_type=jnp.float32)
                        + b2_ref[...])


def _final_call(g_p, z, dinv, u0, u1, W1, b1, W2, b2):
    return pl.pallas_call(
        _final_body,
        grid=(_NBLK,),
        in_specs=[pl.BlockSpec((1, _BLK, _C), lambda i: (0, i, 0)),
                  pl.BlockSpec((1, _BLK, _C), lambda i: (1, i, 0)),
                  pl.BlockSpec((_BLK, _C), lambda i: (i, 0)),
                  pl.BlockSpec((_BLK, 1), lambda i: (i, 0)),
                  pl.BlockSpec((_BLK, 1), lambda i: (i, 0)),
                  pl.BlockSpec((_BLK, 1), lambda i: (i, 0)),
                  pl.BlockSpec((_C, _C), lambda i: (0, 0)),
                  pl.BlockSpec((1, _C), lambda i: (0, 0)),
                  pl.BlockSpec((_C, _C), lambda i: (0, 0)),
                  pl.BlockSpec((1, _C), lambda i: (0, 0))],
        out_specs=pl.BlockSpec((1, _C), lambda i: (0, 0)),
        out_shape=jax.ShapeDtypeStruct((1, _C), jnp.float32),
        scratch_shapes=[pltpu.VMEM((8, _C), jnp.float32)],
    )(g_p, g_p, z, dinv, u0, u1, W1, b1, W2, b2)


def kernel(x, edge_index, bn_gamma, bn_beta, W1, b1, W2, b2):
    src = edge_index[0].astype(jnp.int32)
    dst = edge_index[1].astype(jnp.int32)
    pad_cfg = (0, _EPAD - _E)
    src_p = jnp.pad(src, pad_cfg, constant_values=_PN - 1).reshape(16, _NSUB, _CH)
    dst_p = jnp.pad(dst, pad_cfg, constant_values=_PN - 1).reshape(16, _NSUB, _CH)
    x_pad = jnp.pad(x, ((0, _PN - _N), (0, 0)))

    deg_p = _deg_call(dst_p)
    stats = _stats_call(x_pad, bn_gamma.reshape(1, _C))
    d0 = deg_p[0].reshape(_PN, 1)
    d1 = deg_p[1].reshape(_PN, 1)
    z, dinv = _z_call(x_pad, stats, bn_beta.reshape(1, _C), d0, d1)

    g_p, u_p = _edge_call(src_p, dst_p, z, dinv.reshape(_PN))

    out = _final_call(g_p, z, dinv,
                      u_p[0].reshape(_PN, 1), u_p[1].reshape(_PN, 1),
                      W1, b1.reshape(1, _C), W2, b2.reshape(1, _C))
    return out

# --- scband reference (transcript-rebuilt; emitter-appended) ---
"""Pipeline reference for scband-gcn-76218489635343 (READ-ONLY COPY).

The authoritative reference and input builder live on the scoring server;
editing this copy changes nothing except your own understanding.
"""

import jax, jax.numpy as jnp
import numpy as np

N_NODES = 10000
IN_CH = 128
HID_CH = 128
OUT_CH = 128
N_EDGES = 320000


def setup_inputs(seed: int = 0) -> dict:
    key = jax.random.key(seed)
    k = jax.random.split(key, 8)
    x = jax.random.normal(k[0], (N_NODES, IN_CH), dtype=jnp.float32)
    edge_index = jax.random.randint(k[1], (2, N_EDGES), 0, N_NODES, dtype=jnp.int64)
    bn_gamma = jnp.ones((IN_CH,), dtype=jnp.float32)
    bn_beta = jnp.zeros((IN_CH,), dtype=jnp.float32)
    W1 = jax.random.normal(k[2], (IN_CH, HID_CH), dtype=jnp.float32) * (1.0 / np.sqrt(IN_CH))
    b1 = jnp.zeros((HID_CH,), dtype=jnp.float32)
    W2 = jax.random.normal(k[3], (HID_CH, OUT_CH), dtype=jnp.float32) * (1.0 / np.sqrt(HID_CH))
    b2 = jnp.zeros((OUT_CH,), dtype=jnp.float32)
    return {"x": x, "edge_index": edge_index, "bn_gamma": bn_gamma, "bn_beta": bn_beta,
            "W1": W1, "b1": b1, "W2": W2, "b2": b2}


def _batch_norm(x, gamma, beta, eps=1e-5):
    mean = jnp.mean(x, axis=0, keepdims=True)
    var = jnp.var(x, axis=0, keepdims=True)
    return (x - mean) * jax.lax.rsqrt(var + eps) * gamma + beta


def _gcn_conv(x, W, b, src, dst, num_nodes):
    # add self-loops
    loop = jnp.arange(num_nodes, dtype=src.dtype)
    src_a = jnp.concatenate([src, loop])
    dst_a = jnp.concatenate([dst, loop])
    # symmetric normalization: deg computed on dst (col) with unit edge weights
    deg = jnp.zeros((num_nodes,), dtype=x.dtype).at[dst_a].add(1.0)
    deg_inv_sqrt = jnp.where(deg > 0, jax.lax.rsqrt(jnp.where(deg > 0, deg, 1.0)), 0.0)
    norm = deg_inv_sqrt[src_a] * deg_inv_sqrt[dst_a]
    h = x @ W
    msg = h[src_a] * norm[:, None]
    out = jnp.zeros((num_nodes, h.shape[1]), dtype=h.dtype).at[dst_a].add(msg)
    return out + b


def reference(x, edge_index, bn_gamma, bn_beta, W1, b1, W2, b2):
    src, dst = edge_index[0], edge_index[1]
    h = _batch_norm(x, bn_gamma, bn_beta)
    h = _gcn_conv(h, W1, b1, src, dst, N_NODES)
    h = jnp.where(h >= 0, h, 0.1 * h)  # LeakyReLU(negative_slope=0.1)
    h = _gcn_conv(h, W2, b2, src, dst, N_NODES)
    # global_mean_pool with batch=None -> mean over all nodes, shape [1, out]
    out = jnp.mean(h, axis=0, keepdims=True)
    return out

if __name__ == "__main__":
    import jax
    _d = setup_inputs()
    print(jax.jit(kernel)(*tuple(_d.values())))

</pallas_src>

<mosaic_0001>
#map = affine_map<(d0, d1) -> (0, 0, 0)>
#map1 = affine_map<(d0, d1) -> (0, 0)>
module attributes {stable_mosaic.version = 14 : i64} {
  func.func @_deg_body(%arg0: i32, %arg1: i32, %arg2: memref<16x256x80xi32, #tpu.memory_space<hbm>>, %arg3: memref<2x10240xf32, #tpu.memory_space<hbm>>, %arg4: memref<10240xf32, #tpu.memory_space<vmem_shared>>, %arg5: memref<176x80xi32, #tpu.memory_space<vmem>>, %arg6: memref<80xf32, #tpu.memory_space<vmem>>, %arg7: memref<!tpu.dma_semaphore, #tpu.memory_space<semaphore_mem>>) attributes {dimension_semantics = [#tpu.dimension_semantics<core_parallel>, #tpu.dimension_semantics<subcore_parallel>], iteration_bounds = array<i64: 2, 16>, scalar_prefetch = 0 : i64, scratch_operands = 4 : i64, tpu.core_type = #tpu.core_type<sc_vector_subcore>, window_params = [{transform_indices = #map}, {transform_indices = #map1}]} {
    %broadcast_in_dim3A = arith.constant 0.000000e+00 : f32
    %broadcast_in_dim3A_0 = vector.broadcast %broadcast_in_dim3A : f32 to vector<16xf32>
    %swap3A = arith.constant 0 : index
    %swap3A_1 = tpu.vector_load %arg6[%swap3A] {strides = array<i32>} : memref<80xf32, #tpu.memory_space<vmem>>, vector<16xf32>,
    %swap3A_2 = vector.shape_cast %swap3A_1 : vector<16xf32> to vector<16xf32>
    %swap3A_3 = vector.shape_cast %broadcast_in_dim3A_0 : vector<16xf32> to vector<16xf32>
    tpu.vector_store %arg6[%swap3A], %swap3A_3 {strides = array<i32>} : memref<80xf32, #tpu.memory_space<vmem>>, vector<16xf32>,
    %swap3A_4 = arith.constant 16 : index
    %swap3A_5 = tpu.vector_load %arg6[%swap3A_4] {strides = array<i32>} : memref<80xf32, #tpu.memory_space<vmem>>, vector<16xf32>,
    %swap3A_6 = vector.shape_cast %swap3A_5 : vector<16xf32> to vector<16xf32>
    %swap3A_7 = vector.shape_cast %broadcast_in_dim3A_0 : vector<16xf32> to vector<16xf32>
    tpu.vector_store %arg6[%swap3A_4], %swap3A_7 {strides = array<i32>} : memref<80xf32, #tpu.memory_space<vmem>>, vector<16xf32>,
    %swap3A_8 = arith.constant 32 : index
    %swap3A_9 = tpu.vector_load %arg6[%swap3A_8] {strides = array<i32>} : memref<80xf32, #tpu.memory_space<vmem>>, vector<16xf32>,
    %swap3A_10 = vector.shape_cast %swap3A_9 : vector<16xf32> to vector<16xf32>
    %swap3A_11 = vector.shape_cast %broadcast_in_dim3A_0 : vector<16xf32> to vector<16xf32>
    tpu.vector_store %arg6[%swap3A_8], %swap3A_11 {strides = array<i32>} : memref<80xf32, #tpu.memory_space<vmem>>, vector<16xf32>,
    %swap3A_12 = arith.constant 48 : index
    %swap3A_13 = tpu.vector_load %arg6[%swap3A_12] {strides = array<i32>} : memref<80xf32, #tpu.memory_space<vmem>>, vector<16xf32>,
    %swap3A_14 = vector.shape_cast %swap3A_13 : vector<16xf32> to vector<16xf32>
    %swap3A_15 = vector.shape_cast %broadcast_in_dim3A_0 : vector<16xf32> to vector<16xf32>
    tpu.vector_store %arg6[%swap3A_12], %swap3A_15 {strides = array<i32>} : memref<80xf32, #tpu.memory_space<vmem>>, vector<16xf32>,
    %swap3A_16 = arith.constant 64 : index
    %swap3A_17 = tpu.vector_load %arg6[%swap3A_16] {strides = array<i32>} : memref<80xf32, #tpu.memory_space<vmem>>, vector<16xf32>,
    %swap3A_18 = vector.shape_cast %swap3A_17 : vector<16xf32> to vector<16xf32>
    %swap3A_19 = vector.shape_cast %broadcast_in_dim3A_0 : vector<16xf32> to vector<16xf32>
    tpu.vector_store %arg6[%swap3A_16], %swap3A_19 {strides = array<i32>} : memref<80xf32, #tpu.memory_space<vmem>>, vector<16xf32>,
    %mul3A = arith.constant 640 : i32
    %mul3A_20 = arith.muli %arg1, %mul3A : i32
    %add3A = arith.constant 0 : i32
    %add3A_21 = arith.addi %mul3A_20, %add3A : i32
    "tpu.region"() ({
      %run_scoped3A = tpu.sem_alloc : memref<!tpu.dma_semaphore, #tpu.memory_space<semaphore_mem>>
      %dma_start3A = tpu.memref_slice %arg4[%add3A_21] : memref<10240xf32, #tpu.memory_space<vmem_shared>> -> memref<80xf32, #tpu.memory_space<vmem_shared>>
      %dma_start3A_84 = tpu.memref_slice %arg4[%add3A_21] : memref<10240xf32, #tpu.memory_space<vmem_shared>> -> memref<80xf32, #tpu.memory_space<vmem_shared>>
      tpu.enqueue_dma source(%arg6 : memref<80xf32, #tpu.memory_space<vmem>>) target(%dma_start3A_84 : memref<80xf32, #tpu.memory_space<vmem_shared>>) target_semaphore(%run_scoped3A : memref<!tpu.dma_semaphore, #tpu.memory_space<semaphore_mem>>)
      %dma_wait3A = tpu.memref_slice %arg4[%add3A_21] : memref<10240xf32, #tpu.memory_space<vmem_shared>> -> memref<80xf32, #tpu.memory_space<vmem_shared>>
      %dma_wait3A_85 = tpu.memref_slice %arg4[%add3A_21] : memref<10240xf32, #tpu.memory_space<vmem_shared>> -> memref<80xf32, #tpu.memory_space<vmem_shared>>
      tpu.wait_dma2 semaphore(%run_scoped3A : memref<!tpu.dma_semaphore, #tpu.memory_space<semaphore_mem>>) src(%arg6 : memref<80xf32, #tpu.memory_space<vmem>>) dst(%dma_wait3A_85 : memref<80xf32, #tpu.memory_space<vmem_shared>>)
      tpu.yield
    }) : () -> ()
    %mul3A_22 = arith.constant 640 : i32
    %mul3A_23 = arith.muli %arg1, %mul3A_22 : i32
    %add3A_24 = arith.constant 80 : i32
    %add3A_25 = arith.addi %mul3A_23, %add3A_24 : i32
    "tpu.region"() ({
      %run_scoped3A = tpu.sem_alloc : memref<!tpu.dma_semaphore, #tpu.memory_space<semaphore_mem>>
      %dma_start3A = tpu.memref_slice %arg4[%add3A_25] : memref<10240xf32, #tpu.memory_space<vmem_shared>> -> memref<80xf32, #tpu.memory_space<vmem_shared>>
      %dma_start3A_84 = tpu.memref_slice %arg4[%add3A_25] : memref<10240xf32, #tpu.memory_space<vmem_shared>> -> memref<80xf32, #tpu.memory_space<vmem_shared>>
      tpu.enqueue_dma source(%arg6 : memref<80xf32, #tpu.memory_space<vmem>>) target(%dma_start3A_84 : memref<80xf32, #tpu.memory_space<vmem_shared>>) target_semaphore(%run_scoped3A : memref<!tpu.dma_semaphore, #tpu.memory_space<semaphore_mem>>)
      %dma_wait3A = tpu.memref_slice %arg4[%add3A_25] : memref<10240xf32, #tpu.memory_space<vmem_shared>> -> memref<80xf32, #tpu.memory_space<vmem_shared>>
      %dma_wait3A_85 = tpu.memref_slice %arg4[%add3A_25] : memref<10240xf32, #tpu.memory_space<vmem_shared>> -> memref<80xf32, #tpu.memory_space<vmem_shared>>
      tpu.wait_dma2 semaphore(%run_scoped3A : memref<!tpu.dma_semaphore, #tpu.memory_space<semaphore_mem>>) src(%arg6 : memref<80xf32, #tpu.memory_space<vmem>>) dst(%dma_wait3A_85 : memref<80xf32, #tpu.memory_space<vmem_shared>>)
      tpu.yield
    }) : () -> ()
    %mul3A_26 = arith.constant 640 : i32
    %mul3A_27 = arith.muli %arg1, %mul3A_26 : i32
    %add3A_28 = arith.constant 160 : i32
    %add3A_29 = arith.addi %mul3A_27, %add3A_28 : i32
    "tpu.region"() ({
      %run_scoped3A = tpu.sem_alloc : memref<!tpu.dma_semaphore, #tpu.memory_space<semaphore_mem>>
      %dma_start3A = tpu.memref_slice %arg4[%add3A_29] : memref<10240xf32, #tpu.memory_space<vmem_shared>> -> memref<80xf32, #tpu.memory_space<vmem_shared>>
      %dma_start3A_84 = tpu.memref_slice %arg4[%add3A_29] : memref<10240xf32, #tpu.memory_space<vmem_shared>> -> memref<80xf32, #tpu.memory_space<vmem_shared>>
      tpu.enqueue_dma source(%arg6 : memref<80xf32, #tpu.memory_space<vmem>>) target(%dma_start3A_84 : memref<80xf32, #tpu.memory_space<vmem_shared>>) target_semaphore(%run_scoped3A : memref<!tpu.dma_semaphore, #tpu.memory_space<semaphore_mem>>)
      %dma_wait3A = tpu.memref_slice %arg4[%add3A_29] : memref<10240xf32, #tpu.memory_space<vmem_shared>> -> memref<80xf32, #tpu.memory_space<vmem_shared>>
      %dma_wait3A_85 = tpu.memref_slice %arg4[%add3A_29] : memref<10240xf32, #tpu.memory_space<vmem_shared>> -> memref<80xf32, #tpu.memory_space<vmem_shared>>
      tpu.wait_dma2 semaphore(%run_scoped3A : memref<!tpu.dma_semaphore, #tpu.memory_space<semaphore_mem>>) src(%arg6 : memref<80xf32, #tpu.memory_space<vmem>>) dst(%dma_wait3A_85 : memref<80xf32, #tpu.memory_space<vmem_shared>>)
      tpu.yield
    }) : () -> ()
    %mul3A_30 = arith.constant 640 : i32
    %mul3A_31 = arith.muli %arg1, %mul3A_30 : i32
    %add3A_32 = arith.constant 240 : i32
    %add3A_33 = arith.addi %mul3A_31, %add3A_32 : i32
    "tpu.region"() ({
      %run_scoped3A = tpu.sem_alloc : memref<!tpu.dma_semaphore, #tpu.memory_space<semaphore_mem>>
      %dma_start3A = tpu.memref_slice %arg4[%add3A_33] : memref<10240xf32, #tpu.memory_space<vmem_shared>> -> memref<80xf32, #tpu.memory_space<vmem_shared>>
      %dma_start3A_84 = tpu.memref_slice %arg4[%add3A_33] : memref<10240xf32, #tpu.memory_space<vmem_shared>> -> memref<80xf32, #tpu.memory_space<vmem_shared>>
      tpu.enqueue_dma source(%arg6 : memref<80xf32, #tpu.memory_space<vmem>>) target(%dma_start3A_84 : memref<80xf32, #tpu.memory_space<vmem_shared>>) target_semaphore(%run_scoped3A : memref<!tpu.dma_semaphore, #tpu.memory_space<semaphore_mem>>)
      %dma_wait3A = tpu.memref_slice %arg4[%add3A_33] : memref<10240xf32, #tpu.memory_space<vmem_shared>> -> memref<80xf32, #tpu.memory_space<vmem_shared>>
      %dma_wait3A_85 = tpu.memref_slice %arg4[%add3A_33] : memref<10240xf32, #tpu.memory_space<vmem_shared>> -> memref<80xf32, #tpu.memory_space<vmem_shared>>
      tpu.wait_dma2 semaphore(%run_scoped3A : memref<!tpu.dma_semaphore, #tpu.memory_space<semaphore_mem>>) src(%arg6 : memref<80xf32, #tpu.memory_space<vmem>>) dst(%dma_wait3A_85 : memref<80xf32, #tpu.memory_space<vmem_shared>>)
      tpu.yield
    }) : () -> ()
    %mul3A_34 = arith.constant 640 : i32
    %mul3A_35 = arith.muli %arg1, %mul3A_34 : i32
    %add3A_36 = arith.constant 320 : i32
    %add3A_37 = arith.addi %mul3A_35, %add3A_36 : i32
    "tpu.region"() ({
      %run_scoped3A = tpu.sem_alloc : memref<!tpu.dma_semaphore, #tpu.memory_space<semaphore_mem>>
      %dma_start3A = tpu.memref_slice %arg4[%add3A_37] : memref<10240xf32, #tpu.memory_space<vmem_shared>> -> memref<80xf32, #tpu.memory_space<vmem_shared>>
      %dma_start3A_84 = tpu.memref_slice %arg4[%add3A_37] : memref<10240xf32, #tpu.memory_space<vmem_shared>> -> memref<80xf32, #tpu.memory_space<vmem_shared>>
      tpu.enqueue_dma source(%arg6 : memref<80xf32, #tpu.memory_space<vmem>>) target(%dma_start3A_84 : memref<80xf32, #tpu.memory_space<vmem_shared>>) target_semaphore(%run_scoped3A : memref<!tpu.dma_semaphore, #tpu.memory_space<semaphore_mem>>)
      %dma_wait3A = tpu.memref_slice %arg4[%add3A_37] : memref<10240xf32, #tpu.memory_space<vmem_shared>> -> memref<80xf32, #tpu.memory_space<vmem_shared>>
      %dma_wait3A_85 = tpu.memref_slice %arg4[%add3A_37] : memref<10240xf32, #tpu.memory_space<vmem_shared>> -> memref<80xf32, #tpu.memory_space<vmem_shared>>
      tpu.wait_dma2 semaphore(%run_scoped3A : memref<!tpu.dma_semaphore, #tpu.memory_space<semaphore_mem>>) src(%arg6 : memref<80xf32, #tpu.memory_space<vmem>>) dst(%dma_wait3A_85 : memref<80xf32, #tpu.memory_space<vmem_shared>>)
      tpu.yield
    }) : () -> ()
    %mul3A_38 = arith.constant 640 : i32
    %mul3A_39 = arith.muli %arg1, %mul3A_38 : i32
    %add3A_40 = arith.constant 400 : i32
    %add3A_41 = arith.addi %mul3A_39, %add3A_40 : i32
    "tpu.region"() ({
      %run_scoped3A = tpu.sem_alloc : memref<!tpu.dma_semaphore, #tpu.memory_space<semaphore_mem>>
      %dma_start3A = tpu.memref_slice %arg4[%add3A_41] : memref<10240xf32, #tpu.memory_space<vmem_shared>> -> memref<80xf32, #tpu.memory_space<vmem_shared>>
      %dma_start3A_84 = tpu.memref_slice %arg4[%add3A_41] : memref<10240xf32, #tpu.memory_space<vmem_shared>> -> memref<80xf32, #tpu.memory_space<vmem_shared>>
      tpu.enqueue_dma source(%arg6 : memref<80xf32, #tpu.memory_space<vmem>>) target(%dma_start3A_84 : memref<80xf32, #tpu.memory_space<vmem_shared>>) target_semaphore(%run_scoped3A : memref<!tpu.dma_semaphore, #tpu.memory_space<semaphore_mem>>)
      %dma_wait3A = tpu.memref_slice %arg4[%add3A_41] : memref<10240xf32, #tpu.memory_space<vmem_shared>> -> memref<80xf32, #tpu.memory_space<vmem_shared>>
      %dma_wait3A_85 = tpu.memref_slice %arg4[%add3A_41] : memref<10240xf32, #tpu.memory_space<vmem_shared>> -> memref<80xf32, #tpu.memory_space<vmem_shared>>
      tpu.wait_dma2 semaphore(%run_scoped3A : memref<!tpu.dma_semaphore, #tpu.memory_space<semaphore_mem>>) src(%arg6 : memref<80xf32, #tpu.memory_space<vmem>>) dst(%dma_wait3A_85 : memref<80xf32, #tpu.memory_space<vmem_shared>>)
      tpu.yield
    }) : () -> ()
    %mul3A_42 = arith.constant 640 : i32
    %mul3A_43 = arith.muli %arg1, %mul3A_42 : i32
    %add3A_44 = arith.constant 480 : i32
    %add3A_45 = arith.addi %mul3A_43, %add3A_44 : i32
    "tpu.region"() ({
      %run_scoped3A = tpu.sem_alloc : memref<!tpu.dma_semaphore, #tpu.memory_space<semaphore_mem>>
      %dma_start3A = tpu.memref_slice %arg4[%add3A_45] : memref<10240xf32, #tpu.memory_space<vmem_shared>> -> memref<80xf32, #tpu.memory_space<vmem_shared>>
      %dma_start3A_84 = tpu.memref_slice %arg4[%add3A_45] : memref<10240xf32, #tpu.memory_space<vmem_shared>> -> memref<80xf32, #tpu.memory_space<vmem_shared>>
      tpu.enqueue_dma source(%arg6 : memref<80xf32, #tpu.memory_space<vmem>>) target(%dma_start3A_84 : memref<80xf32, #tpu.memory_space<vmem_shared>>) target_semaphore(%run_scoped3A : memref<!tpu.dma_semaphore, #tpu.memory_space<semaphore_mem>>)
      %dma_wait3A = tpu.memref_slice %arg4[%add3A_45] : memref<10240xf32, #tpu.memory_space<vmem_shared>> -> memref<80xf32, #tpu.memory_space<vmem_shared>>
      %dma_wait3A_85 = tpu.memref_slice %arg4[%add3A_45] : memref<10240xf32, #tpu.memory_space<vmem_shared>> -> memref<80xf32, #tpu.memory_space<vmem_shared>>
      tpu.wait_dma2 semaphore(%run_scoped3A : memref<!tpu.dma_semaphore, #tpu.memory_space<semaphore_mem>>) src(%arg6 : memref<80xf32, #tpu.memory_space<vmem>>) dst(%dma_wait3A_85 : memref<80xf32, #tpu.memory_space<vmem_shared>>)
      tpu.yield
    }) : () -> ()
    %mul3A_46 = arith.constant 640 : i32
    %mul3A_47 = arith.muli %arg1, %mul3A_46 : i32
    %add3A_48 = arith.constant 560 : i32
    %add3A_49 = arith.addi %mul3A_47, %add3A_48 : i32
    "tpu.region"() ({
      %run_scoped3A = tpu.sem_alloc : memref<!tpu.dma_semaphore, #tpu.memory_space<semaphore_mem>>
      %dma_start3A = tpu.memref_slice %arg4[%add3A_49] : memref<10240xf32, #tpu.memory_space<vmem_shared>> -> memref<80xf32, #tpu.memory_space<vmem_shared>>
      %dma_start3A_84 = tpu.memref_slice %arg4[%add3A_49] : memref<10240xf32, #tpu.memory_space<vmem_shared>> -> memref<80xf32, #tpu.memory_space<vmem_shared>>
      tpu.enqueue_dma source(%arg6 : memref<80xf32, #tpu.memory_space<vmem>>) target(%dma_start3A_84 : memref<80xf32, #tpu.memory_space<vmem_shared>>) target_semaphore(%run_scoped3A : memref<!tpu.dma_semaphore, #tpu.memory_space<semaphore_mem>>)
      %dma_wait3A = tpu.memref_slice %arg4[%add3A_49] : memref<10240xf32, #tpu.memory_space<vmem_shared>> -> memref<80xf32, #tpu.memory_space<vmem_shared>>
      %dma_wait3A_85 = tpu.memref_slice %arg4[%add3A_49] : memref<10240xf32, #tpu.memory_space<vmem_shared>> -> memref<80xf32, #tpu.memory_space<vmem_shared>>
      tpu.wait_dma2 semaphore(%run_scoped3A : memref<!tpu.dma_semaphore, #tpu.memory_space<semaphore_mem>>) src(%arg6 : memref<80xf32, #tpu.memory_space<vmem>>) dst(%dma_wait3A_85 : memref<80xf32, #tpu.memory_space<vmem_shared>>)
      tpu.yield
    }) : () -> ()
    %broadcast_in_dim3A_50 = arith.constant 1.000000e+00 : f32
    %broadcast_in_dim3A_51 = vector.broadcast %broadcast_in_dim3A_50 : f32 to vector<16xf32>
    %swap3A_52 = arith.constant 0 : index
    %swap3A_53 = tpu.vector_load %arg6[%swap3A_52] {strides = array<i32>} : memref<80xf32, #tpu.memory_space<vmem>>, vector<16xf32>,
    %swap3A_54 = vector.shape_cast %swap3A_53 : vector<16xf32> to vector<16xf32>
    %swap3A_55 = vector.shape_cast %broadcast_in_dim3A_51 : vector<16xf32> to vector<16xf32>
    tpu.vector_store %arg6[%swap3A_52], %swap3A_55 {strides = array<i32>} : memref<80xf32, #tpu.memory_space<vmem>>, vector<16xf32>,
    %swap3A_56 = arith.constant 16 : index
    %swap3A_57 = tpu.vector_load %arg6[%swap3A_56] {strides = array<i32>} : memref<80xf32, #tpu.memory_space<vmem>>, vector<16xf32>,
    %swap3A_58 = vector.shape_cast %swap3A_57 : vector<16xf32> to vector<16xf32>
    %swap3A_59 = vector.shape_cast %broadcast_in_dim3A_51 : vector<16xf32> to vector<16xf32>
    tpu.vector_store %arg6[%swap3A_56], %swap3A_59 {strides = array<i32>} : memref<80xf32, #tpu.memory_space<vmem>>, vector<16xf32>,
    %swap3A_60 = arith.constant 32 : index
    %swap3A_61 = tpu.vector_load %arg6[%swap3A_60] {strides = array<i32>} : memref<80xf32, #tpu.memory_space<vmem>>, vector<16xf32>,
    %swap3A_62 = vector.shape_cast %swap3A_61 : vector<16xf32> to vector<16xf32>
    %swap3A_63 = vector.shape_cast %broadcast_in_dim3A_51 : vector<16xf32> to vector<16xf32>
    tpu.vector_store %arg6[%swap3A_60], %swap3A_63 {strides = array<i32>} : memref<80xf32, #tpu.memory_space<vmem>>, vector<16xf32>,
    %swap3A_64 = arith.constant 48 : index
    %swap3A_65 = tpu.vector_load %arg6[%swap3A_64] {strides = array<i32>} : memref<80xf32, #tpu.memory_space<vmem>>, vector<16xf32>,
    %swap3A_66 = vector.shape_cast %swap3A_65 : vector<16xf32> to vector<16xf32>
    %swap3A_67 = vector.shape_cast %broadcast_in_dim3A_51 : vector<16xf32> to vector<16xf32>
    tpu.vector_store %arg6[%swap3A_64], %swap3A_67 {strides = array<i32>} : memref<80xf32, #tpu.memory_space<vmem>>, vector<16xf32>,
    %swap3A_68 = arith.constant 64 : index
    %swap3A_69 = tpu.vector_load %arg6[%swap3A_68] {strides = array<i32>} : memref<80xf32, #tpu.memory_space<vmem>>, vector<16xf32>,
    %swap3A_70 = vector.shape_cast %swap3A_69 : vector<16xf32> to vector<16xf32>
    %swap3A_71 = vector.shape_cast %broadcast_in_dim3A_51 : vector<16xf32> to vector<16xf32>
    tpu.vector_store %arg6[%swap3A_68], %swap3A_71 {strides = array<i32>} : memref<80xf32, #tpu.memory_space<vmem>>, vector<16xf32>,
    %barrier3A = arith.constant 0 : index
    tpu.barrier barrier_id(%barrier3A)
    %eq3A = arith.constant 0 : i32
    %eq3A_72 = arith.cmpi eq, %arg0, %eq3A : i32
    %convert_element_type3A = arith.extui %eq3A_72 : i1 to i32
    %cond3A = arith.constant 0 : i32
    %cond3A_73 = arith.cmpi ne, %convert_element_type3A, %cond3A : i32
    scf.if %cond3A_73 {
      "tpu.region"() ({
        %run_scoped3A = tpu.sem_alloc : memref<!tpu.dma_semaphore, #tpu.memory_space<semaphore_mem>>
        %dma_start3A = arith.constant 0 : i32
        %dma_start3A_93 = arith.constant 0 : i32
        %dma_start3A_94 = tpu.memref_slice %arg5[%dma_start3A, %dma_start3A_93] : memref<176x80xi32, #tpu.memory_space<vmem>> -> memref<176x80xi32, #tpu.memory_space<vmem>>
        %dma_start3A_95 = arith.constant 0 : i32
        %dma_start3A_96 = arith.constant 0 : i32
        %dma_start3A_97 = tpu.memref_slice %arg2[%arg1, %dma_start3A_95, %dma_start3A_96] : memref<16x256x80xi32, #tpu.memory_space<hbm>> -> memref<1x176x80xi32, #tpu.memory_space<hbm>>
        %dma_start3A_98 = tpu.memref_squeeze %dma_start3A_97 : memref<1x176x80xi32, #tpu.memory_space<hbm>> -> memref<176x80xi32, #tpu.memory_space<hbm>>
        %dma_start3A_99 = arith.constant 0 : i32
        %dma_start3A_100 = arith.constant 0 : i32
        %dma_start3A_101 = tpu.memref_slice %arg5[%dma_start3A_99, %dma_start3A_100] : memref<176x80xi32, #tpu.memory_space<vmem>> -> memref<176x80xi32, #tpu.memory_space<vmem>>
        %dma_start3A_102 = arith.constant 0 : i32
        %dma_start3A_103 = arith.constant 0 : i32
        %dma_start3A_104 = tpu.memref_slice %arg2[%arg1, %dma_start3A_102, %dma_start3A_103] : memref<16x256x80xi32, #tpu.memory_space<hbm>> -> memref<1x176x80xi32, #tpu.memory_space<hbm>>
        %dma_start3A_105 = tpu.memref_squeeze %dma_start3A_104 : memref<1x176x80xi32, #tpu.memory_space<hbm>> -> memref<176x80xi32, #tpu.memory_space<hbm>>
        tpu.enqueue_dma source(%dma_start3A_105 : memref<176x80xi32, #tpu.memory_space<hbm>>) target(%dma_start3A_101 : memref<176x80xi32, #tpu.memory_space<vmem>>) target_semaphore(%run_scoped3A : memref<!tpu.dma_semaphore, #tpu.memory_space<semaphore_mem>>)
        %dma_wait3A = arith.constant 0 : i32
        %dma_wait3A_106 = arith.constant 0 : i32
        %dma_wait3A_107 = tpu.memref_slice %arg5[%dma_wait3A, %dma_wait3A_106] : memref<176x80xi32, #tpu.memory_space<vmem>> -> memref<176x80xi32, #tpu.memory_space<vmem>>
        %dma_wait3A_108 = arith.constant 0 : i32
        %dma_wait3A_109 = arith.constant 0 : i32
        %dma_wait3A_110 = tpu.memref_slice %arg2[%arg1, %dma_wait3A_108, %dma_wait3A_109] : memref<16x256x80xi32, #tpu.memory_space<hbm>> -> memref<1x176x80xi32, #tpu.memory_space<hbm>>
        %dma_wait3A_111 = tpu.memref_squeeze %dma_wait3A_110 : memref<1x176x80xi32, #tpu.memory_space<hbm>> -> memref<176x80xi32, #tpu.memory_space<hbm>>
        %dma_wait3A_112 = arith.constant 0 : i32
        %dma_wait3A_113 = arith.constant 0 : i32
        %dma_wait3A_114 = tpu.memref_slice %arg5[%dma_wait3A_112, %dma_wait3A_113] : memref<176x80xi32, #tpu.memory_space<vmem>> -> memref<176x80xi32, #tpu.memory_space<vmem>>
        %dma_wait3A_115 = arith.constant 0 : i32
        %dma_wait3A_116 = arith.constant 0 : i32
        %dma_wait3A_117 = tpu.memref_slice %arg2[%arg1, %dma_wait3A_115, %dma_wait3A_116] : memref<16x256x80xi32, #tpu.memory_space<hbm>> -> memref<1x176x80xi32, #tpu.memory_space<hbm>>
        %dma_wait3A_118 = tpu.memref_squeeze %dma_wait3A_117 : memref<1x176x80xi32, #tpu.memory_space<hbm>> -> memref<176x80xi32, #tpu.memory_space<hbm>>
        tpu.wait_dma2 semaphore(%run_scoped3A : memref<!tpu.dma_semaphore, #tpu.memory_space<semaphore_mem>>) src(%dma_wait3A_118 : memref<176x80xi32, #tpu.memory_space<hbm>>) dst(%dma_wait3A_114 : memref<176x80xi32, #tpu.memory_space<vmem>>)
        tpu.yield
      }) : () -> ()
      %scan3A = arith.constant 0 : i32
      %scan3A_84 = arith.constant 176 : i32
      %scan3A_85 = arith.addi %scan3A, %scan3A_84 : i32
      %scan3A_86 = arith.constant 1 : i32
      scf.for %scan3A_93 = %scan3A to %scan3A_85 step %scan3A_86  : i32 {
        %dma_start3A = arith.constant 0 : i32
        %dma_start3A_94 = tpu.memref_slice %arg5[%scan3A_93, %dma_start3A] : memref<176x80xi32, #tpu.memory_space<vmem>> -> memref<1x80xi32, #tpu.memory_space<vmem>>
        %dma_start3A_95 = tpu.memref_squeeze %dma_start3A_94 : memref<1x80xi32, #tpu.memory_space<vmem>> -> memref<80xi32, #tpu.memory_space<vmem>>
        %dma_start3A_96 = arith.constant 0 : i32
        %dma_start3A_97 = tpu.memref_slice %arg4[%dma_start3A_96] : memref<10240xf32, #tpu.memory_space<vmem_shared>> -> memref<10240xf32, #tpu.memory_space<vmem_shared>>
        tpu.enqueue_indirect_dma source(%arg6 : memref<80xf32, #tpu.memory_space<vmem>>) target(%dma_start3A_97 : memref<10240xf32, #tpu.memory_space<vmem_shared>>) offsets(%dma_start3A_95 : memref<80xi32, #tpu.memory_space<vmem>>) semaphore(%arg7 : memref<!tpu.dma_semaphore, #tpu.memory_space<semaphore_mem>>) {add = true}
      }
      %scan3A_87 = arith.constant 176 : i32
      %scan3A_88 = arith.constant 0 : i32
      %scan3A_89 = arith.constant 176 : i32
      %scan3A_90 = arith.addi %scan3A_88, %scan3A_89 : i32
      %scan3A_91 = arith.constant 1 : i32
      scf.for %scan3A_93 = %scan3A_88 to %scan3A_90 step %scan3A_91  : i32 {
        %dma_wait3A = arith.constant 0 : i32
        %dma_wait3A_94 = tpu.memref_slice %arg5[%scan3A_93, %dma_wait3A] : memref<176x80xi32, #tpu.memory_space<vmem>> -> memref<1x80xi32, #tpu.memory_space<vmem>>
        %dma_wait3A_95 = tpu.memref_squeeze %dma_wait3A_94 : memref<1x80xi32, #tpu.memory_space<vmem>> -> memref<80xi32, #tpu.memory_space<vmem>>
        %dma_wait3A_96 = arith.constant 0 : i32
        %dma_wait3A_97 = tpu.memref_slice %arg4[%dma_wait3A_96] : memref<10240xf32, #tpu.memory_space<vmem_shared>> -> memref<10240xf32, #tpu.memory_space<vmem_shared>>
        tpu.wait_indirect_dma semaphore(%arg7 : memref<!tpu.dma_semaphore, #tpu.memory_space<semaphore_mem>>) src(%arg6 : memref<80xf32, #tpu.memory_space<vmem>>) dst(%dma_wait3A_97 : memref<10240xf32, #tpu.memory_space<vmem_shared>>)
      }
      %scan3A_92 = arith.constant 176 : i32
    } else {
    }
    %eq3A_74 = arith.constant 1 : i32
    %eq3A_75 = arith.cmpi eq, %arg0, %eq3A_74 : i32
    %convert_element_type3A_76 = arith.extui %eq3A_75 : i1 to i32
    %cond3A_77 = arith.constant 0 : i32
    %cond3A_78 = arith.cmpi ne, %convert_element_type3A_76, %cond3A_77 : i32
    scf.if %cond3A_78 {
      "tpu.region"() ({
        %run_scoped3A = tpu.sem_alloc : memref<!tpu.dma_semaphore, #tpu.memory_space<semaphore_mem>>
        %dma_start3A = arith.constant 0 : i32
        %dma_start3A_93 = arith.constant 0 : i32
        %dma_start3A_94 = tpu.memref_slice %arg5[%dma_start3A, %dma_start3A_93] : memref<176x80xi32, #tpu.memory_space<vmem>> -> memref<80x80xi32, #tpu.memory_space<vmem>>
        %dma_start3A_95 = arith.constant 176 : i32
        %dma_start3A_96 = arith.constant 0 : i32
        %dma_start3A_97 = tpu.memref_slice %arg2[%arg1, %dma_start3A_95, %dma_start3A_96] : memref<16x256x80xi32, #tpu.memory_space<hbm>> -> memref<1x80x80xi32, #tpu.memory_space<hbm>>
        %dma_start3A_98 = tpu.memref_squeeze %dma_start3A_97 : memref<1x80x80xi32, #tpu.memory_space<hbm>> -> memref<80x80xi32, #tpu.memory_space<hbm>>
        %dma_start3A_99 = arith.constant 0 : i32
        %dma_start3A_100 = arith.constant 0 : i32
        %dma_start3A_101 = tpu.memref_slice %arg5[%dma_start3A_99, %dma_start3A_100] : memref<176x80xi32, #tpu.memory_space<vmem>> -> memref<80x80xi32, #tpu.memory_space<vmem>>
        %dma_start3A_102 = arith.constant 176 : i32
        %dma_start3A_103 = arith.constant 0 : i32
        %dma_start3A_104 = tpu.memref_slice %arg2[%arg1, %dma_start3A_102, %dma_start3A_103] : memref<16x256x80xi32, #tpu.memory_space<hbm>> -> memref<1x80x80xi32, #tpu.memory_space<hbm>>
        %dma_start3A_105 = tpu.memref_squeeze %dma_start3A_104 : memref<1x80x80xi32, #tpu.memory_space<hbm>> -> memref<80x80xi32, #tpu.memory_space<hbm>>
        tpu.enqueue_dma source(%dma_start3A_105 : memref<80x80xi32, #tpu.memory_space<hbm>>) target(%dma_start3A_101 : memref<80x80xi32, #tpu.memory_space<vmem>>) target_semaphore(%run_scoped3A : memref<!tpu.dma_semaphore, #tpu.memory_space<semaphore_mem>>)
        %dma_wait3A = arith.constant 0 : i32
        %dma_wait3A_106 = arith.constant 0 : i32
        %dma_wait3A_107 = tpu.memref_slice %arg5[%dma_wait3A, %dma_wait3A_106] : memref<176x80xi32, #tpu.memory_space<vmem>> -> memref<80x80xi32, #tpu.memory_space<vmem>>
        %dma_wait3A_108 = arith.constant 176 : i32
        %dma_wait3A_109 = arith.constant 0 : i32
        %dma_wait3A_110 = tpu.memref_slice %arg2[%arg1, %dma_wait3A_108, %dma_wait3A_109] : memref<16x256x80xi32, #tpu.memory_space<hbm>> -> memref<1x80x80xi32, #tpu.memory_space<hbm>>
        %dma_wait3A_111 = tpu.memref_squeeze %dma_wait3A_110 : memref<1x80x80xi32, #tpu.memory_space<hbm>> -> memref<80x80xi32, #tpu.memory_space<hbm>>
        %dma_wait3A_112 = arith.constant 0 : i32
        %dma_wait3A_113 = arith.constant 0 : i32
        %dma_wait3A_114 = tpu.memref_slice %arg5[%dma_wait3A_112, %dma_wait3A_113] : memref<176x80xi32, #tpu.memory_space<vmem>> -> memref<80x80xi32, #tpu.memory_space<vmem>>
        %dma_wait3A_115 = arith.constant 176 : i32
        %dma_wait3A_116 = arith.constant 0 : i32
        %dma_wait3A_117 = tpu.memref_slice %arg2[%arg1, %dma_wait3A_115, %dma_wait3A_116] : memref<16x256x80xi32, #tpu.memory_space<hbm>> -> memref<1x80x80xi32, #tpu.memory_space<hbm>>
        %dma_wait3A_118 = tpu.memref_squeeze %dma_wait3A_117 : memref<1x80x80xi32, #tpu.memory_space<hbm>> -> memref<80x80xi32, #tpu.memory_space<hbm>>
        tpu.wait_dma2 semaphore(%run_scoped3A : memref<!tpu.dma_semaphore, #tpu.memory_space<semaphore_mem>>) src(%dma_wait3A_118 : memref<80x80xi32, #tpu.memory_space<hbm>>) dst(%dma_wait3A_114 : memref<80x80xi32, #tpu.memory_space<vmem>>)
        tpu.yield
      }) : () -> ()
      %scan3A = arith.constant 0 : i32
      %scan3A_84 = arith.constant 80 : i32
      %scan3A_85 = arith.addi %scan3A, %scan3A_84 : i32
      %scan3A_86 = arith.constant 1 : i32
      scf.for %scan3A_93 = %scan3A to %scan3A_85 step %scan3A_86  : i32 {
        %dma_start3A = arith.constant 0 : i32
        %dma_start3A_94 = tpu.memref_slice %arg5[%scan3A_93, %dma_start3A] : memref<176x80xi32, #tpu.memory_space<vmem>> -> memref<1x80xi32, #tpu.memory_space<vmem>>
        %dma_start3A_95 = tpu.memref_squeeze %dma_start3A_94 : memref<1x80xi32, #tpu.memory_space<vmem>> -> memref<80xi32, #tpu.memory_space<vmem>>
        %dma_start3A_96 = arith.constant 0 : i32
        %dma_start3A_97 = tpu.memref_slice %arg4[%dma_start3A_96] : memref<10240xf32, #tpu.memory_space<vmem_shared>> -> memref<10240xf32, #tpu.memory_space<vmem_shared>>
        tpu.enqueue_indirect_dma source(%arg6 : memref<80xf32, #tpu.memory_space<vmem>>) target(%dma_start3A_97 : memref<10240xf32, #tpu.memory_space<vmem_shared>>) offsets(%dma_start3A_95 : memref<80xi32, #tpu.memory_space<vmem>>) semaphore(%arg7 : memref<!tpu.dma_semaphore, #tpu.memory_space<semaphore_mem>>) {add = true}
      }
      %scan3A_87 = arith.constant 80 : i32
      %scan3A_88 = arith.constant 0 : i32
      %scan3A_89 = arith.constant 80 : i32
      %scan3A_90 = arith.addi %scan3A_88, %scan3A_89 : i32
      %scan3A_91 = arith.constant 1 : i32
      scf.for %scan3A_93 = %scan3A_88 to %scan3A_90 step %scan3A_91  : i32 {
        %dma_wait3A = arith.constant 0 : i32
        %dma_wait3A_94 = tpu.memref_slice %arg5[%scan3A_93, %dma_wait3A] : memref<176x80xi32, #tpu.memory_space<vmem>> -> memref<1x80xi32, #tpu.memory_space<vmem>>
        %dma_wait3A_95 = tpu.memref_squeeze %dma_wait3A_94 : memref<1x80xi32, #tpu.memory_space<vmem>> -> memref<80xi32, #tpu.memory_space<vmem>>
        %dma_wait3A_96 = arith.constant 0 : i32
        %dma_wait3A_97 = tpu.memref_slice %arg4[%dma_wait3A_96] : memref<10240xf32, #tpu.memory_space<vmem_shared>> -> memref<10240xf32, #tpu.memory_space<vmem_shared>>
        tpu.wait_indirect_dma semaphore(%arg7 : memref<!tpu.dma_semaphore, #tpu.memory_space<semaphore_mem>>) src(%arg6 : memref<80xf32, #tpu.memory_space<vmem>>) dst(%dma_wait3A_97 : memref<10240xf32, #tpu.memory_space<vmem_shared>>)
      }
      %scan3A_92 = arith.constant 80 : i32
    } else {
    }
    %barrier3A_79 = arith.constant 0 : index
    tpu.barrier barrier_id(%barrier3A_79)
    %mul3A_80 = arith.constant 640 : i32
    %mul3A_81 = arith.muli %arg1, %mul3A_80 : i32
    %mul3A_82 = arith.constant 640 : i32
    %mul3A_83 = arith.muli %arg1, %mul3A_82 : i32
    "tpu.region"() ({
      %run_scoped3A = tpu.sem_alloc : memref<!tpu.dma_semaphore, #tpu.memory_space<semaphore_mem>>
      %dma_start3A = tpu.memref_slice %arg3[%arg0, %mul3A_83] : memref<2x10240xf32, #tpu.memory_space<hbm>> -> memref<1x640xf32, #tpu.memory_space<hbm>>
      %dma_start3A_84 = tpu.memref_squeeze %dma_start3A : memref<1x640xf32, #tpu.memory_space<hbm>> -> memref<640xf32, #tpu.memory_space<hbm>>
      %dma_start3A_85 = tpu.memref_slice %arg4[%mul3A_81] : memref<10240xf32, #tpu.memory_space<vmem_shared>> -> memref<640xf32, #tpu.memory_space<vmem_shared>>
      tpu.enqueue_dma source(%dma_start3A_85 : memref<640xf32, #tpu.memory_space<vmem_shared>>) target(%dma_start3A_84 : memref<640xf32, #tpu.memory_space<hbm>>) target_semaphore(%run_scoped3A : memref<!tpu.dma_semaphore, #tpu.memory_space<semaphore_mem>>)
      %dma_wait3A = tpu.memref_slice %arg3[%arg0, %mul3A_83] : memref<2x10240xf32, #tpu.memory_space<hbm>> -> memref<1x640xf32, #tpu.memory_space<hbm>>
      %dma_wait3A_86 = tpu.memref_squeeze %dma_wait3A : memref<1x640xf32, #tpu.memory_space<hbm>> -> memref<640xf32, #tpu.memory_space<hbm>>
      %dma_wait3A_87 = tpu.memref_slice %arg4[%mul3A_81] : memref<10240xf32, #tpu.memory_space<vmem_shared>> -> memref<640xf32, #tpu.memory_space<vmem_shared>>
      tpu.wait_dma2 semaphore(%run_scoped3A : memref<!tpu.dma_semaphore, #tpu.memory_space<semaphore_mem>>) src(%dma_wait3A_87 : memref<640xf32, #tpu.memory_space<vmem_shared>>) dst(%dma_wait3A_86 : memref<640xf32, #tpu.memory_space<hbm>>)
      tpu.yield
    }) : () -> ()
    return
  }
}

#map = affine_map<(d0, d1) -> (0, 0, 0)>
#map1 = affine_map<(d0, d1) -> (0, 0)>
#map2 = affine_map<(d0, d1) -> (0)>
module attributes {stable_mosaic.version = 14 : i64} {
  func.func @_edge_body(%arg0: i32, %arg1: i32, %arg2: memref<16x256x80xi32, #tpu.memory_space<hbm>>, %arg3: memref<16x256x80xi32, #tpu.memory_space<hbm>>, %arg4: memref<10240x128xf32, #tpu.memory_space<hbm>>, %arg5: memref<10240xf32, #tpu.memory_space<hbm>>, %arg6: memref<2x10240x128xf32, #tpu.memory_space<hbm>>, %arg7: memref<2x10240xf32, #tpu.memory_space<hbm>>, %arg8: memref<10240x128xf32, #tpu.memory_space<vmem_shared>>, %arg9: memref<10240xf32, #tpu.memory_space<vmem_shared>>, %arg10: memref<3x80xi32, #tpu.memory_space<vmem>>, %arg11: memref<3x80xi32, #tpu.memory_space<vmem>>, %arg12: memref<2x80x128xf32, #tpu.memory_space<vmem>>, %arg13: memref<2x80xf32, #tpu.memory_space<vmem>>, %arg14: memref<!tpu.dma_semaphore, #tpu.memory_space<semaphore_mem>>, %arg15: memref<!tpu.dma_semaphore, #tpu.memory_space<semaphore_mem>>, %arg16: memref<!tpu.dma_semaphore, #tpu.memory_space<semaphore_mem>>, %arg17: memref<!tpu.dma_semaphore, #tpu.memory_space<semaphore_mem>>, %arg18: memref<!tpu.dma_semaphore, #tpu.memory_space<semaphore_mem>>) attributes {dimension_semantics = [#tpu.dimension_semantics<core_parallel>, #tpu.dimension_semantics<subcore_parallel>], iteration_bounds = array<i64: 2, 16>, scalar_prefetch = 0 : i64, scratch_operands = 11 : i64, tpu.core_type = #tpu.core_type<sc_vector_subcore>, window_params = [{transform_indices = #map}, {transform_indices = #map}, {transform_indices = #map1}, {transform_indices = #map2}, {transform_indices = #map}, {transform_indices = #map1}]} {
    %broadcast_in_dim3A = arith.constant 0.000000e+00 : f32
    %broadcast_in_dim3A_0 = vector.broadcast %broadcast_in_dim3A : f32 to vector<16xf32>
    %scan3A = arith.constant 0 : i32
    %scan3A_1 = arith.constant 80 : i32
    %scan3A_2 = arith.addi %scan3A, %scan3A_1 : i32
    %scan3A_3 = arith.constant 1 : i32
    scf.for %scan3A_127 = %scan3A to %scan3A_2 step %scan3A_3  : i32 {
      %swap3A_128 = arith.constant 0 : i32
      %swap3A_129 = arith.index_cast %swap3A_128 : i32 to index
      %swap3A_130 = arith.index_cast %scan3A_127 : i32 to index
      %swap3A_131 = arith.constant 0 : index
      %swap3A_132 = tpu.vector_load %arg12[%swap3A_129, %swap3A_130, %swap3A_131] {strides = array<i32>} : memref<2x80x128xf32, #tpu.memory_space<vmem>>, vector<1x1x16xf32>,
      %swap3A_133 = vector.shape_cast %swap3A_132 : vector<1x1x16xf32> to vector<16xf32>
      %swap3A_134 = vector.shape_cast %broadcast_in_dim3A_0 : vector<16xf32> to vector<1x1x16xf32>
      tpu.vector_store %arg12[%swap3A_129, %swap3A_130, %swap3A_131], %swap3A_134 {strides = array<i32>} : memref<2x80x128xf32, #tpu.memory_space<vmem>>, vector<1x1x16xf32>,
      %swap3A_135 = arith.constant 0 : i32
      %swap3A_136 = arith.index_cast %swap3A_135 : i32 to index
      %swap3A_137 = arith.index_cast %scan3A_127 : i32 to index
      %swap3A_138 = arith.constant 16 : index
      %swap3A_139 = tpu.vector_load %arg12[%swap3A_136, %swap3A_137, %swap3A_138] {strides = array<i32>} : memref<2x80x128xf32, #tpu.memory_space<vmem>>, vector<1x1x16xf32>,
      %swap3A_140 = vector.shape_cast %swap3A_139 : vector<1x1x16xf32> to vector<16xf32>
      %swap3A_141 = vector.shape_cast %broadcast_in_dim3A_0 : vector<16xf32> to vector<1x1x16xf32>
      tpu.vector_store %arg12[%swap3A_136, %swap3A_137, %swap3A_138], %swap3A_141 {strides = array<i32>} : memref<2x80x128xf32, #tpu.memory_space<vmem>>, vector<1x1x16xf32>,
      %swap3A_142 = arith.constant 0 : i32
      %swap3A_143 = arith.index_cast %swap3A_142 : i32 to index
      %swap3A_144 = arith.index_cast %scan3A_127 : i32 to index
      %swap3A_145 = arith.constant 32 : index
      %swap3A_146 = tpu.vector_load %arg12[%swap3A_143, %swap3A_144, %swap3A_145] {strides = array<i32>} : memref<2x80x128xf32, #tpu.memory_space<vmem>>, vector<1x1x16xf32>,
      %swap3A_147 = vector.shape_cast %swap3A_146 : vector<1x1x16xf32> to vector<16xf32>
      %swap3A_148 = vector.shape_cast %broadcast_in_dim3A_0 : vector<16xf32> to vector<1x1x16xf32>
      tpu.vector_store %arg12[%swap3A_143, %swap3A_144, %swap3A_145], %swap3A_148 {strides = array<i32>} : memref<2x80x128xf32, #tpu.memory_space<vmem>>, vector<1x1x16xf32>,
      %swap3A_149 = arith.constant 0 : i32
      %swap3A_150 = arith.index_cast %swap3A_149 : i32 to index
      %swap3A_151 = arith.index_cast %scan3A_127 : i32 to index
      %swap3A_152 = arith.constant 48 : index
      %swap3A_153 = tpu.vector_load %arg12[%swap3A_150, %swap3A_151, %swap3A_152] {strides = array<i32>} : memref<2x80x128xf32, #tpu.memory_space<vmem>>, vector<1x1x16xf32>,
      %swap3A_154 = vector.shape_cast %swap3A_153 : vector<1x1x16xf32> to vector<16xf32>
      %swap3A_155 = vector.shape_cast %broadcast_in_dim3A_0 : vector<16xf32> to vector<1x1x16xf32>
      tpu.vector_store %arg12[%swap3A_150, %swap3A_151, %swap3A_152], %swap3A_155 {strides = array<i32>} : memref<2x80x128xf32, #tpu.memory_space<vmem>>, vector<1x1x16xf32>,
      %swap3A_156 = arith.constant 0 : i32
      %swap3A_157 = arith.index_cast %swap3A_156 : i32 to index
      %swap3A_158 = arith.index_cast %scan3A_127 : i32 to index
      %swap3A_159 = arith.constant 64 : index
      %swap3A_160 = tpu.vector_load %arg12[%swap3A_157, %swap3A_158, %swap3A_159] {strides = array<i32>} : memref<2x80x128xf32, #tpu.memory_space<vmem>>, vector<1x1x16xf32>,
      %swap3A_161 = vector.shape_cast %swap3A_160 : vector<1x1x16xf32> to vector<16xf32>
      %swap3A_162 = vector.shape_cast %broadcast_in_dim3A_0 : vector<16xf32> to vector<1x1x16xf32>
      tpu.vector_store %arg12[%swap3A_157, %swap3A_158, %swap3A_159], %swap3A_162 {strides = array<i32>} : memref<2x80x128xf32, #tpu.memory_space<vmem>>, vector<1x1x16xf32>,
      %swap3A_163 = arith.constant 0 : i32
      %swap3A_164 = arith.index_cast %swap3A_163 : i32 to index
      %swap3A_165 = arith.index_cast %scan3A_127 : i32 to index
      %swap3A_166 = arith.constant 80 : index
      %swap3A_167 = tpu.vector_load %arg12[%swap3A_164, %swap3A_165, %swap3A_166] {strides = array<i32>} : memref<2x80x128xf32, #tpu.memory_space<vmem>>, vector<1x1x16xf32>,
      %swap3A_168 = vector.shape_cast %swap3A_167 : vector<1x1x16xf32> to vector<16xf32>
      %swap3A_169 = vector.shape_cast %broadcast_in_dim3A_0 : vector<16xf32> to vector<1x1x16xf32>
      tpu.vector_store %arg12[%swap3A_164, %swap3A_165, %swap3A_166], %swap3A_169 {strides = array<i32>} : memref<2x80x128xf32, #tpu.memory_space<vmem>>, vector<1x1x16xf32>,
      %swap3A_170 = arith.constant 0 : i32
      %swap3A_171 = arith.index_cast %swap3A_170 : i32 to index
      %swap3A_172 = arith.index_cast %scan3A_127 : i32 to index
      %swap3A_173 = arith.constant 96 : index
      %swap3A_174 = tpu.vector_load %arg12[%swap3A_171, %swap3A_172, %swap3A_173] {strides = array<i32>} : memref<2x80x128xf32, #tpu.memory_space<vmem>>, vector<1x1x16xf32>,
      %swap3A_175 = vector.shape_cast %swap3A_174 : vector<1x1x16xf32> to vector<16xf32>
      %swap3A_176 = vector.shape_cast %broadcast_in_dim3A_0 : vector<16xf32> to vector<1x1x16xf32>
      tpu.vector_store %arg12[%swap3A_171, %swap3A_172, %swap3A_173], %swap3A_176 {strides = array<i32>} : memref<2x80x128xf32, #tpu.memory_space<vmem>>, vector<1x1x16xf32>,
      %swap3A_177 = arith.constant 0 : i32
      %swap3A_178 = arith.index_cast %swap3A_177 : i32 to index
      %swap3A_179 = arith.index_cast %scan3A_127 : i32 to index
      %swap3A_180 = arith.constant 112 : index
      %swap3A_181 = tpu.vector_load %arg12[%swap3A_178, %swap3A_179, %swap3A_180] {strides = array<i32>} : memref<2x80x128xf32, #tpu.memory_space<vmem>>, vector<1x1x16xf32>,
      %swap3A_182 = vector.shape_cast %swap3A_181 : vector<1x1x16xf32> to vector<16xf32>
      %swap3A_183 = vector.shape_cast %broadcast_in_dim3A_0 : vector<16xf32> to vector<1x1x16xf32>
      tpu.vector_store %arg12[%swap3A_178, %swap3A_179, %swap3A_180], %swap3A_183 {strides = array<i32>} : memref<2x80x128xf32, #tpu.memory_space<vmem>>, vector<1x1x16xf32>,
    }
    %scan3A_4 = arith.constant 80 : i32
    %swap3A = arith.constant 0 : i32
    %swap3A_5 = arith.index_cast %swap3A : i32 to index
    %swap3A_6 = arith.constant 0 : index
    %swap3A_7 = tpu.vector_load %arg13[%swap3A_5, %swap3A_6] {strides = array<i32>} : memref<2x80xf32, #tpu.memory_space<vmem>>, vector<1x16xf32>,
    %swap3A_8 = vector.shape_cast %swap3A_7 : vector<1x16xf32> to vector<16xf32>
    %swap3A_9 = vector.shape_cast %broadcast_in_dim3A_0 : vector<16xf32> to vector<1x16xf32>
    tpu.vector_store %arg13[%swap3A_5, %swap3A_6], %swap3A_9 {strides = array<i32>} : memref<2x80xf32, #tpu.memory_space<vmem>>, vector<1x16xf32>,
    %swap3A_10 = arith.constant 0 : i32
    %swap3A_11 = arith.index_cast %swap3A_10 : i32 to index
    %swap3A_12 = arith.constant 16 : index
    %swap3A_13 = tpu.vector_load %arg13[%swap3A_11, %swap3A_12] {strides = array<i32>} : memref<2x80xf32, #tpu.memory_space<vmem>>, vector<1x16xf32>,
    %swap3A_14 = vector.shape_cast %swap3A_13 : vector<1x16xf32> to vector<16xf32>
    %swap3A_15 = vector.shape_cast %broadcast_in_dim3A_0 : vector<16xf32> to vector<1x16xf32>
    tpu.vector_store %arg13[%swap3A_11, %swap3A_12], %swap3A_15 {strides = array<i32>} : memref<2x80xf32, #tpu.memory_space<vmem>>, vector<1x16xf32>,
    %swap3A_16 = arith.constant 0 : i32
    %swap3A_17 = arith.index_cast %swap3A_16 : i32 to index
    %swap3A_18 = arith.constant 32 : index
    %swap3A_19 = tpu.vector_load %arg13[%swap3A_17, %swap3A_18] {strides = array<i32>} : memref<2x80xf32, #tpu.memory_space<vmem>>, vector<1x16xf32>,
    %swap3A_20 = vector.shape_cast %swap3A_19 : vector<1x16xf32> to vector<16xf32>
    %swap3A_21 = vector.shape_cast %broadcast_in_dim3A_0 : vector<16xf32> to vector<1x16xf32>
    tpu.vector_store %arg13[%swap3A_17, %swap3A_18], %swap3A_21 {strides = array<i32>} : memref<2x80xf32, #tpu.memory_space<vmem>>, vector<1x16xf32>,
    %swap3A_22 = arith.constant 0 : i32
    %swap3A_23 = arith.index_cast %swap3A_22 : i32 to index
    %swap3A_24 = arith.constant 48 : index
    %swap3A_25 = tpu.vector_load %arg13[%swap3A_23, %swap3A_24] {strides = array<i32>} : memref<2x80xf32, #tpu.memory_space<vmem>>, vector<1x16xf32>,
    %swap3A_26 = vector.shape_cast %swap3A_25 : vector<1x16xf32> to vector<16xf32>
    %swap3A_27 = vector.shape_cast %broadcast_in_dim3A_0 : vector<16xf32> to vector<1x16xf32>
    tpu.vector_store %arg13[%swap3A_23, %swap3A_24], %swap3A_27 {strides = array<i32>} : memref<2x80xf32, #tpu.memory_space<vmem>>, vector<1x16xf32>,
    %swap3A_28 = arith.constant 0 : i32
    %swap3A_29 = arith.index_cast %swap3A_28 : i32 to index
    %swap3A_30 = arith.constant 64 : index
    %swap3A_31 = tpu.vector_load %arg13[%swap3A_29, %swap3A_30] {strides = array<i32>} : memref<2x80xf32, #tpu.memory_space<vmem>>, vector<1x16xf32>,
    %swap3A_32 = vector.shape_cast %swap3A_31 : vector<1x16xf32> to vector<16xf32>
    %swap3A_33 = vector.shape_cast %broadcast_in_dim3A_0 : vector<16xf32> to vector<1x16xf32>
    tpu.vector_store %arg13[%swap3A_29, %swap3A_30], %swap3A_33 {strides = array<i32>} : memref<2x80xf32, #tpu.memory_space<vmem>>, vector<1x16xf32>,
    %mul3A = arith.constant 640 : i32
    %mul3A_34 = arith.muli %arg1, %mul3A : i32
    %add3A = arith.constant 0 : i32
    %add3A_35 = arith.addi %mul3A_34, %add3A : i32
    %run_scoped3A = arith.constant 0 : i32
    "tpu.region"() ({
      %run_scoped3A_127 = tpu.sem_alloc : memref<!tpu.dma_semaphore, #tpu.memory_space<semaphore_mem>>
      %dma_start3A = arith.constant 0 : i32
      %dma_start3A_128 = arith.constant 0 : i32
      %dma_start3A_129 = tpu.memref_slice %arg12[%run_scoped3A, %dma_start3A, %dma_start3A_128] : memref<2x80x128xf32, #tpu.memory_space<vmem>> -> memref<1x80x128xf32, #tpu.memory_space<vmem>>
      %dma_start3A_130 = tpu.memref_squeeze %dma_start3A_129 : memref<1x80x128xf32, #tpu.memory_space<vmem>> -> memref<80x128xf32, #tpu.memory_space<vmem>>
      %dma_start3A_131 = arith.constant 0 : i32
      %dma_start3A_132 = tpu.memref_slice %arg8[%add3A_35, %dma_start3A_131] : memref<10240x128xf32, #tpu.memory_space<vmem_shared>> -> memref<80x128xf32, #tpu.memory_space<vmem_shared>>
      %dma_start3A_133 = arith.constant 0 : i32
      %dma_start3A_134 = tpu.memref_slice %arg8[%add3A_35, %dma_start3A_133] : memref<10240x128xf32, #tpu.memory_space<vmem_shared>> -> memref<80x128xf32, #tpu.memory_space<vmem_shared>>
      %dma_start3A_135 = arith.constant 0 : i32
      %dma_start3A_136 = arith.constant 0 : i32
      %dma_start3A_137 = tpu.memref_slice %arg12[%run_scoped3A, %dma_start3A_135, %dma_start3A_136] : memref<2x80x128xf32, #tpu.memory_space<vmem>> -> memref<1x80x128xf32, #tpu.memory_space<vmem>>
      %dma_start3A_138 = tpu.memref_squeeze %dma_start3A_137 : memref<1x80x128xf32, #tpu.memory_space<vmem>> -> memref<80x128xf32, #tpu.memory_space<vmem>>
      tpu.enqueue_dma source(%dma_start3A_138 : memref<80x128xf32, #tpu.memory_space<vmem>>) target(%dma_start3A_134 : memref<80x128xf32, #tpu.memory_space<vmem_shared>>) target_semaphore(%run_scoped3A_127 : memref<!tpu.dma_semaphore, #tpu.memory_space<semaphore_mem>>)
      %dma_wait3A = arith.constant 0 : i32
      %dma_wait3A_139 = arith.constant 0 : i32
      %dma_wait3A_140 = tpu.memref_slice %arg12[%run_scoped3A, %dma_wait3A, %dma_wait3A_139] : memref<2x80x128xf32, #tpu.memory_space<vmem>> -> memref<1x80x128xf32, #tpu.memory_space<vmem>>
      %dma_wait3A_141 = tpu.memref_squeeze %dma_wait3A_140 : memref<1x80x128xf32, #tpu.memory_space<vmem>> -> memref<80x128xf32, #tpu.memory_space<vmem>>
      %dma_wait3A_142 = arith.constant 0 : i32
      %dma_wait3A_143 = tpu.memref_slice %arg8[%add3A_35, %dma_wait3A_142] : memref<10240x128xf32, #tpu.memory_space<vmem_shared>> -> memref<80x128xf32, #tpu.memory_space<vmem_shared>>
      %dma_wait3A_144 = arith.constant 0 : i32
      %dma_wait3A_145 = tpu.memref_slice %arg8[%add3A_35, %dma_wait3A_144] : memref<10240x128xf32, #tpu.memory_space<vmem_shared>> -> memref<80x128xf32, #tpu.memory_space<vmem_shared>>
      %dma_wait3A_146 = arith.constant 0 : i32
      %dma_wait3A_147 = arith.constant 0 : i32
      %dma_wait3A_148 = tpu.memref_slice %arg12[%run_scoped3A, %dma_wait3A_146, %dma_wait3A_147] : memref<2x80x128xf32, #tpu.memory_space<vmem>> -> memref<1x80x128xf32, #tpu.memory_space<vmem>>
      %dma_wait3A_149 = tpu.memref_squeeze %dma_wait3A_148 : memref<1x80x128xf32, #tpu.memory_space<vmem>> -> memref<80x128xf32, #tpu.memory_space<vmem>>
      tpu.wait_dma2 semaphore(%run_scoped3A_127 : memref<!tpu.dma_semaphore, #tpu.memory_space<semaphore_mem>>) src(%dma_wait3A_149 : memref<80x128xf32, #tpu.memory_space<vmem>>) dst(%dma_wait3A_145 : memref<80x128xf32, #tpu.memory_space<vmem_shared>>)
      tpu.yield
    }) : () -> ()
    %mul3A_36 = arith.constant 640 : i32
    %mul3A_37 = arith.muli %arg1, %mul3A_36 : i32
    %add3A_38 = arith.constant 0 : i32
    %add3A_39 = arith.addi %mul3A_37, %add3A_38 : i32
    %run_scoped3A_40 = arith.constant 0 : i32
    "tpu.region"() ({
      %run_scoped3A_127 = tpu.sem_alloc : memref<!tpu.dma_semaphore, #tpu.memory_space<semaphore_mem>>
      %dma_start3A = arith.constant 0 : i32
      %dma_start3A_128 = tpu.memref_slice %arg13[%run_scoped3A_40, %dma_start3A] : memref<2x80xf32, #tpu.memory_space<vmem>> -> memref<1x80xf32, #tpu.memory_space<vmem>>
      %dma_start3A_129 = tpu.memref_squeeze %dma_start3A_128 : memref<1x80xf32, #tpu.memory_space<vmem>> -> memref<80xf32, #tpu.memory_space<vmem>>
      %dma_start3A_130 = tpu.memref_slice %arg9[%add3A_39] : memref<10240xf32, #tpu.memory_space<vmem_shared>> -> memref<80xf32, #tpu.memory_space<vmem_shared>>
      %dma_start3A_131 = tpu.memref_slice %arg9[%add3A_39] : memref<10240xf32, #tpu.memory_space<vmem_shared>> -> memref<80xf32, #tpu.memory_space<vmem_shared>>
      %dma_start3A_132 = arith.constant 0 : i32
      %dma_start3A_133 = tpu.memref_slice %arg13[%run_scoped3A_40, %dma_start3A_132] : memref<2x80xf32, #tpu.memory_space<vmem>> -> memref<1x80xf32, #tpu.memory_space<vmem>>
      %dma_start3A_134 = tpu.memref_squeeze %dma_start3A_133 : memref<1x80xf32, #tpu.memory_space<vmem>> -> memref<80xf32, #tpu.memory_space<vmem>>
      tpu.enqueue_dma source(%dma_start3A_134 : memref<80xf32, #tpu.memory_space<vmem>>) target(%dma_start3A_131 : memref<80xf32, #tpu.memory_space<vmem_shared>>) target_semaphore(%run_scoped3A_127 : memref<!tpu.dma_semaphore, #tpu.memory_space<semaphore_mem>>)
      %dma_wait3A = arith.constant 0 : i32
      %dma_wait3A_135 = tpu.memref_slice %arg13[%run_scoped3A_40, %dma_wait3A] : memref<2x80xf32, #tpu.memory_space<vmem>> -> memref<1x80xf32, #tpu.memory_space<vmem>>
      %dma_wait3A_136 = tpu.memref_squeeze %dma_wait3A_135 : memref<1x80xf32, #tpu.memory_space<vmem>> -> memref<80xf32, #tpu.memory_space<vmem>>
      %dma_wait3A_137 = tpu.memref_slice %arg9[%add3A_39] : memref<10240xf32, #tpu.memory_space<vmem_shared>> -> memref<80xf32, #tpu.memory_space<vmem_shared>>
      %dma_wait3A_138 = tpu.memref_slice %arg9[%add3A_39] : memref<10240xf32, #tpu.memory_space<vmem_shared>> -> memref<80xf32, #tpu.memory_space<vmem_shared>>
      %dma_wait3A_139 = arith.constant 0 : i32
      %dma_wait3A_140 = tpu.memref_slice %arg13[%run_scoped3A_40, %dma_wait3A_139] : memref<2x80xf32, #tpu.memory_space<vmem>> -> memref<1x80xf32, #tpu.memory_space<vmem>>
      %dma_wait3A_141 = tpu.memref_squeeze %dma_wait3A_140 : memref<1x80xf32, #tpu.memory_space<vmem>> -> memref<80xf32, #tpu.memory_space<vmem>>
      tpu.wait_dma2 semaphore(%run_scoped3A_127 : memref<!tpu.dma_semaphore, #tpu.memory_space<semaphore_mem>>) src(%dma_wait3A_141 : memref<80xf32, #tpu.memory_space<vmem>>) dst(%dma_wait3A_138 : memref<80xf32, #tpu.memory_space<vmem_shared>>)
      tpu.yield
    }) : () -> ()
    %mul3A_41 = arith.constant 640 : i32
    %mul3A_42 = arith.muli %arg1, %mul3A_41 : i32
    %add3A_43 = arith.constant 80 : i32
    %add3A_44 = arith.addi %mul3A_42, %add3A_43 : i32
    %run_scoped3A_45 = arith.constant 0 : i32
    "tpu.region"() ({
      %run_scoped3A_127 = tpu.sem_alloc : memref<!tpu.dma_semaphore, #tpu.memory_space<semaphore_mem>>
      %dma_start3A = arith.constant 0 : i32
      %dma_start3A_128 = arith.constant 0 : i32
      %dma_start3A_129 = tpu.memref_slice %arg12[%run_scoped3A_45, %dma_start3A, %dma_start3A_128] : memref<2x80x128xf32, #tpu.memory_space<vmem>> -> memref<1x80x128xf32, #tpu.memory_space<vmem>>
      %dma_start3A_130 = tpu.memref_squeeze %dma_start3A_129 : memref<1x80x128xf32, #tpu.memory_space<vmem>> -> memref<80x128xf32, #tpu.memory_space<vmem>>
      %dma_start3A_131 = arith.constant 0 : i32
      %dma_start3A_132 = tpu.memref_slice %arg8[%add3A_44, %dma_start3A_131] : memref<10240x128xf32, #tpu.memory_space<vmem_shared>> -> memref<80x128xf32, #tpu.memory_space<vmem_shared>>
      %dma_start3A_133 = arith.constant 0 : i32
      %dma_start3A_134 = tpu.memref_slice %arg8[%add3A_44, %dma_start3A_133] : memref<10240x128xf32, #tpu.memory_space<vmem_shared>> -> memref<80x128xf32, #tpu.memory_space<vmem_shared>>
      %dma_start3A_135 = arith.constant 0 : i32
      %dma_start3A_136 = arith.constant 0 : i32
      %dma_start3A_137 = tpu.memref_slice %arg12[%run_scoped3A_45, %dma_start3A_135, %dma_start3A_136] : memref<2x80x128xf32, #tpu.memory_space<vmem>> -> memref<1x80x128xf32, #tpu.memory_space<vmem>>
      %dma_start3A_138 = tpu.memref_squeeze %dma_start3A_137 : memref<1x80x128xf32, #tpu.memory_space<vmem>> -> memref<80x128xf32, #tpu.memory_space<vmem>>
      tpu.enqueue_dma source(%dma_start3A_138 : memref<80x128xf32, #tpu.memory_space<vmem>>) target(%dma_start3A_134 : memref<80x128xf32, #tpu.memory_space<vmem_shared>>) target_semaphore(%run_scoped3A_127 : memref<!tpu.dma_semaphore, #tpu.memory_space<semaphore_mem>>)
      %dma_wait3A = arith.constant 0 : i32
      %dma_wait3A_139 = arith.constant 0 : i32
      %dma_wait3A_140 = tpu.memref_slice %arg12[%run_scoped3A_45, %dma_wait3A, %dma_wait3A_139] : memref<2x80x128xf32, #tpu.memory_space<vmem>> -> memref<1x80x128xf32, #tpu.memory_space<vmem>>
      %dma_wait3A_141 = tpu.memref_squeeze %dma_wait3A_140 : memref<1x80x128xf32, #tpu.memory_space<vmem>> -> memref<80x128xf32, #tpu.memory_space<vmem>>
      %dma_wait3A_142 = arith.constant 0 : i32
      %dma_wait3A_143 = tpu.memref_slice %arg8[%add3A_44, %dma_wait3A_142] : memref<10240x128xf32, #tpu.memory_space<vmem_shared>> -> memref<80x128xf32, #tpu.memory_space<vmem_shared>>
      %dma_wait3A_144 = arith.constant 0 : i32
      %dma_wait3A_145 = tpu.memref_slice %arg8[%add3A_44, %dma_wait3A_144] : memref<10240x128xf32, #tpu.memory_space<vmem_shared>> -> memref<80x128xf32, #tpu.memory_space<vmem_shared>>
      %dma_wait3A_146 = arith.constant 0 : i32
      %dma_wait3A_147 = arith.constant 0 : i32
      %dma_wait3A_148 = tpu.memref_slice %arg12[%run_scoped3A_45, %dma_wait3A_146, %dma_wait3A_147] : memref<2x80x128xf32, #tpu.memory_space<vmem>> -> memref<1x80x128xf32, #tpu.memory_space<vmem>>
      %dma_wait3A_149 = tpu.memref_squeeze %dma_wait3A_148 : memref<1x80x128xf32, #tpu.memory_space<vmem>> -> memref<80x128xf32, #tpu.memory_space<vmem>>
      tpu.wait_dma2 semaphore(%run_scoped3A_127 : memref<!tpu.dma_semaphore, #tpu.memory_space<semaphore_mem>>) src(%dma_wait3A_149 : memref<80x128xf32, #tpu.memory_space<vmem>>) dst(%dma_wait3A_145 : memref<80x128xf32, #tpu.memory_space<vmem_shared>>)
      tpu.yield
    }) : () -> ()
    %mul3A_46 = arith.constant 640 : i32
    %mul3A_47 = arith.muli %arg1, %mul3A_46 : i32
    %add3A_48 = arith.constant 80 : i32
    %add3A_49 = arith.addi %mul3A_47, %add3A_48 : i32
    %run_scoped3A_50 = arith.constant 0 : i32
    "tpu.region"() ({
      %run_scoped3A_127 = tpu.sem_alloc : memref<!tpu.dma_semaphore, #tpu.memory_space<semaphore_mem>>
      %dma_start3A = arith.constant 0 : i32
      %dma_start3A_128 = tpu.memref_slice %arg13[%run_scoped3A_50, %dma_start3A] : memref<2x80xf32, #tpu.memory_space<vmem>> -> memref<1x80xf32, #tpu.memory_space<vmem>>
      %dma_start3A_129 = tpu.memref_squeeze %dma_start3A_128 : memref<1x80xf32, #tpu.memory_space<vmem>> -> memref<80xf32, #tpu.memory_space<vmem>>
      %dma_start3A_130 = tpu.memref_slice %arg9[%add3A_49] : memref<10240xf32, #tpu.memory_space<vmem_shared>> -> memref<80xf32, #tpu.memory_space<vmem_shared>>
      %dma_start3A_131 = tpu.memref_slice %arg9[%add3A_49] : memref<10240xf32, #tpu.memory_space<vmem_shared>> -> memref<80xf32, #tpu.memory_space<vmem_shared>>
      %dma_start3A_132 = arith.constant 0 : i32
      %dma_start3A_133 = tpu.memref_slice %arg13[%run_scoped3A_50, %dma_start3A_132] : memref<2x80xf32, #tpu.memory_space<vmem>> -> memref<1x80xf32, #tpu.memory_space<vmem>>
      %dma_start3A_134 = tpu.memref_squeeze %dma_start3A_133 : memref<1x80xf32, #tpu.memory_space<vmem>> -> memref<80xf32, #tpu.memory_space<vmem>>
      tpu.enqueue_dma source(%dma_start3A_134 : memref<80xf32, #tpu.memory_space<vmem>>) target(%dma_start3A_131 : memref<80xf32, #tpu.memory_space<vmem_shared>>) target_semaphore(%run_scoped3A_127 : memref<!tpu.dma_semaphore, #tpu.memory_space<semaphore_mem>>)
      %dma_wait3A = arith.constant 0 : i32
      %dma_wait3A_135 = tpu.memref_slice %arg13[%run_scoped3A_50, %dma_wait3A] : memref<2x80xf32, #tpu.memory_space<vmem>> -> memref<1x80xf32, #tpu.memory_space<vmem>>
      %dma_wait3A_136 = tpu.memref_squeeze %dma_wait3A_135 : memref<1x80xf32, #tpu.memory_space<vmem>> -> memref<80xf32, #tpu.memory_space<vmem>>
      %dma_wait3A_137 = tpu.memref_slice %arg9[%add3A_49] : memref<10240xf32, #tpu.memory_space<vmem_shared>> -> memref<80xf32, #tpu.memory_space<vmem_shared>>
      %dma_wait3A_138 = tpu.memref_slice %arg9[%add3A_49] : memref<10240xf32, #tpu.memory_space<vmem_shared>> -> memref<80xf32, #tpu.memory_space<vmem_shared>>
      %dma_wait3A_139 = arith.constant 0 : i32
      %dma_wait3A_140 = tpu.memref_slice %arg13[%run_scoped3A_50, %dma_wait3A_139] : memref<2x80xf32, #tpu.memory_space<vmem>> -> memref<1x80xf32, #tpu.memory_space<vmem>>
      %dma_wait3A_141 = tpu.memref_squeeze %dma_wait3A_140 : memref<1x80xf32, #tpu.memory_space<vmem>> -> memref<80xf32, #tpu.memory_space<vmem>>
      tpu.wait_dma2 semaphore(%run_scoped3A_127 : memref<!tpu.dma_semaphore, #tpu.memory_space<semaphore_mem>>) src(%dma_wait3A_141 : memref<80xf32, #tpu.memory_space<vmem>>) dst(%dma_wait3A_138 : memref<80xf32, #tpu.memory_space<vmem_shared>>)
      tpu.yield
    }) : () -> ()
    %mul3A_51 = arith.constant 640 : i32
    %mul3A_52 = arith.muli %arg1, %mul3A_51 : i32
    %add3A_53 = arith.constant 160 : i32
    %add3A_54 = arith.addi %mul3A_52, %add3A_53 : i32
    %run_scoped3A_55 = arith.constant 0 : i32
    "tpu.region"() ({
      %run_scoped3A_127 = tpu.sem_alloc : memref<!tpu.dma_semaphore, #tpu.memory_space<semaphore_mem>>
      %dma_start3A = arith.constant 0 : i32
      %dma_start3A_128 = arith.constant 0 : i32
      %dma_start3A_129 = tpu.memref_slice %arg12[%run_scoped3A_55, %dma_start3A, %dma_start3A_128] : memref<2x80x128xf32, #tpu.memory_space<vmem>> -> memref<1x80x128xf32, #tpu.memory_space<vmem>>
      %dma_start3A_130 = tpu.memref_squeeze %dma_start3A_129 : memref<1x80x128xf32, #tpu.memory_space<vmem>> -> memref<80x128xf32, #tpu.memory_space<vmem>>
      %dma_start3A_131 = arith.constant 0 : i32
      %dma_start3A_132 = tpu.memref_slice %arg8[%add3A_54, %dma_start3A_131] : memref<10240x128xf32, #tpu.memory_space<vmem_shared>> -> memref<80x128xf32, #tpu.memory_space<vmem_shared>>
      %dma_start3A_133 = arith.constant 0 : i32
      %dma_start3A_134 = tpu.memref_slice %arg8[%add3A_54, %dma_start3A_133] : memref<10240x128xf32, #tpu.memory_space<vmem_shared>> -> memref<80x128xf32, #tpu.memory_space<vmem_shared>>
      %dma_start3A_135 = arith.constant 0 : i32
      %dma_start3A_136 = arith.constant 0 : i32
      %dma_start3A_137 = tpu.memref_slice %arg12[%run_scoped3A_55, %dma_start3A_135, %dma_start3A_136] : memref<2x80x128xf32, #tpu.memory_space<vmem>> -> memref<1x80x128xf32, #tpu.memory_space<vmem>>
      %dma_start3A_138 = tpu.memref_squeeze %dma_start3A_137 : memref<1x80x128xf32, #tpu.memory_space<vmem>> -> memref<80x128xf32, #tpu.memory_space<vmem>>
      tpu.enqueue_dma source(%dma_start3A_138 : memref<80x128xf32, #tpu.memory_space<vmem>>) target(%dma_start3A_134 : memref<80x128xf32, #tpu.memory_space<vmem_shared>>) target_semaphore(%run_scoped3A_127 : memref<!tpu.dma_semaphore, #tpu.memory_space<semaphore_mem>>)
      %dma_wait3A = arith.constant 0 : i32
      %dma_wait3A_139 = arith.constant 0 : i32
      %dma_wait3A_140 = tpu.memref_slice %arg12[%run_scoped3A_55, %dma_wait3A, %dma_wait3A_139] : memref<2x80x128xf32, #tpu.memory_space<vmem>> -> memref<1x80x128xf32, #tpu.memory_space<vmem>>
      %dma_wait3A_141 = tpu.memref_squeeze %dma_wait3A_140 : memref<1x80x128xf32, #tpu.memory_space<vmem>> -> memref<80x128xf32, #tpu.memory_space<vmem>>
      %dma_wait3A_142 = arith.constant 0 : i32
      %dma_wait3A_143 = tpu.memref_slice %arg8[%add3A_54, %dma_wait3A_142] : memref<10240x128xf32, #tpu.memory_space<vmem_shared>> -> memref<80x128xf32, #tpu.memory_space<vmem_shared>>
      %dma_wait3A_144 = arith.constant 0 : i32
      %dma_wait3A_145 = tpu.memref_slice %arg8[%add3A_54, %dma_wait3A_144] : memref<10240x128xf32, #tpu.memory_space<vmem_shared>> -> memref<80x128xf32, #tpu.memory_space<vmem_shared>>
      %dma_wait3A_146 = arith.constant 0 : i32
      %dma_wait3A_147 = arith.constant 0 : i32
      %dma_wait3A_148 = tpu.memref_slice %arg12[%run_scoped3A_55, %dma_wait3A_146, %dma_wait3A_147] : memref<2x80x128xf32, #tpu.memory_space<vmem>> -> memref<1x80x128xf32, #tpu.memory_space<vmem>>
      %dma_wait3A_149 = tpu.memref_squeeze %dma_wait3A_148 : memref<1x80x128xf32, #tpu.memory_space<vmem>> -> memref<80x128xf32, #tpu.memory_space<vmem>>
      tpu.wait_dma2 semaphore(%run_scoped3A_127 : memref<!tpu.dma_semaphore, #tpu.memory_space<semaphore_mem>>) src(%dma_wait3A_149 : memref<80x128xf32, #tpu.memory_space<vmem>>) dst(%dma_wait3A_145 : memref<80x128xf32, #tpu.memory_space<vmem_shared>>)
      tpu.yield
    }) : () -> ()
    %mul3A_56 = arith.constant 640 : i32
    %mul3A_57 = arith.muli %arg1, %mul3A_56 : i32
    %add3A_58 = arith.constant 160 : i32
    %add3A_59 = arith.addi %mul3A_57, %add3A_58 : i32
    %run_scoped3A_60 = arith.constant 0 : i32
    "tpu.region"() ({
      %run_scoped3A_127 = tpu.sem_alloc : memref<!tpu.dma_semaphore, #tpu.memory_space<semaphore_mem>>
      %dma_start3A = arith.constant 0 : i32
      %dma_start3A_128 = tpu.memref_slice %arg13[%run_scoped3A_60, %dma_start3A] : memref<2x80xf32, #tpu.memory_space<vmem>> -> memref<1x80xf32, #tpu.memory_space<vmem>>
      %dma_start3A_129 = tpu.memref_squeeze %dma_start3A_128 : memref<1x80xf32, #tpu.memory_space<vmem>> -> memref<80xf32, #tpu.memory_space<vmem>>
      %dma_start3A_130 = tpu.memref_slice %arg9[%add3A_59] : memref<10240xf32, #tpu.memory_space<vmem_shared>> -> memref<80xf32, #tpu.memory_space<vmem_shared>>
      %dma_start3A_131 = tpu.memref_slice %arg9[%add3A_59] : memref<10240xf32, #tpu.memory_space<vmem_shared>> -> memref<80xf32, #tpu.memory_space<vmem_shared>>
      %dma_start3A_132 = arith.constant 0 : i32
      %dma_start3A_133 = tpu.memref_slice %arg13[%run_scoped3A_60, %dma_start3A_132] : memref<2x80xf32, #tpu.memory_space<vmem>> -> memref<1x80xf32, #tpu.memory_space<vmem>>
      %dma_start3A_134 = tpu.memref_squeeze %dma_start3A_133 : memref<1x80xf32, #tpu.memory_space<vmem>> -> memref<80xf32, #tpu.memory_space<vmem>>
      tpu.enqueue_dma source(%dma_start3A_134 : memref<80xf32, #tpu.memory_space<vmem>>) target(%dma_start3A_131 : memref<80xf32, #tpu.memory_space<vmem_shared>>) target_semaphore(%run_scoped3A_127 : memref<!tpu.dma_semaphore, #tpu.memory_space<semaphore_mem>>)
      %dma_wait3A = arith.constant 0 : i32
      %dma_wait3A_135 = tpu.memref_slice %arg13[%run_scoped3A_60, %dma_wait3A] : memref<2x80xf32, #tpu.memory_space<vmem>> -> memref<1x80xf32, #tpu.memory_space<vmem>>
      %dma_wait3A_136 = tpu.memref_squeeze %dma_wait3A_135 : memref<1x80xf32, #tpu.memory_space<vmem>> -> memref<80xf32, #tpu.memory_space<vmem>>
      %dma_wait3A_137 = tpu.memref_slice %arg9[%add3A_59] : memref<10240xf32, #tpu.memory_space<vmem_shared>> -> memref<80xf32, #tpu.memory_space<vmem_shared>>
      %dma_wait3A_138 = tpu.memref_slice %arg9[%add3A_59] : memref<10240xf32, #tpu.memory_space<vmem_shared>> -> memref<80xf32, #tpu.memory_space<vmem_shared>>
      %dma_wait3A_139 = arith.constant 0 : i32
      %dma_wait3A_140 = tpu.memref_slice %arg13[%run_scoped3A_60, %dma_wait3A_139] : memref<2x80xf32, #tpu.memory_space<vmem>> -> memref<1x80xf32, #tpu.memory_space<vmem>>
      %dma_wait3A_141 = tpu.memref_squeeze %dma_wait3A_140 : memref<1x80xf32, #tpu.memory_space<vmem>> -> memref<80xf32, #tpu.memory_space<vmem>>
      tpu.wait_dma2 semaphore(%run_scoped3A_127 : memref<!tpu.dma_semaphore, #tpu.memory_space<semaphore_mem>>) src(%dma_wait3A_141 : memref<80xf32, #tpu.memory_space<vmem>>) dst(%dma_wait3A_138 : memref<80xf32, #tpu.memory_space<vmem_shared>>)
      tpu.yield
    }) : () -> ()
    %mul3A_61 = arith.constant 640 : i32
    %mul3A_62 = arith.muli %arg1, %mul3A_61 : i32
    %add3A_63 = arith.constant 240 : i32
    %add3A_64 = arith.addi %mul3A_62, %add3A_63 : i32
    %run_scoped3A_65 = arith.constant 0 : i32
    "tpu.region"() ({
      %run_scoped3A_127 = tpu.sem_alloc : memref<!tpu.dma_semaphore, #tpu.memory_space<semaphore_mem>>
      %dma_start3A = arith.constant 0 : i32
      %dma_start3A_128 = arith.constant 0 : i32
      %dma_start3A_129 = tpu.memref_slice %arg12[%run_scoped3A_65, %dma_start3A, %dma_start3A_128] : memref<2x80x128xf32, #tpu.memory_space<vmem>> -> memref<1x80x128xf32, #tpu.memory_space<vmem>>
      %dma_start3A_130 = tpu.memref_squeeze %dma_start3A_129 : memref<1x80x128xf32, #tpu.memory_space<vmem>> -> memref<80x128xf32, #tpu.memory_space<vmem>>
      %dma_start3A_131 = arith.constant 0 : i32
      %dma_start3A_132 = tpu.memref_slice %arg8[%add3A_64, %dma_start3A_131] : memref<10240x128xf32, #tpu.memory_space<vmem_shared>> -> memref<80x128xf32, #tpu.memory_space<vmem_shared>>
      %dma_start3A_133 = arith.constant 0 : i32
      %dma_start3A_134 = tpu.memref_slice %arg8[%add3A_64, %dma_start3A_133] : memref<10240x128xf32, #tpu.memory_space<vmem_shared>> -> memref<80x128xf32, #tpu.memory_space<vmem_shared>>
      %dma_start3A_135 = arith.constant 0 : i32
      %dma_start3A_136 = arith.constant 0 : i32
      %dma_start3A_137 = tpu.memref_slice %arg12[%run_scoped3A_65, %dma_start3A_135, %dma_start3A_136] : memref<2x80x128xf32, #tpu.memory_space<vmem>> -> memref<1x80x128xf32, #tpu.memory_space<vmem>>
      %dma_start3A_138 = tpu.memref_squeeze %dma_start3A_137 : memref<1x80x128xf32, #tpu.memory_space<vmem>> -> memref<80x128xf32, #tpu.memory_space<vmem>>
      tpu.enqueue_dma source(%dma_start3A_138 : memref<80x128xf32, #tpu.memory_space<vmem>>) target(%dma_start3A_134 : memref<80x128xf32, #tpu.memory_space<vmem_shared>>) target_semaphore(%run_scoped3A_127 : memref<!tpu.dma_semaphore, #tpu.memory_space<semaphore_mem>>)
      %dma_wait3A = arith.constant 0 : i32
      %dma_wait3A_139 = arith.constant 0 : i32
      %dma_wait3A_140 = tpu.memref_slice %arg12[%run_scoped3A_65, %dma_wait3A, %dma_wait3A_139] : memref<2x80x128xf32, #tpu.memory_space<vmem>> -> memref<1x80x128xf32, #tpu.memory_space<vmem>>
      %dma_wait3A_141 = tpu.memref_squeeze %dma_wait3A_140 : memref<1x80x128xf32, #tpu.memory_space<vmem>> -> memref<80x128xf32, #tpu.memory_space<vmem>>
      %dma_wait3A_142 = arith.constant 0 : i32
      %dma_wait3A_143 = tpu.memref_slice %arg8[%add3A_64, %dma_wait3A_142] : memref<10240x128xf32, #tpu.memory_space<vmem_shared>> -> memref<80x128xf32, #tpu.memory_space<vmem_shared>>
      %dma_wait3A_144 = arith.constant 0 : i32
      %dma_wait3A_145 = tpu.memref_slice %arg8[%add3A_64, %dma_wait3A_144] : memref<10240x128xf32, #tpu.memory_space<vmem_shared>> -> memref<80x128xf32, #tpu.memory_space<vmem_shared>>
      %dma_wait3A_146 = arith.constant 0 : i32
      %dma_wait3A_147 = arith.constant 0 : i32
      %dma_wait3A_148 = tpu.memref_slice %arg12[%run_scoped3A_65, %dma_wait3A_146, %dma_wait3A_147] : memref<2x80x128xf32, #tpu.memory_space<vmem>> -> memref<1x80x128xf32, #tpu.memory_space<vmem>>
      %dma_wait3A_149 = tpu.memref_squeeze %dma_wait3A_148 : memref<1x80x128xf32, #tpu.memory_space<vmem>> -> memref<80x128xf32, #tpu.memory_space<vmem>>
      tpu.wait_dma2 semaphore(%run_scoped3A_127 : memref<!tpu.dma_semaphore, #tpu.memory_space<semaphore_mem>>) src(%dma_wait3A_149 : memref<80x128xf32, #tpu.memory_space<vmem>>) dst(%dma_wait3A_145 : memref<80x128xf32, #tpu.memory_space<vmem_shared>>)
      tpu.yield
    }) : () -> ()
    %mul3A_66 = arith.constant 640 : i32
    %mul3A_67 = arith.muli %arg1, %mul3A_66 : i32
    %add3A_68 = arith.constant 240 : i32
    %add3A_69 = arith.addi %mul3A_67, %add3A_68 : i32
    %run_scoped3A_70 = arith.constant 0 : i32
    "tpu.region"() ({
      %run_scoped3A_127 = tpu.sem_alloc : memref<!tpu.dma_semaphore, #tpu.memory_space<semaphore_mem>>
      %dma_start3A = arith.constant 0 : i32
      %dma_start3A_128 = tpu.memref_slice %arg13[%run_scoped3A_70, %dma_start3A] : memref<2x80xf32, #tpu.memory_space<vmem>> -> memref<1x80xf32, #tpu.memory_space<vmem>>
      %dma_start3A_129 = tpu.memref_squeeze %dma_start3A_128 : memref<1x80xf32, #tpu.memory_space<vmem>> -> memref<80xf32, #tpu.memory_space<vmem>>
      %dma_start3A_130 = tpu.memref_slice %arg9[%add3A_69] : memref<10240xf32, #tpu.memory_space<vmem_shared>> -> memref<80xf32, #tpu.memory_space<vmem_shared>>
      %dma_start3A_131 = tpu.memref_slice %arg9[%add3A_69] : memref<10240xf32, #tpu.memory_space<vmem_shared>> -> memref<80xf32, #tpu.memory_space<vmem_shared>>
      %dma_start3A_132 = arith.constant 0 : i32
      %dma_start3A_133 = tpu.memref_slice %arg13[%run_scoped3A_70, %dma_start3A_132] : memref<2x80xf32, #tpu.memory_space<vmem>> -> memref<1x80xf32, #tpu.memory_space<vmem>>
      %dma_start3A_134 = tpu.memref_squeeze %dma_start3A_133 : memref<1x80xf32, #tpu.memory_space<vmem>> -> memref<80xf32, #tpu.memory_space<vmem>>
      tpu.enqueue_dma source(%dma_start3A_134 : memref<80xf32, #tpu.memory_space<vmem>>) target(%dma_start3A_131 : memref<80xf32, #tpu.memory_space<vmem_shared>>) target_semaphore(%run_scoped3A_127 : memref<!tpu.dma_semaphore, #tpu.memory_space<semaphore_mem>>)
      %dma_wait3A = arith.constant 0 : i32
      %dma_wait3A_135 = tpu.memref_slice %arg13[%run_scoped3A_70, %dma_wait3A] : memref<2x80xf32, #tpu.memory_space<vmem>> -> memref<1x80xf32, #tpu.memory_space<vmem>>
      %dma_wait3A_136 = tpu.memref_squeeze %dma_wait3A_135 : memref<1x80xf32, #tpu.memory_space<vmem>> -> memref<80xf32, #tpu.memory_space<vmem>>
      %dma_wait3A_137 = tpu.memref_slice %arg9[%add3A_69] : memref<10240xf32, #tpu.memory_space<vmem_shared>> -> memref<80xf32, #tpu.memory_space<vmem_shared>>
      %dma_wait3A_138 = tpu.memref_slice %arg9[%add3A_69] : memref<10240xf32, #tpu.memory_space<vmem_shared>> -> memref<80xf32, #tpu.memory_space<vmem_shared>>
      %dma_wait3A_139 = arith.constant 0 : i32
      %dma_wait3A_140 = tpu.memref_slice %arg13[%run_scoped3A_70, %dma_wait3A_139] : memref<2x80xf32, #tpu.memory_space<vmem>> -> memref<1x80xf32, #tpu.memory_space<vmem>>
      %dma_wait3A_141 = tpu.memref_squeeze %dma_wait3A_140 : memref<1x80xf32, #tpu.memory_space<vmem>> -> memref<80xf32, #tpu.memory_space<vmem>>
      tpu.wait_dma2 semaphore(%run_scoped3A_127 : memref<!tpu.dma_semaphore, #tpu.memory_space<semaphore_mem>>) src(%dma_wait3A_141 : memref<80xf32, #tpu.memory_space<vmem>>) dst(%dma_wait3A_138 : memref<80xf32, #tpu.memory_space<vmem_shared>>)
      tpu.yield
    }) : () -> ()
    %mul3A_71 = arith.constant 640 : i32
    %mul3A_72 = arith.muli %arg1, %mul3A_71 : i32
    %add3A_73 = arith.constant 320 : i32
    %add3A_74 = arith.addi %mul3A_72, %add3A_73 : i32
    %run_scoped3A_75 = arith.constant 0 : i32
    "tpu.region"() ({
      %run_scoped3A_127 = tpu.sem_alloc : memref<!tpu.dma_semaphore, #tpu.memory_space<semaphore_mem>>
      %dma_start3A = arith.constant 0 : i32
      %dma_start3A_128 = arith.constant 0 : i32
      %dma_start3A_129 = tpu.memref_slice %arg12[%run_scoped3A_75, %dma_start3A, %dma_start3A_128] : memref<2x80x128xf32, #tpu.memory_space<vmem>> -> memref<1x80x128xf32, #tpu.memory_space<vmem>>
      %dma_start3A_130 = tpu.memref_squeeze %dma_start3A_129 : memref<1x80x128xf32, #tpu.memory_space<vmem>> -> memref<80x128xf32, #tpu.memory_space<vmem>>
      %dma_start3A_131 = arith.constant 0 : i32
      %dma_start3A_132 = tpu.memref_slice %arg8[%add3A_74, %dma_start3A_131] : memref<10240x128xf32, #tpu.memory_space<vmem_shared>> -> memref<80x128xf32, #tpu.memory_space<vmem_shared>>
      %dma_start3A_133 = arith.constant 0 : i32
      %dma_start3A_134 = tpu.memref_slice %arg8[%add3A_74, %dma_start3A_133] : memref<10240x128xf32, #tpu.memory_space<vmem_shared>> -> memref<80x128xf32, #tpu.memory_space<vmem_shared>>
      %dma_start3A_135 = arith.constant 0 : i32
      %dma_start3A_136 = arith.constant 0 : i32
      %dma_start3A_137 = tpu.memref_slice %arg12[%run_scoped3A_75, %dma_start3A_135, %dma_start3A_136] : memref<2x80x128xf32, #tpu.memory_space<vmem>> -> memref<1x80x128xf32, #tpu.memory_space<vmem>>
      %dma_start3A_138 = tpu.memref_squeeze %dma_start3A_137 : memref<1x80x128xf32, #tpu.memory_space<vmem>> -> memref<80x128xf32, #tpu.memory_space<vmem>>
      tpu.enqueue_dma source(%dma_start3A_138 : memref<80x128xf32, #tpu.memory_space<vmem>>) target(%dma_start3A_134 : memref<80x128xf32, #tpu.memory_space<vmem_shared>>) target_semaphore(%run_scoped3A_127 : memref<!tpu.dma_semaphore, #tpu.memory_space<semaphore_mem>>)
      %dma_wait3A = arith.constant 0 : i32
      %dma_wait3A_139 = arith.constant 0 : i32
      %dma_wait3A_140 = tpu.memref_slice %arg12[%run_scoped3A_75, %dma_wait3A, %dma_wait3A_139] : memref<2x80x128xf32, #tpu.memory_space<vmem>> -> memref<1x80x128xf32, #tpu.memory_space<vmem>>
      %dma_wait3A_141 = tpu.memref_squeeze %dma_wait3A_140 : memref<1x80x128xf32, #tpu.memory_space<vmem>> -> memref<80x128xf32, #tpu.memory_space<vmem>>
      %dma_wait3A_142 = arith.constant 0 : i32
      %dma_wait3A_143 = tpu.memref_slice %arg8[%add3A_74, %dma_wait3A_142] : memref<10240x128xf32, #tpu.memory_space<vmem_shared>> -> memref<80x128xf32, #tpu.memory_space<vmem_shared>>
      %dma_wait3A_144 = arith.constant 0 : i32
      %dma_wait3A_145 = tpu.memref_slice %arg8[%add3A_74, %dma_wait3A_144] : memref<10240x128xf32, #tpu.memory_space<vmem_shared>> -> memref<80x128xf32, #tpu.memory_space<vmem_shared>>
      %dma_wait3A_146 = arith.constant 0 : i32
      %dma_wait3A_147 = arith.constant 0 : i32
      %dma_wait3A_148 = tpu.memref_slice %arg12[%run_scoped3A_75, %dma_wait3A_146, %dma_wait3A_147] : memref<2x80x128xf32, #tpu.memory_space<vmem>> -> memref<1x80x128xf32, #tpu.memory_space<vmem>>
      %dma_wait3A_149 = tpu.memref_squeeze %dma_wait3A_148 : memref<1x80x128xf32, #tpu.memory_space<vmem>> -> memref<80x128xf32, #tpu.memory_space<vmem>>
      tpu.wait_dma2 semaphore(%run_scoped3A_127 : memref<!tpu.dma_semaphore, #tpu.memory_space<semaphore_mem>>) src(%dma_wait3A_149 : memref<80x128xf32, #tpu.memory_space<vmem>>) dst(%dma_wait3A_145 : memref<80x128xf32, #tpu.memory_space<vmem_shared>>)
      tpu.yield
    }) : () -> ()
    %mul3A_76 = arith.constant 640 : i32
    %mul3A_77 = arith.muli %arg1, %mul3A_76 : i32
    %add3A_78 = arith.constant 320 : i32
    %add3A_79 = arith.addi %mul3A_77, %add3A_78 : i32
    %run_scoped3A_80 = arith.constant 0 : i32
    "tpu.region"() ({
      %run_scoped3A_127 = tpu.sem_alloc : memref<!tpu.dma_semaphore, #tpu.memory_space<semaphore_mem>>
      %dma_start3A = arith.constant 0 : i32
      %dma_start3A_128 = tpu.memref_slice %arg13[%run_scoped3A_80, %dma_start3A] : memref<2x80xf32, #tpu.memory_space<vmem>> -> memref<1x80xf32, #tpu.memory_space<vmem>>
      %dma_start3A_129 = tpu.memref_squeeze %dma_start3A_128 : memref<1x80xf32, #tpu.memory_space<vmem>> -> memref<80xf32, #tpu.memory_space<vmem>>
      %dma_start3A_130 = tpu.memref_slice %arg9[%add3A_79] : memref<10240xf32, #tpu.memory_space<vmem_shared>> -> memref<80xf32, #tpu.memory_space<vmem_shared>>
      %dma_start3A_131 = tpu.memref_slice %arg9[%add3A_79] : memref<10240xf32, #tpu.memory_space<vmem_shared>> -> memref<80xf32, #tpu.memory_space<vmem_shared>>
      %dma_start3A_132 = arith.constant 0 : i32
      %dma_start3A_133 = tpu.memref_slice %arg13[%run_scoped3A_80, %dma_start3A_132] : memref<2x80xf32, #tpu.memory_space<vmem>> -> memref<1x80xf32, #tpu.memory_space<vmem>>
      %dma_start3A_134 = tpu.memref_squeeze %dma_start3A_133 : memref<1x80xf32, #tpu.memory_space<vmem>> -> memref<80xf32, #tpu.memory_space<vmem>>
      tpu.enqueue_dma source(%dma_start3A_134 : memref<80xf32, #tpu.memory_space<vmem>>) target(%dma_start3A_131 : memref<80xf32, #tpu.memory_space<vmem_shared>>) target_semaphore(%run_scoped3A_127 : memref<!tpu.dma_semaphore, #tpu.memory_space<semaphore_mem>>)
      %dma_wait3A = arith.constant 0 : i32
      %dma_wait3A_135 = tpu.memref_slice %arg13[%run_scoped3A_80, %dma_wait3A] : memref<2x80xf32, #tpu.memory_space<vmem>> -> memref<1x80xf32, #tpu.memory_space<vmem>>
      %dma_wait3A_136 = tpu.memref_squeeze %dma_wait3A_135 : memref<1x80xf32, #tpu.memory_space<vmem>> -> memref<80xf32, #tpu.memory_space<vmem>>
      %dma_wait3A_137 = tpu.memref_slice %arg9[%add3A_79] : memref<10240xf32, #tpu.memory_space<vmem_shared>> -> memref<80xf32, #tpu.memory_space<vmem_shared>>
      %dma_wait3A_138 = tpu.memref_slice %arg9[%add3A_79] : memref<10240xf32, #tpu.memory_space<vmem_shared>> -> memref<80xf32, #tpu.memory_space<vmem_shared>>
      %dma_wait3A_139 = arith.constant 0 : i32
      %dma_wait3A_140 = tpu.memref_slice %arg13[%run_scoped3A_80, %dma_wait3A_139] : memref<2x80xf32, #tpu.memory_space<vmem>> -> memref<1x80xf32, #tpu.memory_space<vmem>>
      %dma_wait3A_141 = tpu.memref_squeeze %dma_wait3A_140 : memref<1x80xf32, #tpu.memory_space<vmem>> -> memref<80xf32, #tpu.memory_space<vmem>>
      tpu.wait_dma2 semaphore(%run_scoped3A_127 : memref<!tpu.dma_semaphore, #tpu.memory_space<semaphore_mem>>) src(%dma_wait3A_141 : memref<80xf32, #tpu.memory_space<vmem>>) dst(%dma_wait3A_138 : memref<80xf32, #tpu.memory_space<vmem_shared>>)
      tpu.yield
    }) : () -> ()
    %mul3A_81 = arith.constant 640 : i32
    %mul3A_82 = arith.muli %arg1, %mul3A_81 : i32
    %add3A_83 = arith.constant 400 : i32
    %add3A_84 = arith.addi %mul3A_82, %add3A_83 : i32
    %run_scoped3A_85 = arith.constant 0 : i32
    "tpu.region"() ({
      %run_scoped3A_127 = tpu.sem_alloc : memref<!tpu.dma_semaphore, #tpu.memory_space<semaphore_mem>>
      %dma_start3A = arith.constant 0 : i32
      %dma_start3A_128 = arith.constant 0 : i32
      %dma_start3A_129 = tpu.memref_slice %arg12[%run_scoped3A_85, %dma_start3A, %dma_start3A_128] : memref<2x80x128xf32, #tpu.memory_space<vmem>> -> memref<1x80x128xf32, #tpu.memory_space<vmem>>
      %dma_start3A_130 = tpu.memref_squeeze %dma_start3A_129 : memref<1x80x128xf32, #tpu.memory_space<vmem>> -> memref<80x128xf32, #tpu.memory_space<vmem>>
      %dma_start3A_131 = arith.constant 0 : i32
      %dma_start3A_132 = tpu.memref_slice %arg8[%add3A_84, %dma_start3A_131] : memref<10240x128xf32, #tpu.memory_space<vmem_shared>> -> memref<80x128xf32, #tpu.memory_space<vmem_shared>>
      %dma_start3A_133 = arith.constant 0 : i32
      %dma_start3A_134 = tpu.memref_slice %arg8[%add3A_84, %dma_start3A_133] : memref<10240x128xf32, #tpu.memory_space<vmem_shared>> -> memref<80x128xf32, #tpu.memory_space<vmem_shared>>
      %dma_start3A_135 = arith.constant 0 : i32
      %dma_start3A_136 = arith.constant 0 : i32
      %dma_start3A_137 = tpu.memref_slice %arg12[%run_scoped3A_85, %dma_start3A_135, %dma_start3A_136] : memref<2x80x128xf32, #tpu.memory_space<vmem>> -> memref<1x80x128xf32, #tpu.memory_space<vmem>>
      %dma_start3A_138 = tpu.memref_squeeze %dma_start3A_137 : memref<1x80x128xf32, #tpu.memory_space<vmem>> -> memref<80x128xf32, #tpu.memory_space<vmem>>
      tpu.enqueue_dma source(%dma_start3A_138 : memref<80x128xf32, #tpu.memory_space<vmem>>) target(%dma_start3A_134 : memref<80x128xf32, #tpu.memory_space<vmem_shared>>) target_semaphore(%run_scoped3A_127 : memref<!tpu.dma_semaphore, #tpu.memory_space<semaphore_mem>>)
      %dma_wait3A = arith.constant 0 : i32
      %dma_wait3A_139 = arith.constant 0 : i32
      %dma_wait3A_140 = tpu.memref_slice %arg12[%run_scoped3A_85, %dma_wait3A, %dma_wait3A_139] : memref<2x80x128xf32, #tpu.memory_space<vmem>> -> memref<1x80x128xf32, #tpu.memory_space<vmem>>
      %dma_wait3A_141 = tpu.memref_squeeze %dma_wait3A_140 : memref<1x80x128xf32, #tpu.memory_space<vmem>> -> memref<80x128xf32, #tpu.memory_space<vmem>>
      %dma_wait3A_142 = arith.constant 0 : i32
      %dma_wait3A_143 = tpu.memref_slice %arg8[%add3A_84, %dma_wait3A_142] : memref<10240x128xf32, #tpu.memory_space<vmem_shared>> -> memref<80x128xf32, #tpu.memory_space<vmem_shared>>
      %dma_wait3A_144 = arith.constant 0 : i32
      %dma_wait3A_145 = tpu.memref_slice %arg8[%add3A_84, %dma_wait3A_144] : memref<10240x128xf32, #tpu.memory_space<vmem_shared>> -> memref<80x128xf32, #tpu.memory_space<vmem_shared>>
      %dma_wait3A_146 = arith.constant 0 : i32
      %dma_wait3A_147 = arith.constant 0 : i32
      %dma_wait3A_148 = tpu.memref_slice %arg12[%run_scoped3A_85, %dma_wait3A_146, %dma_wait3A_147] : memref<2x80x128xf32, #tpu.memory_space<vmem>> -> memref<1x80x128xf32, #tpu.memory_space<vmem>>
      %dma_wait3A_149 = tpu.memref_squeeze %dma_wait3A_148 : memref<1x80x128xf32, #tpu.memory_space<vmem>> -> memref<80x128xf32, #tpu.memory_space<vmem>>
      tpu.wait_dma2 semaphore(%run_scoped3A_127 : memref<!tpu.dma_semaphore, #tpu.memory_space<semaphore_mem>>) src(%dma_wait3A_149 : memref<80x128xf32, #tpu.memory_space<vmem>>) dst(%dma_wait3A_145 : memref<80x128xf32, #tpu.memory_space<vmem_shared>>)
      tpu.yield
    }) : () -> ()
    %mul3A_86 = arith.constant 640 : i32
    %mul3A_87 = arith.muli %arg1, %mul3A_86 : i32
    %add3A_88 = arith.constant 400 : i32
    %add3A_89 = arith.addi %mul3A_87, %add3A_88 : i32
    %run_scoped3A_90 = arith.constant 0 : i32
    "tpu.region"() ({
      %run_scoped3A_127 = tpu.sem_alloc : memref<!tpu.dma_semaphore, #tpu.memory_space<semaphore_mem>>
      %dma_start3A = arith.constant 0 : i32
      %dma_start3A_128 = tpu.memref_slice %arg13[%run_scoped3A_90, %dma_start3A] : memref<2x80xf32, #tpu.memory_space<vmem>> -> memref<1x80xf32, #tpu.memory_space<vmem>>
      %dma_start3A_129 = tpu.memref_squeeze %dma_start3A_128 : memref<1x80xf32, #tpu.memory_space<vmem>> -> memref<80xf32, #tpu.memory_space<vmem>>
      %dma_start3A_130 = tpu.memref_slice %arg9[%add3A_89] : memref<10240xf32, #tpu.memory_space<vmem_shared>> -> memref<80xf32, #tpu.memory_space<vmem_shared>>
      %dma_start3A_131 = tpu.memref_slice %arg9[%add3A_89] : memref<10240xf32, #tpu.memory_space<vmem_shared>> -> memref<80xf32, #tpu.memory_space<vmem_shared>>
      %dma_start3A_132 = arith.constant 0 : i32
      %dma_start3A_133 = tpu.memref_slice %arg13[%run_scoped3A_90, %dma_start3A_132] : memref<2x80xf32, #tpu.memory_space<vmem>> -> memref<1x80xf32, #tpu.memory_space<vmem>>
      %dma_start3A_134 = tpu.memref_squeeze %dma_start3A_133 : memref<1x80xf32, #tpu.memory_space<vmem>> -> memref<80xf32, #tpu.memory_space<vmem>>
      tpu.enqueue_dma source(%dma_start3A_134 : memref<80xf32, #tpu.memory_space<vmem>>) target(%dma_start3A_131 : memref<80xf32, #tpu.memory_space<vmem_shared>>) target_semaphore(%run_scoped3A_127 : memref<!tpu.dma_semaphore, #tpu.memory_space<semaphore_mem>>)
      %dma_wait3A = arith.constant 0 : i32
      %dma_wait3A_135 = tpu.memref_slice %arg13[%run_scoped3A_90, %dma_wait3A] : memref<2x80xf32, #tpu.memory_space<vmem>> -> memref<1x80xf32, #tpu.memory_space<vmem>>
      %dma_wait3A_136 = tpu.memref_squeeze %dma_wait3A_135 : memref<1x80xf32, #tpu.memory_space<vmem>> -> memref<80xf32, #tpu.memory_space<vmem>>
      %dma_wait3A_137 = tpu.memref_slice %arg9[%add3A_89] : memref<10240xf32, #tpu.memory_space<vmem_shared>> -> memref<80xf32, #tpu.memory_space<vmem_shared>>
      %dma_wait3A_138 = tpu.memref_slice %arg9[%add3A_89] : memref<10240xf32, #tpu.memory_space<vmem_shared>> -> memref<80xf32, #tpu.memory_space<vmem_shared>>
      %dma_wait3A_139 = arith.constant 0 : i32
      %dma_wait3A_140 = tpu.memref_slice %arg13[%run_scoped3A_90, %dma_wait3A_139] : memref<2x80xf32, #tpu.memory_space<vmem>> -> memref<1x80xf32, #tpu.memory_space<vmem>>
      %dma_wait3A_141 = tpu.memref_squeeze %dma_wait3A_140 : memref<1x80xf32, #tpu.memory_space<vmem>> -> memref<80xf32, #tpu.memory_space<vmem>>
      tpu.wait_dma2 semaphore(%run_scoped3A_127 : memref<!tpu.dma_semaphore, #tpu.memory_space<semaphore_mem>>) src(%dma_wait3A_141 : memref<80xf32, #tpu.memory_space<vmem>>) dst(%dma_wait3A_138 : memref<80xf32, #tpu.memory_space<vmem_shared>>)
      tpu.yield
    }) : () -> ()
    %mul3A_91 = arith.constant 640 : i32
    %mul3A_92 = arith.muli %arg1, %mul3A_91 : i32
    %add3A_93 = arith.constant 480 : i32
    %add3A_94 = arith.addi %mul3A_92, %add3A_93 : i32
    %run_scoped3A_95 = arith.constant 0 : i32
    "tpu.region"() ({
      %run_scoped3A_127 = tpu.sem_alloc : memref<!tpu.dma_semaphore, #tpu.memory_space<semaphore_mem>>
      %dma_start3A = arith.constant 0 : i32
      %dma_start3A_128 = arith.constant 0 : i32
      %dma_start3A_129 = tpu.memref_slice %arg12[%run_scoped3A_95, %dma_start3A, %dma_start3A_128] : memref<2x80x128xf32, #tpu.memory_space<vmem>> -> memref<1x80x128xf32, #tpu.memory_space<vmem>>
      %dma_start3A_130 = tpu.memref_squeeze %dma_start3A_129 : memref<1x80x128xf32, #tpu.memory_space<vmem>> -> memref<80x128xf32, #tpu.memory_space<vmem>>
      %dma_start3A_131 = arith.constant 0 : i32
      %dma_start3A_132 = tpu.memref_slice %arg8[%add3A_94, %dma_start3A_131] : memref<10240x128xf32, #tpu.memory_space<vmem_shared>> -> memref<80x128xf32, #tpu.memory_space<vmem_shared>>
      %dma_start3A_133 = arith.constant 0 : i32
      %dma_start3A_134 = tpu.memref_slice %arg8[%add3A_94, %dma_start3A_133] : memref<10240x128xf32, #tpu.memory_space<vmem_shared>> -> memref<80x128xf32, #tpu.memory_space<vmem_shared>>
      %dma_start3A_135 = arith.constant 0 : i32
      %dma_start3A_136 = arith.constant 0 : i32
      %dma_start3A_137 = tpu.memref_slice %arg12[%run_scoped3A_95, %dma_start3A_135, %dma_start3A_136] : memref<2x80x128xf32, #tpu.memory_space<vmem>> -> memref<1x80x128xf32, #tpu.memory_space<vmem>>
      %dma_start3A_138 = tpu.memref_squeeze %dma_start3A_137 : memref<1x80x128xf32, #tpu.memory_space<vmem>> -> memref<80x128xf32, #tpu.memory_space<vmem>>
      tpu.enqueue_dma source(%dma_start3A_138 : memref<80x128xf32, #tpu.memory_space<vmem>>) target(%dma_start3A_134 : memref<80x128xf32, #tpu.memory_space<vmem_shared>>) target_semaphore(%run_scoped3A_127 : memref<!tpu.dma_semaphore, #tpu.memory_space<semaphore_mem>>)
      %dma_wait3A = arith.constant 0 : i32
      %dma_wait3A_139 = arith.constant 0 : i32
      %dma_wait3A_140 = tpu.memref_slice %arg12[%run_scoped3A_95, %dma_wait3A, %dma_wait3A_139] : memref<2x80x128xf32, #tpu.memory_space<vmem>> -> memref<1x80x128xf32, #tpu.memory_space<vmem>>
      %dma_wait3A_141 = tpu.memref_squeeze %dma_wait3A_140 : memref<1x80x128xf32, #tpu.memory_space<vmem>> -> memref<80x128xf32, #tpu.memory_space<vmem>>
      %dma_wait3A_142 = arith.constant 0 : i32
      %dma_wait3A_143 = tpu.memref_slice %arg8[%add3A_94, %dma_wait3A_142] : memref<10240x128xf32, #tpu.memory_space<vmem_shared>> -> memref<80x128xf32, #tpu.memory_space<vmem_shared>>
      %dma_wait3A_144 = arith.constant 0 : i32
      %dma_wait3A_145 = tpu.memref_slice %arg8[%add3A_94, %dma_wait3A_144] : memref<10240x128xf32, #tpu.memory_space<vmem_shared>> -> memref<80x128xf32, #tpu.memory_space<vmem_shared>>
      %dma_wait3A_146 = arith.constant 0 : i32
      %dma_wait3A_147 = arith.constant 0 : i32
      %dma_wait3A_148 = tpu.memref_slice %arg12[%run_scoped3A_95, %dma_wait3A_146, %dma_wait3A_147] : memref<2x80x128xf32, #tpu.memory_space<vmem>> -> memref<1x80x128xf32, #tpu.memory_space<vmem>>
      %dma_wait3A_149 = tpu.memref_squeeze %dma_wait3A_148 : memref<1x80x128xf32, #tpu.memory_space<vmem>> -> memref<80x128xf32, #tpu.memory_space<vmem>>
      tpu.wait_dma2 semaphore(%run_scoped3A_127 : memref<!tpu.dma_semaphore, #tpu.memory_space<semaphore_mem>>) src(%dma_wait3A_149 : memref<80x128xf32, #tpu.memory_space<vmem>>) dst(%dma_wait3A_145 : memref<80x128xf32, #tpu.memory_space<vmem_shared>>)
      tpu.yield
    }) : () -> ()
    %mul3A_96 = arith.constant 640 : i32
    %mul3A_97 = arith.muli %arg1, %mul3A_96 : i32
    %add3A_98 = arith.constant 480 : i32
    %add3A_99 = arith.addi %mul3A_97, %add3A_98 : i32
    %run_scoped3A_100 = arith.constant 0 : i32
    "tpu.region"() ({
      %run_scoped3A_127 = tpu.sem_alloc : memref<!tpu.dma_semaphore, #tpu.memory_space<semaphore_mem>>
      %dma_start3A = arith.constant 0 : i32
      %dma_start3A_128 = tpu.memref_slice %arg13[%run_scoped3A_100, %dma_start3A] : memref<2x80xf32, #tpu.memory_space<vmem>> -> memref<1x80xf32, #tpu.memory_space<vmem>>
      %dma_start3A_129 = tpu.memref_squeeze %dma_start3A_128 : memref<1x80xf32, #tpu.memory_space<vmem>> -> memref<80xf32, #tpu.memory_space<vmem>>
      %dma_start3A_130 = tpu.memref_slice %arg9[%add3A_99] : memref<10240xf32, #tpu.memory_space<vmem_shared>> -> memref<80xf32, #tpu.memory_space<vmem_shared>>
      %dma_start3A_131 = tpu.memref_slice %arg9[%add3A_99] : memref<10240xf32, #tpu.memory_space<vmem_shared>> -> memref<80xf32, #tpu.memory_space<vmem_shared>>
      %dma_start3A_132 = arith.constant 0 : i32
      %dma_start3A_133 = tpu.memref_slice %arg13[%run_scoped3A_100, %dma_start3A_132] : memref<2x80xf32, #tpu.memory_space<vmem>> -> memref<1x80xf32, #tpu.memory_space<vmem>>
      %dma_start3A_134 = tpu.memref_squeeze %dma_start3A_133 : memref<1x80xf32, #tpu.memory_space<vmem>> -> memref<80xf32, #tpu.memory_space<vmem>>
      tpu.enqueue_dma source(%dma_start3A_134 : memref<80xf32, #tpu.memory_space<vmem>>) target(%dma_start3A_131 : memref<80xf32, #tpu.memory_space<vmem_shared>>) target_semaphore(%run_scoped3A_127 : memref<!tpu.dma_semaphore, #tpu.memory_space<semaphore_mem>>)
      %dma_wait3A = arith.constant 0 : i32
      %dma_wait3A_135 = tpu.memref_slice %arg13[%run_scoped3A_100, %dma_wait3A] : memref<2x80xf32, #tpu.memory_space<vmem>> -> memref<1x80xf32, #tpu.memory_space<vmem>>
      %dma_wait3A_136 = tpu.memref_squeeze %dma_wait3A_135 : memref<1x80xf32, #tpu.memory_space<vmem>> -> memref<80xf32, #tpu.memory_space<vmem>>
      %dma_wait3A_137 = tpu.memref_slice %arg9[%add3A_99] : memref<10240xf32, #tpu.memory_space<vmem_shared>> -> memref<80xf32, #tpu.memory_space<vmem_shared>>
      %dma_wait3A_138 = tpu.memref_slice %arg9[%add3A_99] : memref<10240xf32, #tpu.memory_space<vmem_shared>> -> memref<80xf32, #tpu.memory_space<vmem_shared>>
      %dma_wait3A_139 = arith.constant 0 : i32
      %dma_wait3A_140 = tpu.memref_slice %arg13[%run_scoped3A_100, %dma_wait3A_139] : memref<2x80xf32, #tpu.memory_space<vmem>> -> memref<1x80xf32, #tpu.memory_space<vmem>>
      %dma_wait3A_141 = tpu.memref_squeeze %dma_wait3A_140 : memref<1x80xf32, #tpu.memory_space<vmem>> -> memref<80xf32, #tpu.memory_space<vmem>>
      tpu.wait_dma2 semaphore(%run_scoped3A_127 : memref<!tpu.dma_semaphore, #tpu.memory_space<semaphore_mem>>) src(%dma_wait3A_141 : memref<80xf32, #tpu.memory_space<vmem>>) dst(%dma_wait3A_138 : memref<80xf32, #tpu.memory_space<vmem_shared>>)
      tpu.yield
    }) : () -> ()
    %mul3A_101 = arith.constant 640 : i32
    %mul3A_102 = arith.muli %arg1, %mul3A_101 : i32
    %add3A_103 = arith.constant 560 : i32
    %add3A_104 = arith.addi %mul3A_102, %add3A_103 : i32
    %run_scoped3A_105 = arith.constant 0 : i32
    "tpu.region"() ({
      %run_scoped3A_127 = tpu.sem_alloc : memref<!tpu.dma_semaphore, #tpu.memory_space<semaphore_mem>>
      %dma_start3A = arith.constant 0 : i32
      %dma_start3A_128 = arith.constant 0 : i32
      %dma_start3A_129 = tpu.memref_slice %arg12[%run_scoped3A_105, %dma_start3A, %dma_start3A_128] : memref<2x80x128xf32, #tpu.memory_space<vmem>> -> memref<1x80x128xf32, #tpu.memory_space<vmem>>
      %dma_start3A_130 = tpu.memref_squeeze %dma_start3A_129 : memref<1x80x128xf32, #tpu.memory_space<vmem>> -> memref<80x128xf32, #tpu.memory_space<vmem>>
      %dma_start3A_131 = arith.constant 0 : i32
      %dma_start3A_132 = tpu.memref_slice %arg8[%add3A_104, %dma_start3A_131] : memref<10240x128xf32, #tpu.memory_space<vmem_shared>> -> memref<80x128xf32, #tpu.memory_space<vmem_shared>>
      %dma_start3A_133 = arith.constant 0 : i32
      %dma_start3A_134 = tpu.memref_slice %arg8[%add3A_104, %dma_start3A_133] : memref<10240x128xf32, #tpu.memory_space<vmem_shared>> -> memref<80x128xf32, #tpu.memory_space<vmem_shared>>
      %dma_start3A_135 = arith.constant 0 : i32
      %dma_start3A_136 = arith.constant 0 : i32
      %dma_start3A_137 = tpu.memref_slice %arg12[%run_scoped3A_105, %dma_start3A_135, %dma_start3A_136] : memref<2x80x128xf32, #tpu.memory_space<vmem>> -> memref<1x80x128xf32, #tpu.memory_space<vmem>>
      %dma_start3A_138 = tpu.memref_squeeze %dma_start3A_137 : memref<1x80x128xf32, #tpu.memory_space<vmem>> -> memref<80x128xf32, #tpu.memory_space<vmem>>
      tpu.enqueue_dma source(%dma_start3A_138 : memref<80x128xf32, #tpu.memory_space<vmem>>) target(%dma_start3A_134 : memref<80x128xf32, #tpu.memory_space<vmem_shared>>) target_semaphore(%run_scoped3A_127 : memref<!tpu.dma_semaphore, #tpu.memory_space<semaphore_mem>>)
      %dma_wait3A = arith.constant 0 : i32
      %dma_wait3A_139 = arith.constant 0 : i32
      %dma_wait3A_140 = tpu.memref_slice %arg12[%run_scoped3A_105, %dma_wait3A, %dma_wait3A_139] : memref<2x80x128xf32, #tpu.memory_space<vmem>> -> memref<1x80x128xf32, #tpu.memory_space<vmem>>
      %dma_wait3A_141 = tpu.memref_squeeze %dma_wait3A_140 : memref<1x80x128xf32, #tpu.memory_space<vmem>> -> memref<80x128xf32, #tpu.memory_space<vmem>>
      %dma_wait3A_142 = arith.constant 0 : i32
      %dma_wait3A_143 = tpu.memref_slice %arg8[%add3A_104, %dma_wait3A_142] : memref<10240x128xf32, #tpu.memory_space<vmem_shared>> -> memref<80x128xf32, #tpu.memory_space<vmem_shared>>
      %dma_wait3A_144 = arith.constant 0 : i32
      %dma_wait3A_145 = tpu.memref_slice %arg8[%add3A_104, %dma_wait3A_144] : memref<10240x128xf32, #tpu.memory_space<vmem_shared>> -> memref<80x128xf32, #tpu.memory_space<vmem_shared>>
      %dma_wait3A_146 = arith.constant 0 : i32
      %dma_wait3A_147 = arith.constant 0 : i32
      %dma_wait3A_148 = tpu.memref_slice %arg12[%run_scoped3A_105, %dma_wait3A_146, %dma_wait3A_147] : memref<2x80x128xf32, #tpu.memory_space<vmem>> -> memref<1x80x128xf32, #tpu.memory_space<vmem>>
      %dma_wait3A_149 = tpu.memref_squeeze %dma_wait3A_148 : memref<1x80x128xf32, #tpu.memory_space<vmem>> -> memref<80x128xf32, #tpu.memory_space<vmem>>
      tpu.wait_dma2 semaphore(%run_scoped3A_127 : memref<!tpu.dma_semaphore, #tpu.memory_space<semaphore_mem>>) src(%dma_wait3A_149 : memref<80x128xf32, #tpu.memory_space<vmem>>) dst(%dma_wait3A_145 : memref<80x128xf32, #tpu.memory_space<vmem_shared>>)
      tpu.yield
    }) : () -> ()
    %mul3A_106 = arith.constant 640 : i32
    %mul3A_107 = arith.muli %arg1, %mul3A_106 : i32
    %add3A_108 = arith.constant 560 : i32
    %add3A_109 = arith.addi %mul3A_107, %add3A_108 : i32
    %run_scoped3A_110 = arith.constant 0 : i32
    "tpu.region"() ({
      %run_scoped3A_127 = tpu.sem_alloc : memref<!tpu.dma_semaphore, #tpu.memory_space<semaphore_mem>>
      %dma_start3A = arith.constant 0 : i32
      %dma_start3A_128 = tpu.memref_slice %arg13[%run_scoped3A_110, %dma_start3A] : memref<2x80xf32, #tpu.memory_space<vmem>> -> memref<1x80xf32, #tpu.memory_space<vmem>>
      %dma_start3A_129 = tpu.memref_squeeze %dma_start3A_128 : memref<1x80xf32, #tpu.memory_space<vmem>> -> memref<80xf32, #tpu.memory_space<vmem>>
      %dma_start3A_130 = tpu.memref_slice %arg9[%add3A_109] : memref<10240xf32, #tpu.memory_space<vmem_shared>> -> memref<80xf32, #tpu.memory_space<vmem_shared>>
      %dma_start3A_131 = tpu.memref_slice %arg9[%add3A_109] : memref<10240xf32, #tpu.memory_space<vmem_shared>> -> memref<80xf32, #tpu.memory_space<vmem_shared>>
      %dma_start3A_132 = arith.constant 0 : i32
      %dma_start3A_133 = tpu.memref_slice %arg13[%run_scoped3A_110, %dma_start3A_132] : memref<2x80xf32, #tpu.memory_space<vmem>> -> memref<1x80xf32, #tpu.memory_space<vmem>>
      %dma_start3A_134 = tpu.memref_squeeze %dma_start3A_133 : memref<1x80xf32, #tpu.memory_space<vmem>> -> memref<80xf32, #tpu.memory_space<vmem>>
      tpu.enqueue_dma source(%dma_start3A_134 : memref<80xf32, #tpu.memory_space<vmem>>) target(%dma_start3A_131 : memref<80xf32, #tpu.memory_space<vmem_shared>>) target_semaphore(%run_scoped3A_127 : memref<!tpu.dma_semaphore, #tpu.memory_space<semaphore_mem>>)
      %dma_wait3A = arith.constant 0 : i32
      %dma_wait3A_135 = tpu.memref_slice %arg13[%run_scoped3A_110, %dma_wait3A] : memref<2x80xf32, #tpu.memory_space<vmem>> -> memref<1x80xf32, #tpu.memory_space<vmem>>
      %dma_wait3A_136 = tpu.memref_squeeze %dma_wait3A_135 : memref<1x80xf32, #tpu.memory_space<vmem>> -> memref<80xf32, #tpu.memory_space<vmem>>
      %dma_wait3A_137 = tpu.memref_slice %arg9[%add3A_109] : memref<10240xf32, #tpu.memory_space<vmem_shared>> -> memref<80xf32, #tpu.memory_space<vmem_shared>>
      %dma_wait3A_138 = tpu.memref_slice %arg9[%add3A_109] : memref<10240xf32, #tpu.memory_space<vmem_shared>> -> memref<80xf32, #tpu.memory_space<vmem_shared>>
      %dma_wait3A_139 = arith.constant 0 : i32
      %dma_wait3A_140 = tpu.memref_slice %arg13[%run_scoped3A_110, %dma_wait3A_139] : memref<2x80xf32, #tpu.memory_space<vmem>> -> memref<1x80xf32, #tpu.memory_space<vmem>>
      %dma_wait3A_141 = tpu.memref_squeeze %dma_wait3A_140 : memref<1x80xf32, #tpu.memory_space<vmem>> -> memref<80xf32, #tpu.memory_space<vmem>>
      tpu.wait_dma2 semaphore(%run_scoped3A_127 : memref<!tpu.dma_semaphore, #tpu.memory_space<semaphore_mem>>) src(%dma_wait3A_141 : memref<80xf32, #tpu.memory_space<vmem>>) dst(%dma_wait3A_138 : memref<80xf32, #tpu.memory_space<vmem_shared>>)
      tpu.yield
    }) : () -> ()
    %barrier3A = arith.constant 0 : index
    tpu.barrier barrier_id(%barrier3A)
    %eq3A = arith.constant 0 : i32
    %eq3A_111 = arith.cmpi eq, %arg0, %eq3A : i32
    %convert_element_type3A = arith.extui %eq3A_111 : i1 to i32
    %cond3A = arith.constant 0 : i32
    %cond3A_112 = arith.cmpi ne, %convert_element_type3A, %cond3A : i32
    scf.if %cond3A_112 {
      %dma_start3A = arith.constant 0 : i32
      %dma_start3A_127 = arith.constant 0 : i32
      %dma_start3A_128 = arith.constant 0 : i32
      %dma_start3A_129 = tpu.memref_slice %arg10[%dma_start3A_127, %dma_start3A_128] : memref<3x80xi32, #tpu.memory_space<vmem>> -> memref<1x80xi32, #tpu.memory_space<vmem>>
      %dma_start3A_130 = tpu.memref_squeeze %dma_start3A_129 : memref<1x80xi32, #tpu.memory_space<vmem>> -> memref<80xi32, #tpu.memory_space<vmem>>
      %dma_start3A_131 = arith.constant 0 : i32
      %dma_start3A_132 = tpu.memref_slice %arg2[%arg1, %dma_start3A, %dma_start3A_131] : memref<16x256x80xi32, #tpu.memory_space<hbm>> -> memref<1x1x80xi32, #tpu.memory_space<hbm>>
      %dma_start3A_133 = tpu.memref_squeeze %dma_start3A_132 : memref<1x1x80xi32, #tpu.memory_space<hbm>> -> memref<80xi32, #tpu.memory_space<hbm>>
      %dma_start3A_134 = arith.constant 0 : i32
      %dma_start3A_135 = tpu.memref_slice %arg10[%dma_start3A_127, %dma_start3A_134] : memref<3x80xi32, #tpu.memory_space<vmem>> -> memref<1x80xi32, #tpu.memory_space<vmem>>
      %dma_start3A_136 = tpu.memref_squeeze %dma_start3A_135 : memref<1x80xi32, #tpu.memory_space<vmem>> -> memref<80xi32, #tpu.memory_space<vmem>>
      %dma_start3A_137 = arith.constant 0 : i32
      %dma_start3A_138 = tpu.memref_slice %arg2[%arg1, %dma_start3A, %dma_start3A_137] : memref<16x256x80xi32, #tpu.memory_space<hbm>> -> memref<1x1x80xi32, #tpu.memory_space<hbm>>
      %dma_start3A_139 = tpu.memref_squeeze %dma_start3A_138 : memref<1x1x80xi32, #tpu.memory_space<hbm>> -> memref<80xi32, #tpu.memory_space<hbm>>
      tpu.enqueue_dma source(%dma_start3A_139 : memref<80xi32, #tpu.memory_space<hbm>>) target(%dma_start3A_136 : memref<80xi32, #tpu.memory_space<vmem>>) target_semaphore(%arg14 : memref<!tpu.dma_semaphore, #tpu.memory_space<semaphore_mem>>)
      %dma_start3A_140 = arith.constant 0 : i32
      %dma_start3A_141 = arith.constant 0 : i32
      %dma_start3A_142 = arith.constant 0 : i32
      %dma_start3A_143 = tpu.memref_slice %arg11[%dma_start3A_141, %dma_start3A_142] : memref<3x80xi32, #tpu.memory_space<vmem>> -> memref<1x80xi32, #tpu.memory_space<vmem>>
      %dma_start3A_144 = tpu.memref_squeeze %dma_start3A_143 : memref<1x80xi32, #tpu.memory_space<vmem>> -> memref<80xi32, #tpu.memory_space<vmem>>
      %dma_start3A_145 = arith.constant 0 : i32
      %dma_start3A_146 = tpu.memref_slice %arg3[%arg1, %dma_start3A_140, %dma_start3A_145] : memref<16x256x80xi32, #tpu.memory_space<hbm>> -> memref<1x1x80xi32, #tpu.memory_space<hbm>>
      %dma_start3A_147 = tpu.memref_squeeze %dma_start3A_146 : memref<1x1x80xi32, #tpu.memory_space<hbm>> -> memref<80xi32, #tpu.memory_space<hbm>>
      %dma_start3A_148 = arith.constant 0 : i32
      %dma_start3A_149 = tpu.memref_slice %arg11[%dma_start3A_141, %dma_start3A_148] : memref<3x80xi32, #tpu.memory_space<vmem>> -> memref<1x80xi32, #tpu.memory_space<vmem>>
      %dma_start3A_150 = tpu.memref_squeeze %dma_start3A_149 : memref<1x80xi32, #tpu.memory_space<vmem>> -> memref<80xi32, #tpu.memory_space<vmem>>
      %dma_start3A_151 = arith.constant 0 : i32
      %dma_start3A_152 = tpu.memref_slice %arg3[%arg1, %dma_start3A_140, %dma_start3A_151] : memref<16x256x80xi32, #tpu.memory_space<hbm>> -> memref<1x1x80xi32, #tpu.memory_space<hbm>>
      %dma_start3A_153 = tpu.memref_squeeze %dma_start3A_152 : memref<1x1x80xi32, #tpu.memory_space<hbm>> -> memref<80xi32, #tpu.memory_space<hbm>>
      tpu.enqueue_dma source(%dma_start3A_153 : memref<80xi32, #tpu.memory_space<hbm>>) target(%dma_start3A_150 : memref<80xi32, #tpu.memory_space<vmem>>) target_semaphore(%arg14 : memref<!tpu.dma_semaphore, #tpu.memory_space<semaphore_mem>>)
      %dma_wait3A = arith.constant 0 : i32
      %dma_wait3A_154 = arith.constant 0 : i32
      %dma_wait3A_155 = arith.constant 0 : i32
      %dma_wait3A_156 = tpu.memref_slice %arg10[%dma_wait3A_154, %dma_wait3A_155] : memref<3x80xi32, #tpu.memory_space<vmem>> -> memref<1x80xi32, #tpu.memory_space<vmem>>
      %dma_wait3A_157 = tpu.memref_squeeze %dma_wait3A_156 : memref<1x80xi32, #tpu.memory_space<vmem>> -> memref<80xi32, #tpu.memory_space<vmem>>
      %dma_wait3A_158 = arith.constant 0 : i32
      %dma_wait3A_159 = tpu.memref_slice %arg2[%arg1, %dma_wait3A, %dma_wait3A_158] : memref<16x256x80xi32, #tpu.memory_space<hbm>> -> memref<1x1x80xi32, #tpu.memory_space<hbm>>
      %dma_wait3A_160 = tpu.memref_squeeze %dma_wait3A_159 : memref<1x1x80xi32, #tpu.memory_space<hbm>> -> memref<80xi32, #tpu.memory_space<hbm>>
      %dma_wait3A_161 = arith.constant 0 : i32
      %dma_wait3A_162 = tpu.memref_slice %arg10[%dma_wait3A_154, %dma_wait3A_161] : memref<3x80xi32, #tpu.memory_space<vmem>> -> memref<1x80xi32, #tpu.memory_space<vmem>>
      %dma_wait3A_163 = tpu.memref_squeeze %dma_wait3A_162 : memref<1x80xi32, #tpu.memory_space<vmem>> -> memref<80xi32, #tpu.memory_space<vmem>>
      %dma_wait3A_164 = arith.constant 0 : i32
      %dma_wait3A_165 = tpu.memref_slice %arg2[%arg1, %dma_wait3A, %dma_wait3A_164] : memref<16x256x80xi32, #tpu.memory_space<hbm>> -> memref<1x1x80xi32, #tpu.memory_space<hbm>>
      %dma_wait3A_166 = tpu.memref_squeeze %dma_wait3A_165 : memref<1x1x80xi32, #tpu.memory_space<hbm>> -> memref<80xi32, #tpu.memory_space<hbm>>
      tpu.wait_dma2 semaphore(%arg14 : memref<!tpu.dma_semaphore, #tpu.memory_space<semaphore_mem>>) src(%dma_wait3A_166 : memref<80xi32, #tpu.memory_space<hbm>>) dst(%dma_wait3A_163 : memref<80xi32, #tpu.memory_space<vmem>>)
      %dma_wait3A_167 = arith.constant 0 : i32
      %dma_wait3A_168 = arith.constant 0 : i32
      %dma_wait3A_169 = arith.constant 0 : i32
      %dma_wait3A_170 = tpu.memref_slice %arg11[%dma_wait3A_168, %dma_wait3A_169] : memref<3x80xi32, #tpu.memory_space<vmem>> -> memref<1x80xi32, #tpu.memory_space<vmem>>
      %dma_wait3A_171 = tpu.memref_squeeze %dma_wait3A_170 : memref<1x80xi32, #tpu.memory_space<vmem>> -> memref<80xi32, #tpu.memory_space<vmem>>
      %dma_wait3A_172 = arith.constant 0 : i32
      %dma_wait3A_173 = tpu.memref_slice %arg3[%arg1, %dma_wait3A_167, %dma_wait3A_172] : memref<16x256x80xi32, #tpu.memory_space<hbm>> -> memref<1x1x80xi32, #tpu.memory_space<hbm>>
      %dma_wait3A_174 = tpu.memref_squeeze %dma_wait3A_173 : memref<1x1x80xi32, #tpu.memory_space<hbm>> -> memref<80xi32, #tpu.memory_space<hbm>>
      %dma_wait3A_175 = arith.constant 0 : i32
      %dma_wait3A_176 = tpu.memref_slice %arg11[%dma_wait3A_168, %dma_wait3A_175] : memref<3x80xi32, #tpu.memory_space<vmem>> -> memref<1x80xi32, #tpu.memory_space<vmem>>
      %dma_wait3A_177 = tpu.memref_squeeze %dma_wait3A_176 : memref<1x80xi32, #tpu.memory_space<vmem>> -> memref<80xi32, #tpu.memory_space<vmem>>
      %dma_wait3A_178 = arith.constant 0 : i32
      %dma_wait3A_179 = tpu.memref_slice %arg3[%arg1, %dma_wait3A_167, %dma_wait3A_178] : memref<16x256x80xi32, #tpu.memory_space<hbm>> -> memref<1x1x80xi32, #tpu.memory_space<hbm>>
      %dma_wait3A_180 = tpu.memref_squeeze %dma_wait3A_179 : memref<1x1x80xi32, #tpu.memory_space<hbm>> -> memref<80xi32, #tpu.memory_space<hbm>>
      tpu.wait_dma2 semaphore(%arg14 : memref<!tpu.dma_semaphore, #tpu.memory_space<semaphore_mem>>) src(%dma_wait3A_180 : memref<80xi32, #tpu.memory_space<hbm>>) dst(%dma_wait3A_177 : memref<80xi32, #tpu.memory_space<vmem>>)
      %dma_start3A_181 = arith.constant 0 : i32
      %dma_start3A_182 = arith.constant 0 : i32
      %dma_start3A_183 = arith.constant 0 : i32
      %dma_start3A_184 = arith.constant 0 : i32
      %dma_start3A_185 = tpu.memref_slice %arg12[%dma_start3A_182, %dma_start3A_183, %dma_start3A_184] : memref<2x80x128xf32, #tpu.memory_space<vmem>> -> memref<1x80x128xf32, #tpu.memory_space<vmem>>
      %dma_start3A_186 = tpu.memref_squeeze %dma_start3A_185 : memref<1x80x128xf32, #tpu.memory_space<vmem>> -> memref<80x128xf32, #tpu.memory_space<vmem>>
      %dma_start3A_187 = arith.constant 0 : i32
      %dma_start3A_188 = tpu.memref_slice %arg10[%dma_start3A_181, %dma_start3A_187] : memref<3x80xi32, #tpu.memory_space<vmem>> -> memref<1x80xi32, #tpu.memory_space<vmem>>
      %dma_start3A_189 = tpu.memref_squeeze %dma_start3A_188 : memref<1x80xi32, #tpu.memory_space<vmem>> -> memref<80xi32, #tpu.memory_space<vmem>>
      %dma_start3A_190 = arith.constant 0 : i32
      %dma_start3A_191 = arith.constant 0 : i32
      %dma_start3A_192 = tpu.memref_slice %arg4[%dma_start3A_190, %dma_start3A_191] : memref<10240x128xf32, #tpu.memory_space<hbm>> -> memref<10240x128xf32, #tpu.memory_space<hbm>>
      tpu.enqueue_indirect_dma source(%dma_start3A_192 : memref<10240x128xf32, #tpu.memory_space<hbm>>) target(%dma_start3A_186 : memref<80x128xf32, #tpu.memory_space<vmem>>) offsets(%dma_start3A_189 : memref<80xi32, #tpu.memory_space<vmem>>) semaphore(%arg15 : memref<!tpu.dma_semaphore, #tpu.memory_space<semaphore_mem>>)
      %dma_start3A_193 = arith.constant 0 : i32
      %dma_start3A_194 = arith.constant 0 : i32
      %dma_start3A_195 = arith.constant 0 : i32
      %dma_start3A_196 = tpu.memref_slice %arg13[%dma_start3A_194, %dma_start3A_195] : memref<2x80xf32, #tpu.memory_space<vmem>> -> memref<1x80xf32, #tpu.memory_space<vmem>>
      %dma_start3A_197 = tpu.memref_squeeze %dma_start3A_196 : memref<1x80xf32, #tpu.memory_space<vmem>> -> memref<80xf32, #tpu.memory_space<vmem>>
      %dma_start3A_198 = arith.constant 0 : i32
      %dma_start3A_199 = tpu.memref_slice %arg11[%dma_start3A_193, %dma_start3A_198] : memref<3x80xi32, #tpu.memory_space<vmem>> -> memref<1x80xi32, #tpu.memory_space<vmem>>
      %dma_start3A_200 = tpu.memref_squeeze %dma_start3A_199 : memref<1x80xi32, #tpu.memory_space<vmem>> -> memref<80xi32, #tpu.memory_space<vmem>>
      %dma_start3A_201 = arith.constant 0 : i32
      %dma_start3A_202 = tpu.memref_slice %arg5[%dma_start3A_201] : memref<10240xf32, #tpu.memory_space<hbm>> -> memref<10240xf32, #tpu.memory_space<hbm>>
      tpu.enqueue_indirect_dma source(%dma_start3A_202 : memref<10240xf32, #tpu.memory_space<hbm>>) target(%dma_start3A_197 : memref<80xf32, #tpu.memory_space<vmem>>) offsets(%dma_start3A_200 : memref<80xi32, #tpu.memory_space<vmem>>) semaphore(%arg17 : memref<!tpu.dma_semaphore, #tpu.memory_space<semaphore_mem>>)
      %dma_start3A_203 = arith.constant 1 : i32
      %dma_start3A_204 = arith.constant 1 : i32
      %dma_start3A_205 = arith.constant 0 : i32
      %dma_start3A_206 = tpu.memref_slice %arg10[%dma_start3A_204, %dma_start3A_205] : memref<3x80xi32, #tpu.memory_space<vmem>> -> memref<1x80xi32, #tpu.memory_space<vmem>>
      %dma_start3A_207 = tpu.memref_squeeze %dma_start3A_206 : memref<1x80xi32, #tpu.memory_space<vmem>> -> memref<80xi32, #tpu.memory_space<vmem>>
      %dma_start3A_208 = arith.constant 0 : i32
      %dma_start3A_209 = tpu.memref_slice %arg2[%arg1, %dma_start3A_203, %dma_start3A_208] : memref<16x256x80xi32, #tpu.memory_space<hbm>> -> memref<1x1x80xi32, #tpu.memory_space<hbm>>
      %dma_start3A_210 = tpu.memref_squeeze %dma_start3A_209 : memref<1x1x80xi32, #tpu.memory_space<hbm>> -> memref<80xi32, #tpu.memory_space<hbm>>
      %dma_start3A_211 = arith.constant 0 : i32
      %dma_start3A_212 = tpu.memref_slice %arg10[%dma_start3A_204, %dma_start3A_211] : memref<3x80xi32, #tpu.memory_space<vmem>> -> memref<1x80xi32, #tpu.memory_space<vmem>>
      %dma_start3A_213 = tpu.memref_squeeze %dma_start3A_212 : memref<1x80xi32, #tpu.memory_space<vmem>> -> memref<80xi32, #tpu.memory_space<vmem>>
      %dma_start3A_214 = arith.constant 0 : i32
      %dma_start3A_215 = tpu.memref_slice %arg2[%arg1, %dma_start3A_203, %dma_start3A_214] : memref<16x256x80xi32, #tpu.memory_space<hbm>> -> memref<1x1x80xi32, #tpu.memory_space<hbm>>
      %dma_start3A_216 = tpu.memref_squeeze %dma_start3A_215 : memref<1x1x80xi32, #tpu.memory_space<hbm>> -> memref<80xi32, #tpu.memory_space<hbm>>
      tpu.enqueue_dma source(%dma_start3A_216 : memref<80xi32, #tpu.memory_space<hbm>>) target(%dma_start3A_213 : memref<80xi32, #tpu.memory_space<vmem>>) target_semaphore(%arg14 : memref<!tpu.dma_semaphore, #tpu.memory_space<semaphore_mem>>)
      %dma_start3A_217 = arith.constant 1 : i32
      %dma_start3A_218 = arith.constant 1 : i32
      %dma_start3A_219 = arith.constant 0 : i32
      %dma_start3A_220 = tpu.memref_slice %arg11[%dma_start3A_218, %dma_start3A_219] : memref<3x80xi32, #tpu.memory_space<vmem>> -> memref<1x80xi32, #tpu.memory_space<vmem>>
      %dma_start3A_221 = tpu.memref_squeeze %dma_start3A_220 : memref<1x80xi32, #tpu.memory_space<vmem>> -> memref<80xi32, #tpu.memory_space<vmem>>
      %dma_start3A_222 = arith.constant 0 : i32
      %dma_start3A_223 = tpu.memref_slice %arg3[%arg1, %dma_start3A_217, %dma_start3A_222] : memref<16x256x80xi32, #tpu.memory_space<hbm>> -> memref<1x1x80xi32, #tpu.memory_space<hbm>>
      %dma_start3A_224 = tpu.memref_squeeze %dma_start3A_223 : memref<1x1x80xi32, #tpu.memory_space<hbm>> -> memref<80xi32, #tpu.memory_space<hbm>>
      %dma_start3A_225 = arith.constant 0 : i32
      %dma_start3A_226 = tpu.memref_slice %arg11[%dma_start3A_218, %dma_start3A_225] : memref<3x80xi32, #tpu.memory_space<vmem>> -> memref<1x80xi32, #tpu.memory_space<vmem>>
      %dma_start3A_227 = tpu.memref_squeeze %dma_start3A_226 : memref<1x80xi32, #tpu.memory_space<vmem>> -> memref<80xi32, #tpu.memory_space<vmem>>
      %dma_start3A_228 = arith.constant 0 : i32
      %dma_start3A_229 = tpu.memref_slice %arg3[%arg1, %dma_start3A_217, %dma_start3A_228] : memref<16x256x80xi32, #tpu.memory_space<hbm>> -> memref<1x1x80xi32, #tpu.memory_space<hbm>>
      %dma_start3A_230 = tpu.memref_squeeze %dma_start3A_229 : memref<1x1x80xi32, #tpu.memory_space<hbm>> -> memref<80xi32, #tpu.memory_space<hbm>>
      tpu.enqueue_dma source(%dma_start3A_230 : memref<80xi32, #tpu.memory_space<hbm>>) target(%dma_start3A_227 : memref<80xi32, #tpu.memory_space<vmem>>) target_semaphore(%arg14 : memref<!tpu.dma_semaphore, #tpu.memory_space<semaphore_mem>>)
      %scan3A_231 = arith.constant 0 : i32
      %scan3A_232 = arith.constant 180 : i32
      %scan3A_233 = arith.addi %scan3A_231, %scan3A_232 : i32
      %scan3A_234 = arith.constant 1 : i32
      scf.for %scan3A_258 = %scan3A_231 to %scan3A_233 step %scan3A_234  : i32 {
        %jit3A = arith.constant 3 : i32
        %eq3A_259 = arith.constant 0 : i32
        %eq3A_260 = arith.cmpi eq, %jit3A, %eq3A_259 : i32
        %jit3A_261 = arith.constant 1 : i32
        %select_n3A = arith.select %eq3A_260, %jit3A_261, %jit3A : i32
        %rem3A = arith.remsi %scan3A_258, %select_n3A : i32
        %ne3A = arith.constant 0 : i32
        %ne3A_262 = arith.cmpi ne, %rem3A, %ne3A : i32
        %lt3A = arith.constant 0 : i32
        %lt3A_263 = arith.cmpi slt, %rem3A, %lt3A : i32
        %lt3A_264 = arith.constant 0 : i32
        %lt3A_265 = arith.cmpi slt, %select_n3A, %lt3A_264 : i32
        %ne3A_266 = arith.xori %lt3A_263, %lt3A_265 : i1
        %and3A = arith.andi %ne3A_266, %ne3A_262 : i1
        %add3A_267 = arith.addi %rem3A, %select_n3A : i32
        %select_n3A_268 = arith.select %and3A, %add3A_267, %rem3A : i32
        %jit3A_269 = arith.constant 2 : i32
        %eq3A_270 = arith.constant 0 : i32
        %eq3A_271 = arith.cmpi eq, %jit3A_269, %eq3A_270 : i32
        %jit3A_272 = arith.constant 1 : i32
        %select_n3A_273 = arith.select %eq3A_271, %jit3A_272, %jit3A_269 : i32
        %rem3A_274 = arith.remsi %scan3A_258, %select_n3A_273 : i32
        %ne3A_275 = arith.constant 0 : i32
        %ne3A_276 = arith.cmpi ne, %rem3A_274, %ne3A_275 : i32
        %lt3A_277 = arith.constant 0 : i32
        %lt3A_278 = arith.cmpi slt, %rem3A_274, %lt3A_277 : i32
        %lt3A_279 = arith.constant 0 : i32
        %lt3A_280 = arith.cmpi slt, %select_n3A_273, %lt3A_279 : i32
        %ne3A_281 = arith.xori %lt3A_278, %lt3A_280 : i1
        %and3A_282 = arith.andi %ne3A_281, %ne3A_276 : i1
        %add3A_283 = arith.addi %rem3A_274, %select_n3A_273 : i32
        %select_n3A_284 = arith.select %and3A_282, %add3A_283, %rem3A_274 : i32
        %dma_wait3A_285 = arith.constant 0 : i32
        %dma_wait3A_286 = arith.constant 0 : i32
        %dma_wait3A_287 = tpu.memref_slice %arg12[%select_n3A_284, %dma_wait3A_285, %dma_wait3A_286] : memref<2x80x128xf32, #tpu.memory_space<vmem>> -> memref<1x80x128xf32, #tpu.memory_space<vmem>>
        %dma_wait3A_288 = tpu.memref_squeeze %dma_wait3A_287 : memref<1x80x128xf32, #tpu.memory_space<vmem>> -> memref<80x128xf32, #tpu.memory_space<vmem>>
        %dma_wait3A_289 = arith.constant 0 : i32
        %dma_wait3A_290 = tpu.memref_slice %arg10[%select_n3A_268, %dma_wait3A_289] : memref<3x80xi32, #tpu.memory_space<vmem>> -> memref<1x80xi32, #tpu.memory_space<vmem>>
        %dma_wait3A_291 = tpu.memref_squeeze %dma_wait3A_290 : memref<1x80xi32, #tpu.memory_space<vmem>> -> memref<80xi32, #tpu.memory_space<vmem>>
        %dma_wait3A_292 = arith.constant 0 : i32
        %dma_wait3A_293 = arith.constant 0 : i32
        %dma_wait3A_294 = tpu.memref_slice %arg4[%dma_wait3A_292, %dma_wait3A_293] : memref<10240x128xf32, #tpu.memory_space<hbm>> -> memref<10240x128xf32, #tpu.memory_space<hbm>>
        tpu.wait_indirect_dma semaphore(%arg15 : memref<!tpu.dma_semaphore, #tpu.memory_space<semaphore_mem>>) src(%dma_wait3A_294 : memref<10240x128xf32, #tpu.memory_space<hbm>>) dst(%dma_wait3A_288 : memref<80x128xf32, #tpu.memory_space<vmem>>)
        %jit3A_295 = arith.constant 2 : i32
        %eq3A_296 = arith.constant 0 : i32
        %eq3A_297 = arith.cmpi eq, %jit3A_295, %eq3A_296 : i32
        %jit3A_298 = arith.constant 1 : i32
        %select_n3A_299 = arith.select %eq3A_297, %jit3A_298, %jit3A_295 : i32
        %rem3A_300 = arith.remsi %scan3A_258, %select_n3A_299 : i32
        %ne3A_301 = arith.constant 0 : i32
        %ne3A_302 = arith.cmpi ne, %rem3A_300, %ne3A_301 : i32
        %lt3A_303 = arith.constant 0 : i32
        %lt3A_304 = arith.cmpi slt, %rem3A_300, %lt3A_303 : i32
        %lt3A_305 = arith.constant 0 : i32
        %lt3A_306 = arith.cmpi slt, %select_n3A_299, %lt3A_305 : i32
        %ne3A_307 = arith.xori %lt3A_304, %lt3A_306 : i1
        %and3A_308 = arith.andi %ne3A_307, %ne3A_302 : i1
        %add3A_309 = arith.addi %rem3A_300, %select_n3A_299 : i32
        %select_n3A_310 = arith.select %and3A_308, %add3A_309, %rem3A_300 : i32
        %jit3A_311 = arith.constant 3 : i32
        %eq3A_312 = arith.constant 0 : i32
        %eq3A_313 = arith.cmpi eq, %jit3A_311, %eq3A_312 : i32
        %jit3A_314 = arith.constant 1 : i32
        %select_n3A_315 = arith.select %eq3A_313, %jit3A_314, %jit3A_311 : i32
        %rem3A_316 = arith.remsi %scan3A_258, %select_n3A_315 : i32
        %ne3A_317 = arith.constant 0 : i32
        %ne3A_318 = arith.cmpi ne, %rem3A_316, %ne3A_317 : i32
        %lt3A_319 = arith.constant 0 : i32
        %lt3A_320 = arith.cmpi slt, %rem3A_316, %lt3A_319 : i32
        %lt3A_321 = arith.constant 0 : i32
        %lt3A_322 = arith.cmpi slt, %select_n3A_315, %lt3A_321 : i32
        %ne3A_323 = arith.xori %lt3A_320, %lt3A_322 : i1
        %and3A_324 = arith.andi %ne3A_323, %ne3A_318 : i1
        %add3A_325 = arith.addi %rem3A_316, %select_n3A_315 : i32
        %select_n3A_326 = arith.select %and3A_324, %add3A_325, %rem3A_316 : i32
        %dma_start3A_327 = arith.constant 0 : i32
        %dma_start3A_328 = arith.constant 0 : i32
        %dma_start3A_329 = tpu.memref_slice %arg12[%select_n3A_310, %dma_start3A_327, %dma_start3A_328] : memref<2x80x128xf32, #tpu.memory_space<vmem>> -> memref<1x80x128xf32, #tpu.memory_space<vmem>>
        %dma_start3A_330 = tpu.memref_squeeze %dma_start3A_329 : memref<1x80x128xf32, #tpu.memory_space<vmem>> -> memref<80x128xf32, #tpu.memory_space<vmem>>
        %dma_start3A_331 = arith.constant 0 : i32
        %dma_start3A_332 = tpu.memref_slice %arg11[%select_n3A_326, %dma_start3A_331] : memref<3x80xi32, #tpu.memory_space<vmem>> -> memref<1x80xi32, #tpu.memory_space<vmem>>
        %dma_start3A_333 = tpu.memref_squeeze %dma_start3A_332 : memref<1x80xi32, #tpu.memory_space<vmem>> -> memref<80xi32, #tpu.memory_space<vmem>>
        %dma_start3A_334 = arith.constant 0 : i32
        %dma_start3A_335 = arith.constant 0 : i32
        %dma_start3A_336 = tpu.memref_slice %arg8[%dma_start3A_334, %dma_start3A_335] : memref<10240x128xf32, #tpu.memory_space<vmem_shared>> -> memref<10240x128xf32, #tpu.memory_space<vmem_shared>>
        tpu.enqueue_indirect_dma source(%dma_start3A_330 : memref<80x128xf32, #tpu.memory_space<vmem>>) target(%dma_start3A_336 : memref<10240x128xf32, #tpu.memory_space<vmem_shared>>) offsets(%dma_start3A_333 : memref<80xi32, #tpu.memory_space<vmem>>) semaphore(%arg16 : memref<!tpu.dma_semaphore, #tpu.memory_space<semaphore_mem>>) {add = true}
        %jit3A_337 = arith.constant 3 : i32
        %eq3A_338 = arith.constant 0 : i32
        %eq3A_339 = arith.cmpi eq, %jit3A_337, %eq3A_338 : i32
        %jit3A_340 = arith.constant 1 : i32
        %select_n3A_341 = arith.select %eq3A_339, %jit3A_340, %jit3A_337 : i32
        %rem3A_342 = arith.remsi %scan3A_258, %select_n3A_341 : i32
        %ne3A_343 = arith.constant 0 : i32
        %ne3A_344 = arith.cmpi ne, %rem3A_342, %ne3A_343 : i32
        %lt3A_345 = arith.constant 0 : i32
        %lt3A_346 = arith.cmpi slt, %rem3A_342, %lt3A_345 : i32
        %lt3A_347 = arith.constant 0 : i32
        %lt3A_348 = arith.cmpi slt, %select_n3A_341, %lt3A_347 : i32
        %ne3A_349 = arith.xori %lt3A_346, %lt3A_348 : i1
        %and3A_350 = arith.andi %ne3A_349, %ne3A_344 : i1
        %add3A_351 = arith.addi %rem3A_342, %select_n3A_341 : i32
        %select_n3A_352 = arith.select %and3A_350, %add3A_351, %rem3A_342 : i32
        %jit3A_353 = arith.constant 2 : i32
        %eq3A_354 = arith.constant 0 : i32
        %eq3A_355 = arith.cmpi eq, %jit3A_353, %eq3A_354 : i32
        %jit3A_356 = arith.constant 1 : i32
        %select_n3A_357 = arith.select %eq3A_355, %jit3A_356, %jit3A_353 : i32
        %rem3A_358 = arith.remsi %scan3A_258, %select_n3A_357 : i32
        %ne3A_359 = arith.constant 0 : i32
        %ne3A_360 = arith.cmpi ne, %rem3A_358, %ne3A_359 : i32
        %lt3A_361 = arith.constant 0 : i32
        %lt3A_362 = arith.cmpi slt, %rem3A_358, %lt3A_361 : i32
        %lt3A_363 = arith.constant 0 : i32
        %lt3A_364 = arith.cmpi slt, %select_n3A_357, %lt3A_363 : i32
        %ne3A_365 = arith.xori %lt3A_362, %lt3A_364 : i1
        %and3A_366 = arith.andi %ne3A_365, %ne3A_360 : i1
        %add3A_367 = arith.addi %rem3A_358, %select_n3A_357 : i32
        %select_n3A_368 = arith.select %and3A_366, %add3A_367, %rem3A_358 : i32
        %dma_wait3A_369 = arith.constant 0 : i32
        %dma_wait3A_370 = tpu.memref_slice %arg13[%select_n3A_368, %dma_wait3A_369] : memref<2x80xf32, #tpu.memory_space<vmem>> -> memref<1x80xf32, #tpu.memory_space<vmem>>
        %dma_wait3A_371 = tpu.memref_squeeze %dma_wait3A_370 : memref<1x80xf32, #tpu.memory_space<vmem>> -> memref<80xf32, #tpu.memory_space<vmem>>
        %dma_wait3A_372 = arith.constant 0 : i32
        %dma_wait3A_373 = tpu.memref_slice %arg11[%select_n3A_352, %dma_wait3A_372] : memref<3x80xi32, #tpu.memory_space<vmem>> -> memref<1x80xi32, #tpu.memory_space<vmem>>
        %dma_wait3A_374 = tpu.memref_squeeze %dma_wait3A_373 : memref<1x80xi32, #tpu.memory_space<vmem>> -> memref<80xi32, #tpu.memory_space<vmem>>
        %dma_wait3A_375 = arith.constant 0 : i32
        %dma_wait3A_376 = tpu.memref_slice %arg5[%dma_wait3A_375] : memref<10240xf32, #tpu.memory_space<hbm>> -> memref<10240xf32, #tpu.memory_space<hbm>>
        tpu.wait_indirect_dma semaphore(%arg17 : memref<!tpu.dma_semaphore, #tpu.memory_space<semaphore_mem>>) src(%dma_wait3A_376 : memref<10240xf32, #tpu.memory_space<hbm>>) dst(%dma_wait3A_371 : memref<80xf32, #tpu.memory_space<vmem>>)
        %jit3A_377 = arith.constant 2 : i32
        %eq3A_378 = arith.constant 0 : i32
        %eq3A_379 = arith.cmpi eq, %jit3A_377, %eq3A_378 : i32
        %jit3A_380 = arith.constant 1 : i32
        %select_n3A_381 = arith.select %eq3A_379, %jit3A_380, %jit3A_377 : i32
        %rem3A_382 = arith.remsi %scan3A_258, %select_n3A_381 : i32
        %ne3A_383 = arith.constant 0 : i32
        %ne3A_384 = arith.cmpi ne, %rem3A_382, %ne3A_383 : i32
        %lt3A_385 = arith.constant 0 : i32
        %lt3A_386 = arith.cmpi slt, %rem3A_382, %lt3A_385 : i32
        %lt3A_387 = arith.constant 0 : i32
        %lt3A_388 = arith.cmpi slt, %select_n3A_381, %lt3A_387 : i32
        %ne3A_389 = arith.xori %lt3A_386, %lt3A_388 : i1
        %and3A_390 = arith.andi %ne3A_389, %ne3A_384 : i1
        %add3A_391 = arith.addi %rem3A_382, %select_n3A_381 : i32
        %select_n3A_392 = arith.select %and3A_390, %add3A_391, %rem3A_382 : i32
        %jit3A_393 = arith.constant 3 : i32
        %eq3A_394 = arith.constant 0 : i32
        %eq3A_395 = arith.cmpi eq, %jit3A_393, %eq3A_394 : i32
        %jit3A_396 = arith.constant 1 : i32
        %select_n3A_397 = arith.select %eq3A_395, %jit3A_396, %jit3A_393 : i32
        %rem3A_398 = arith.remsi %scan3A_258, %select_n3A_397 : i32
        %ne3A_399 = arith.constant 0 : i32
        %ne3A_400 = arith.cmpi ne, %rem3A_398, %ne3A_399 : i32
        %lt3A_401 = arith.constant 0 : i32
        %lt3A_402 = arith.cmpi slt, %rem3A_398, %lt3A_401 : i32
        %lt3A_403 = arith.constant 0 : i32
        %lt3A_404 = arith.cmpi slt, %select_n3A_397, %lt3A_403 : i32
        %ne3A_405 = arith.xori %lt3A_402, %lt3A_404 : i1
        %and3A_406 = arith.andi %ne3A_405, %ne3A_400 : i1
        %add3A_407 = arith.addi %rem3A_398, %select_n3A_397 : i32
        %select_n3A_408 = arith.select %and3A_406, %add3A_407, %rem3A_398 : i32
        %dma_start3A_409 = arith.constant 0 : i32
        %dma_start3A_410 = tpu.memref_slice %arg13[%select_n3A_392, %dma_start3A_409] : memref<2x80xf32, #tpu.memory_space<vmem>> -> memref<1x80xf32, #tpu.memory_space<vmem>>
        %dma_start3A_411 = tpu.memref_squeeze %dma_start3A_410 : memref<1x80xf32, #tpu.memory_space<vmem>> -> memref<80xf32, #tpu.memory_space<vmem>>
        %dma_start3A_412 = arith.constant 0 : i32
        %dma_start3A_413 = tpu.memref_slice %arg10[%select_n3A_408, %dma_start3A_412] : memref<3x80xi32, #tpu.memory_space<vmem>> -> memref<1x80xi32, #tpu.memory_space<vmem>>
        %dma_start3A_414 = tpu.memref_squeeze %dma_start3A_413 : memref<1x80xi32, #tpu.memory_space<vmem>> -> memref<80xi32, #tpu.memory_space<vmem>>
        %dma_start3A_415 = arith.constant 0 : i32
        %dma_start3A_416 = tpu.memref_slice %arg9[%dma_start3A_415] : memref<10240xf32, #tpu.memory_space<vmem_shared>> -> memref<10240xf32, #tpu.memory_space<vmem_shared>>
        tpu.enqueue_indirect_dma source(%dma_start3A_411 : memref<80xf32, #tpu.memory_space<vmem>>) target(%dma_start3A_416 : memref<10240xf32, #tpu.memory_space<vmem_shared>>) offsets(%dma_start3A_414 : memref<80xi32, #tpu.memory_space<vmem>>) semaphore(%arg18 : memref<!tpu.dma_semaphore, #tpu.memory_space<semaphore_mem>>) {add = true}
        %ge3A = arith.constant 1 : i32
        %ge3A_417 = arith.cmpi sge, %scan3A_258, %ge3A : i32
        %convert_element_type3A_418 = arith.extui %ge3A_417 : i1 to i32
        %cond3A_419 = arith.constant 0 : i32
        %cond3A_420 = arith.cmpi ne, %convert_element_type3A_418, %cond3A_419 : i32
        scf.if %cond3A_420 {
          %sub3A = arith.constant 1 : i32
          %sub3A_435 = arith.subi %scan3A_258, %sub3A : i32
          %jit3A_436 = arith.constant 2 : i32
          %eq3A_437 = arith.constant 0 : i32
          %eq3A_438 = arith.cmpi eq, %jit3A_436, %eq3A_437 : i32
          %jit3A_439 = arith.constant 1 : i32
          %select_n3A_440 = arith.select %eq3A_438, %jit3A_439, %jit3A_436 : i32
          %rem3A_441 = arith.remsi %sub3A_435, %select_n3A_440 : i32
          %ne3A_442 = arith.constant 0 : i32
          %ne3A_443 = arith.cmpi ne, %rem3A_441, %ne3A_442 : i32
          %lt3A_444 = arith.constant 0 : i32
          %lt3A_445 = arith.cmpi slt, %rem3A_441, %lt3A_444 : i32
          %lt3A_446 = arith.constant 0 : i32
          %lt3A_447 = arith.cmpi slt, %select_n3A_440, %lt3A_446 : i32
          %ne3A_448 = arith.xori %lt3A_445, %lt3A_447 : i1
          %and3A_449 = arith.andi %ne3A_448, %ne3A_443 : i1
          %add3A_450 = arith.addi %rem3A_441, %select_n3A_440 : i32
          %select_n3A_451 = arith.select %and3A_449, %add3A_450, %rem3A_441 : i32
          %jit3A_452 = arith.constant 3 : i32
          %eq3A_453 = arith.constant 0 : i32
          %eq3A_454 = arith.cmpi eq, %jit3A_452, %eq3A_453 : i32
          %jit3A_455 = arith.constant 1 : i32
          %select_n3A_456 = arith.select %eq3A_454, %jit3A_455, %jit3A_452 : i32
          %rem3A_457 = arith.remsi %sub3A_435, %select_n3A_456 : i32
          %ne3A_458 = arith.constant 0 : i32
          %ne3A_459 = arith.cmpi ne, %rem3A_457, %ne3A_458 : i32
          %lt3A_460 = arith.constant 0 : i32
          %lt3A_461 = arith.cmpi slt, %rem3A_457, %lt3A_460 : i32
          %lt3A_462 = arith.constant 0 : i32
          %lt3A_463 = arith.cmpi slt, %select_n3A_456, %lt3A_462 : i32
          %ne3A_464 = arith.xori %lt3A_461, %lt3A_463 : i1
          %and3A_465 = arith.andi %ne3A_464, %ne3A_459 : i1
          %add3A_466 = arith.addi %rem3A_457, %select_n3A_456 : i32
          %select_n3A_467 = arith.select %and3A_465, %add3A_466, %rem3A_457 : i32
          %dma_wait3A_468 = arith.constant 0 : i32
          %dma_wait3A_469 = arith.constant 0 : i32
          %dma_wait3A_470 = tpu.memref_slice %arg12[%select_n3A_451, %dma_wait3A_468, %dma_wait3A_469] : memref<2x80x128xf32, #tpu.memory_space<vmem>> -> memref<1x80x128xf32, #tpu.memory_space<vmem>>
          %dma_wait3A_471 = tpu.memref_squeeze %dma_wait3A_470 : memref<1x80x128xf32, #tpu.memory_space<vmem>> -> memref<80x128xf32, #tpu.memory_space<vmem>>
          %dma_wait3A_472 = arith.constant 0 : i32
          %dma_wait3A_473 = tpu.memref_slice %arg11[%select_n3A_467, %dma_wait3A_472] : memref<3x80xi32, #tpu.memory_space<vmem>> -> memref<1x80xi32, #tpu.memory_space<vmem>>
          %dma_wait3A_474 = tpu.memref_squeeze %dma_wait3A_473 : memref<1x80xi32, #tpu.memory_space<vmem>> -> memref<80xi32, #tpu.memory_space<vmem>>
          %dma_wait3A_475 = arith.constant 0 : i32
          %dma_wait3A_476 = arith.constant 0 : i32
          %dma_wait3A_477 = tpu.memref_slice %arg8[%dma_wait3A_475, %dma_wait3A_476] : memref<10240x128xf32, #tpu.memory_space<vmem_shared>> -> memref<10240x128xf32, #tpu.memory_space<vmem_shared>>
          tpu.wait_indirect_dma semaphore(%arg16 : memref<!tpu.dma_semaphore, #tpu.memory_space<semaphore_mem>>) src(%dma_wait3A_471 : memref<80x128xf32, #tpu.memory_space<vmem>>) dst(%dma_wait3A_477 : memref<10240x128xf32, #tpu.memory_space<vmem_shared>>)
          %sub3A_478 = arith.constant 1 : i32
          %sub3A_479 = arith.subi %scan3A_258, %sub3A_478 : i32
          %jit3A_480 = arith.constant 2 : i32
          %eq3A_481 = arith.constant 0 : i32
          %eq3A_482 = arith.cmpi eq, %jit3A_480, %eq3A_481 : i32
          %jit3A_483 = arith.constant 1 : i32
          %select_n3A_484 = arith.select %eq3A_482, %jit3A_483, %jit3A_480 : i32
          %rem3A_485 = arith.remsi %sub3A_479, %select_n3A_484 : i32
          %ne3A_486 = arith.constant 0 : i32
          %ne3A_487 = arith.cmpi ne, %rem3A_485, %ne3A_486 : i32
          %lt3A_488 = arith.constant 0 : i32
          %lt3A_489 = arith.cmpi slt, %rem3A_485, %lt3A_488 : i32
          %lt3A_490 = arith.constant 0 : i32
          %lt3A_491 = arith.cmpi slt, %select_n3A_484, %lt3A_490 : i32
          %ne3A_492 = arith.xori %lt3A_489, %lt3A_491 : i1
          %and3A_493 = arith.andi %ne3A_492, %ne3A_487 : i1
          %add3A_494 = arith.addi %rem3A_485, %select_n3A_484 : i32
          %select_n3A_495 = arith.select %and3A_493, %add3A_494, %rem3A_485 : i32
          %jit3A_496 = arith.constant 3 : i32
          %eq3A_497 = arith.constant 0 : i32
          %eq3A_498 = arith.cmpi eq, %jit3A_496, %eq3A_497 : i32
          %jit3A_499 = arith.constant 1 : i32
          %select_n3A_500 = arith.select %eq3A_498, %jit3A_499, %jit3A_496 : i32
          %rem3A_501 = arith.remsi %sub3A_479, %select_n3A_500 : i32
          %ne3A_502 = arith.constant 0 : i32
          %ne3A_503 = arith.cmpi ne, %rem3A_501, %ne3A_502 : i32
          %lt3A_504 = arith.constant 0 : i32
          %lt3A_505 = arith.cmpi slt, %rem3A_501, %lt3A_504 : i32
          %lt3A_506 = arith.constant 0 : i32
          %lt3A_507 = arith.cmpi slt, %select_n3A_500, %lt3A_506 : i32
          %ne3A_508 = arith.xori %lt3A_505, %lt3A_507 : i1
          %and3A_509 = arith.andi %ne3A_508, %ne3A_503 : i1
          %add3A_510 = arith.addi %rem3A_501, %select_n3A_500 : i32
          %select_n3A_511 = arith.select %and3A_509, %add3A_510, %rem3A_501 : i32
          %dma_wait3A_512 = arith.constant 0 : i32
          %dma_wait3A_513 = tpu.memref_slice %arg13[%select_n3A_495, %dma_wait3A_512] : memref<2x80xf32, #tpu.memory_space<vmem>> -> memref<1x80xf32, #tpu.memory_space<vmem>>
          %dma_wait3A_514 = tpu.memref_squeeze %dma_wait3A_513 : memref<1x80xf32, #tpu.memory_space<vmem>> -> memref<80xf32, #tpu.memory_space<vmem>>
          %dma_wait3A_515 = arith.constant 0 : i32
          %dma_wait3A_516 = tpu.memref_slice %arg10[%select_n3A_511, %dma_wait3A_515] : memref<3x80xi32, #tpu.memory_space<vmem>> -> memref<1x80xi32, #tpu.memory_space<vmem>>
          %dma_wait3A_517 = tpu.memref_squeeze %dma_wait3A_516 : memref<1x80xi32, #tpu.memory_space<vmem>> -> memref<80xi32, #tpu.memory_space<vmem>>
          %dma_wait3A_518 = arith.constant 0 : i32
          %dma_wait3A_519 = tpu.memref_slice %arg9[%dma_wait3A_518] : memref<10240xf32, #tpu.memory_space<vmem_shared>> -> memref<10240xf32, #tpu.memory_space<vmem_shared>>
          tpu.wait_indirect_dma semaphore(%arg18 : memref<!tpu.dma_semaphore, #tpu.memory_space<semaphore_mem>>) src(%dma_wait3A_514 : memref<80xf32, #tpu.memory_space<vmem>>) dst(%dma_wait3A_519 : memref<10240xf32, #tpu.memory_space<vmem_shared>>)
        } else {
        }
        %add3A_421 = arith.constant 2 : i32
        %add3A_422 = arith.addi %scan3A_258, %add3A_421 : i32
        %lt3A_423 = arith.constant 180 : i32
        %lt3A_424 = arith.cmpi slt, %add3A_422, %lt3A_423 : i32
        %convert_element_type3A_425 = arith.extui %lt3A_424 : i1 to i32
        %cond3A_426 = arith.constant 0 : i32
        %cond3A_427 = arith.cmpi ne, %convert_element_type3A_425, %cond3A_426 : i32
        scf.if %cond3A_427 {
          %add3A_435 = arith.constant 2 : i32
          %add3A_436 = arith.addi %scan3A_258, %add3A_435 : i32
          %add3A_437 = arith.constant 0 : i32
          %add3A_438 = arith.addi %add3A_437, %add3A_436 : i32
          %jit3A_439 = arith.constant 3 : i32
          %eq3A_440 = arith.constant 0 : i32
          %eq3A_441 = arith.cmpi eq, %jit3A_439, %eq3A_440 : i32
          %jit3A_442 = arith.constant 1 : i32
          %select_n3A_443 = arith.select %eq3A_441, %jit3A_442, %jit3A_439 : i32
          %rem3A_444 = arith.remsi %add3A_436, %select_n3A_443 : i32
          %ne3A_445 = arith.constant 0 : i32
          %ne3A_446 = arith.cmpi ne, %rem3A_444, %ne3A_445 : i32
          %lt3A_447 = arith.constant 0 : i32
          %lt3A_448 = arith.cmpi slt, %rem3A_444, %lt3A_447 : i32
          %lt3A_449 = arith.constant 0 : i32
          %lt3A_450 = arith.cmpi slt, %select_n3A_443, %lt3A_449 : i32
          %ne3A_451 = arith.xori %lt3A_448, %lt3A_450 : i1
          %and3A_452 = arith.andi %ne3A_451, %ne3A_446 : i1
          %add3A_453 = arith.addi %rem3A_444, %select_n3A_443 : i32
          %select_n3A_454 = arith.select %and3A_452, %add3A_453, %rem3A_444 : i32
          %dma_start3A_455 = arith.constant 0 : i32
          %dma_start3A_456 = tpu.memref_slice %arg10[%select_n3A_454, %dma_start3A_455] : memref<3x80xi32, #tpu.memory_space<vmem>> -> memref<1x80xi32, #tpu.memory_space<vmem>>
          %dma_start3A_457 = tpu.memref_squeeze %dma_start3A_456 : memref<1x80xi32, #tpu.memory_space<vmem>> -> memref<80xi32, #tpu.memory_space<vmem>>
          %dma_start3A_458 = arith.constant 0 : i32
          %dma_start3A_459 = tpu.memref_slice %arg2[%arg1, %add3A_438, %dma_start3A_458] : memref<16x256x80xi32, #tpu.memory_space<hbm>> -> memref<1x1x80xi32, #tpu.memory_space<hbm>>
          %dma_start3A_460 = tpu.memref_squeeze %dma_start3A_459 : memref<1x1x80xi32, #tpu.memory_space<hbm>> -> memref<80xi32, #tpu.memory_space<hbm>>
          %dma_start3A_461 = arith.constant 0 : i32
          %dma_start3A_462 = tpu.memref_slice %arg10[%select_n3A_454, %dma_start3A_461] : memref<3x80xi32, #tpu.memory_space<vmem>> -> memref<1x80xi32, #tpu.memory_space<vmem>>
          %dma_start3A_463 = tpu.memref_squeeze %dma_start3A_462 : memref<1x80xi32, #tpu.memory_space<vmem>> -> memref<80xi32, #tpu.memory_space<vmem>>
          %dma_start3A_464 = arith.constant 0 : i32
          %dma_start3A_465 = tpu.memref_slice %arg2[%arg1, %add3A_438, %dma_start3A_464] : memref<16x256x80xi32, #tpu.memory_space<hbm>> -> memref<1x1x80xi32, #tpu.memory_space<hbm>>
          %dma_start3A_466 = tpu.memref_squeeze %dma_start3A_465 : memref<1x1x80xi32, #tpu.memory_space<hbm>> -> memref<80xi32, #tpu.memory_space<hbm>>
          tpu.enqueue_dma source(%dma_start3A_466 : memref<80xi32, #tpu.memory_space<hbm>>) target(%dma_start3A_463 : memref<80xi32, #tpu.memory_space<vmem>>) target_semaphore(%arg14 : memref<!tpu.dma_semaphore, #tpu.memory_space<semaphore_mem>>)
          %add3A_467 = arith.constant 0 : i32
          %add3A_468 = arith.addi %add3A_467, %add3A_436 : i32
          %jit3A_469 = arith.constant 3 : i32
          %eq3A_470 = arith.constant 0 : i32
          %eq3A_471 = arith.cmpi eq, %jit3A_469, %eq3A_470 : i32
          %jit3A_472 = arith.constant 1 : i32
          %select_n3A_473 = arith.select %eq3A_471, %jit3A_472, %jit3A_469 : i32
          %rem3A_474 = arith.remsi %add3A_436, %select_n3A_473 : i32
          %ne3A_475 = arith.constant 0 : i32
          %ne3A_476 = arith.cmpi ne, %rem3A_474, %ne3A_475 : i32
          %lt3A_477 = arith.constant 0 : i32
          %lt3A_478 = arith.cmpi slt, %rem3A_474, %lt3A_477 : i32
          %lt3A_479 = arith.constant 0 : i32
          %lt3A_480 = arith.cmpi slt, %select_n3A_473, %lt3A_479 : i32
          %ne3A_481 = arith.xori %lt3A_478, %lt3A_480 : i1
          %and3A_482 = arith.andi %ne3A_481, %ne3A_476 : i1
          %add3A_483 = arith.addi %rem3A_474, %select_n3A_473 : i32
          %select_n3A_484 = arith.select %and3A_482, %add3A_483, %rem3A_474 : i32
          %dma_start3A_485 = arith.constant 0 : i32
          %dma_start3A_486 = tpu.memref_slice %arg11[%select_n3A_484, %dma_start3A_485] : memref<3x80xi32, #tpu.memory_space<vmem>> -> memref<1x80xi32, #tpu.memory_space<vmem>>
          %dma_start3A_487 = tpu.memref_squeeze %dma_start3A_486 : memref<1x80xi32, #tpu.memory_space<vmem>> -> memref<80xi32, #tpu.memory_space<vmem>>
          %dma_start3A_488 = arith.constant 0 : i32
          %dma_start3A_489 = tpu.memref_slice %arg3[%arg1, %add3A_468, %dma_start3A_488] : memref<16x256x80xi32, #tpu.memory_space<hbm>> -> memref<1x1x80xi32, #tpu.memory_space<hbm>>
          %dma_start3A_490 = tpu.memref_squeeze %dma_start3A_489 : memref<1x1x80xi32, #tpu.memory_space<hbm>> -> memref<80xi32, #tpu.memory_space<hbm>>
          %dma_start3A_491 = arith.constant 0 : i32
          %dma_start3A_492 = tpu.memref_slice %arg11[%select_n3A_484, %dma_start3A_491] : memref<3x80xi32, #tpu.memory_space<vmem>> -> memref<1x80xi32, #tpu.memory_space<vmem>>
          %dma_start3A_493 = tpu.memref_squeeze %dma_start3A_492 : memref<1x80xi32, #tpu.memory_space<vmem>> -> memref<80xi32, #tpu.memory_space<vmem>>
          %dma_start3A_494 = arith.constant 0 : i32
          %dma_start3A_495 = tpu.memref_slice %arg3[%arg1, %add3A_468, %dma_start3A_494] : memref<16x256x80xi32, #tpu.memory_space<hbm>> -> memref<1x1x80xi32, #tpu.memory_space<hbm>>
          %dma_start3A_496 = tpu.memref_squeeze %dma_start3A_495 : memref<1x1x80xi32, #tpu.memory_space<hbm>> -> memref<80xi32, #tpu.memory_space<hbm>>
          tpu.enqueue_dma source(%dma_start3A_496 : memref<80xi32, #tpu.memory_space<hbm>>) target(%dma_start3A_493 : memref<80xi32, #tpu.memory_space<vmem>>) target_semaphore(%arg14 : memref<!tpu.dma_semaphore, #tpu.memory_space<semaphore_mem>>)
        } else {
        }
        %add3A_428 = arith.constant 1 : i32
        %add3A_429 = arith.addi %scan3A_258, %add3A_428 : i32
        %lt3A_430 = arith.constant 180 : i32
        %lt3A_431 = arith.cmpi slt, %add3A_429, %lt3A_430 : i32
        %convert_element_type3A_432 = arith.extui %lt3A_431 : i1 to i32
        %cond3A_433 = arith.constant 0 : i32
        %cond3A_434 = arith.cmpi ne, %convert_element_type3A_432, %cond3A_433 : i32
        scf.if %cond3A_434 {
          %add3A_435 = arith.constant 1 : i32
          %add3A_436 = arith.addi %scan3A_258, %add3A_435 : i32
          %add3A_437 = arith.constant 0 : i32
          %add3A_438 = arith.addi %add3A_437, %add3A_436 : i32
          %jit3A_439 = arith.constant 3 : i32
          %eq3A_440 = arith.constant 0 : i32
          %eq3A_441 = arith.cmpi eq, %jit3A_439, %eq3A_440 : i32
          %jit3A_442 = arith.constant 1 : i32
          %select_n3A_443 = arith.select %eq3A_441, %jit3A_442, %jit3A_439 : i32
          %rem3A_444 = arith.remsi %add3A_436, %select_n3A_443 : i32
          %ne3A_445 = arith.constant 0 : i32
          %ne3A_446 = arith.cmpi ne, %rem3A_444, %ne3A_445 : i32
          %lt3A_447 = arith.constant 0 : i32
          %lt3A_448 = arith.cmpi slt, %rem3A_444, %lt3A_447 : i32
          %lt3A_449 = arith.constant 0 : i32
          %lt3A_450 = arith.cmpi slt, %select_n3A_443, %lt3A_449 : i32
          %ne3A_451 = arith.xori %lt3A_448, %lt3A_450 : i1
          %and3A_452 = arith.andi %ne3A_451, %ne3A_446 : i1
          %add3A_453 = arith.addi %rem3A_444, %select_n3A_443 : i32
          %select_n3A_454 = arith.select %and3A_452, %add3A_453, %rem3A_444 : i32
          %dma_wait3A_455 = arith.constant 0 : i32
          %dma_wait3A_456 = tpu.memref_slice %arg10[%select_n3A_454, %dma_wait3A_455] : memref<3x80xi32, #tpu.memory_space<vmem>> -> memref<1x80xi32, #tpu.memory_space<vmem>>
          %dma_wait3A_457 = tpu.memref_squeeze %dma_wait3A_456 : memref<1x80xi32, #tpu.memory_space<vmem>> -> memref<80xi32, #tpu.memory_space<vmem>>
          %dma_wait3A_458 = arith.constant 0 : i32
          %dma_wait3A_459 = tpu.memref_slice %arg2[%arg1, %add3A_438, %dma_wait3A_458] : memref<16x256x80xi32, #tpu.memory_space<hbm>> -> memref<1x1x80xi32, #tpu.memory_space<hbm>>
          %dma_wait3A_460 = tpu.memref_squeeze %dma_wait3A_459 : memref<1x1x80xi32, #tpu.memory_space<hbm>> -> memref<80xi32, #tpu.memory_space<hbm>>
          %dma_wait3A_461 = arith.constant 0 : i32
          %dma_wait3A_462 = tpu.memref_slice %arg10[%select_n3A_454, %dma_wait3A_461] : memref<3x80xi32, #tpu.memory_space<vmem>> -> memref<1x80xi32, #tpu.memory_space<vmem>>
          %dma_wait3A_463 = tpu.memref_squeeze %dma_wait3A_462 : memref<1x80xi32, #tpu.memory_space<vmem>> -> memref<80xi32, #tpu.memory_space<vmem>>
          %dma_wait3A_464 = arith.constant 0 : i32
          %dma_wait3A_465 = tpu.memref_slice %arg2[%arg1, %add3A_438, %dma_wait3A_464] : memref<16x256x80xi32, #tpu.memory_space<hbm>> -> memref<1x1x80xi32, #tpu.memory_space<hbm>>
          %dma_wait3A_466 = tpu.memref_squeeze %dma_wait3A_465 : memref<1x1x80xi32, #tpu.memory_space<hbm>> -> memref<80xi32, #tpu.memory_space<hbm>>
          tpu.wait_dma2 semaphore(%arg14 : memref<!tpu.dma_semaphore, #tpu.memory_space<semaphore_mem>>) src(%dma_wait3A_466 : memref<80xi32, #tpu.memory_space<hbm>>) dst(%dma_wait3A_463 : memref<80xi32, #tpu.memory_space<vmem>>)
          %add3A_467 = arith.constant 0 : i32
          %add3A_468 = arith.addi %add3A_467, %add3A_436 : i32
          %jit3A_469 = arith.constant 3 : i32
          %eq3A_470 = arith.constant 0 : i32
          %eq3A_471 = arith.cmpi eq, %jit3A_469, %eq3A_470 : i32
          %jit3A_472 = arith.constant 1 : i32
          %select_n3A_473 = arith.select %eq3A_471, %jit3A_472, %jit3A_469 : i32
          %rem3A_474 = arith.remsi %add3A_436, %select_n3A_473 : i32
          %ne3A_475 = arith.constant 0 : i32
          %ne3A_476 = arith.cmpi ne, %rem3A_474, %ne3A_475 : i32
          %lt3A_477 = arith.constant 0 : i32
          %lt3A_478 = arith.cmpi slt, %rem3A_474, %lt3A_477 : i32
          %lt3A_479 = arith.constant 0 : i32
          %lt3A_480 = arith.cmpi slt, %select_n3A_473, %lt3A_479 : i32
          %ne3A_481 = arith.xori %lt3A_478, %lt3A_480 : i1
          %and3A_482 = arith.andi %ne3A_481, %ne3A_476 : i1
          %add3A_483 = arith.addi %rem3A_474, %select_n3A_473 : i32
          %select_n3A_484 = arith.select %and3A_482, %add3A_483, %rem3A_474 : i32
          %dma_wait3A_485 = arith.constant 0 : i32
          %dma_wait3A_486 = tpu.memref_slice %arg11[%select_n3A_484, %dma_wait3A_485] : memref<3x80xi32, #tpu.memory_space<vmem>> -> memref<1x80xi32, #tpu.memory_space<vmem>>
          %dma_wait3A_487 = tpu.memref_squeeze %dma_wait3A_486 : memref<1x80xi32, #tpu.memory_space<vmem>> -> memref<80xi32, #tpu.memory_space<vmem>>
          %dma_wait3A_488 = arith.constant 0 : i32
          %dma_wait3A_489 = tpu.memref_slice %arg3[%arg1, %add3A_468, %dma_wait3A_488] : memref<16x256x80xi32, #tpu.memory_space<hbm>> -> memref<1x1x80xi32, #tpu.memory_space<hbm>>
          %dma_wait3A_490 = tpu.memref_squeeze %dma_wait3A_489 : memref<1x1x80xi32, #tpu.memory_space<hbm>> -> memref<80xi32, #tpu.memory_space<hbm>>
          %dma_wait3A_491 = arith.constant 0 : i32
          %dma_wait3A_492 = tpu.memref_slice %arg11[%select_n3A_484, %dma_wait3A_491] : memref<3x80xi32, #tpu.memory_space<vmem>> -> memref<1x80xi32, #tpu.memory_space<vmem>>
          %dma_wait3A_493 = tpu.memref_squeeze %dma_wait3A_492 : memref<1x80xi32, #tpu.memory_space<vmem>> -> memref<80xi32, #tpu.memory_space<vmem>>
          %dma_wait3A_494 = arith.constant 0 : i32
          %dma_wait3A_495 = tpu.memref_slice %arg3[%arg1, %add3A_468, %dma_wait3A_494] : memref<16x256x80xi32, #tpu.memory_space<hbm>> -> memref<1x1x80xi32, #tpu.memory_space<hbm>>
          %dma_wait3A_496 = tpu.memref_squeeze %dma_wait3A_495 : memref<1x1x80xi32, #tpu.memory_space<hbm>> -> memref<80xi32, #tpu.memory_space<hbm>>
          tpu.wait_dma2 semaphore(%arg14 : memref<!tpu.dma_semaphore, #tpu.memory_space<semaphore_mem>>) src(%dma_wait3A_496 : memref<80xi32, #tpu.memory_space<hbm>>) dst(%dma_wait3A_493 : memref<80xi32, #tpu.memory_space<vmem>>)
          %add3A_497 = arith.constant 1 : i32
          %add3A_498 = arith.addi %scan3A_258, %add3A_497 : i32
          %jit3A_499 = arith.constant 3 : i32
          %eq3A_500 = arith.constant 0 : i32
          %eq3A_501 = arith.cmpi eq, %jit3A_499, %eq3A_500 : i32
          %jit3A_502 = arith.constant 1 : i32
          %select_n3A_503 = arith.select %eq3A_501, %jit3A_502, %jit3A_499 : i32
          %rem3A_504 = arith.remsi %add3A_498, %select_n3A_503 : i32
          %ne3A_505 = arith.constant 0 : i32
          %ne3A_506 = arith.cmpi ne, %rem3A_504, %ne3A_505 : i32
          %lt3A_507 = arith.constant 0 : i32
          %lt3A_508 = arith.cmpi slt, %rem3A_504, %lt3A_507 : i32
          %lt3A_509 = arith.constant 0 : i32
          %lt3A_510 = arith.cmpi slt, %select_n3A_503, %lt3A_509 : i32
          %ne3A_511 = arith.xori %lt3A_508, %lt3A_510 : i1
          %and3A_512 = arith.andi %ne3A_511, %ne3A_506 : i1
          %add3A_513 = arith.addi %rem3A_504, %select_n3A_503 : i32
          %select_n3A_514 = arith.select %and3A_512, %add3A_513, %rem3A_504 : i32
          %jit3A_515 = arith.constant 2 : i32
          %eq3A_516 = arith.constant 0 : i32
          %eq3A_517 = arith.cmpi eq, %jit3A_515, %eq3A_516 : i32
          %jit3A_518 = arith.constant 1 : i32
          %select_n3A_519 = arith.select %eq3A_517, %jit3A_518, %jit3A_515 : i32
          %rem3A_520 = arith.remsi %add3A_498, %select_n3A_519 : i32
          %ne3A_521 = arith.constant 0 : i32
          %ne3A_522 = arith.cmpi ne, %rem3A_520, %ne3A_521 : i32
          %lt3A_523 = arith.constant 0 : i32
          %lt3A_524 = arith.cmpi slt, %rem3A_520, %lt3A_523 : i32
          %lt3A_525 = arith.constant 0 : i32
          %lt3A_526 = arith.cmpi slt, %select_n3A_519, %lt3A_525 : i32
          %ne3A_527 = arith.xori %lt3A_524, %lt3A_526 : i1
          %and3A_528 = arith.andi %ne3A_527, %ne3A_522 : i1
          %add3A_529 = arith.addi %rem3A_520, %select_n3A_519 : i32
          %select_n3A_530 = arith.select %and3A_528, %add3A_529, %rem3A_520 : i32
          %dma_start3A_531 = arith.constant 0 : i32
          %dma_start3A_532 = arith.constant 0 : i32
          %dma_start3A_533 = tpu.memref_slice %arg12[%select_n3A_530, %dma_start3A_531, %dma_start3A_532] : memref<2x80x128xf32, #tpu.memory_space<vmem>> -> memref<1x80x128xf32, #tpu.memory_space<vmem>>
          %dma_start3A_534 = tpu.memref_squeeze %dma_start3A_533 : memref<1x80x128xf32, #tpu.memory_space<vmem>> -> memref<80x128xf32, #tpu.memory_space<vmem>>
          %dma_start3A_535 = arith.constant 0 : i32
          %dma_start3A_536 = tpu.memref_slice %arg10[%select_n3A_514, %dma_start3A_535] : memref<3x80xi32, #tpu.memory_space<vmem>> -> memref<1x80xi32, #tpu.memory_space<vmem>>
          %dma_start3A_537 = tpu.memref_squeeze %dma_start3A_536 : memref<1x80xi32, #tpu.memory_space<vmem>> -> memref<80xi32, #tpu.memory_space<vmem>>
          %dma_start3A_538 = arith.constant 0 : i32
          %dma_start3A_539 = arith.constant 0 : i32
          %dma_start3A_540 = tpu.memref_slice %arg4[%dma_start3A_538, %dma_start3A_539] : memref<10240x128xf32, #tpu.memory_space<hbm>> -> memref<10240x128xf32, #tpu.memory_space<hbm>>
          tpu.enqueue_indirect_dma source(%dma_start3A_540 : memref<10240x128xf32, #tpu.memory_space<hbm>>) target(%dma_start3A_534 : memref<80x128xf32, #tpu.memory_space<vmem>>) offsets(%dma_start3A_537 : memref<80xi32, #tpu.memory_space<vmem>>) semaphore(%arg15 : memref<!tpu.dma_semaphore, #tpu.memory_space<semaphore_mem>>)
          %add3A_541 = arith.constant 1 : i32
          %add3A_542 = arith.addi %scan3A_258, %add3A_541 : i32
          %jit3A_543 = arith.constant 3 : i32
          %eq3A_544 = arith.constant 0 : i32
          %eq3A_545 = arith.cmpi eq, %jit3A_543, %eq3A_544 : i32
          %jit3A_546 = arith.constant 1 : i32
          %select_n3A_547 = arith.select %eq3A_545, %jit3A_546, %jit3A_543 : i32
          %rem3A_548 = arith.remsi %add3A_542, %select_n3A_547 : i32
          %ne3A_549 = arith.constant 0 : i32
          %ne3A_550 = arith.cmpi ne, %rem3A_548, %ne3A_549 : i32
          %lt3A_551 = arith.constant 0 : i32
          %lt3A_552 = arith.cmpi slt, %rem3A_548, %lt3A_551 : i32
          %lt3A_553 = arith.constant 0 : i32
          %lt3A_554 = arith.cmpi slt, %select_n3A_547, %lt3A_553 : i32
          %ne3A_555 = arith.xori %lt3A_552, %lt3A_554 : i1
          %and3A_556 = arith.andi %ne3A_555, %ne3A_550 : i1
          %add3A_557 = arith.addi %rem3A_548, %select_n3A_547 : i32
          %select_n3A_558 = arith.select %and3A_556, %add3A_557, %rem3A_548 : i32
          %jit3A_559 = arith.constant 2 : i32
          %eq3A_560 = arith.constant 0 : i32
          %eq3A_561 = arith.cmpi eq, %jit3A_559, %eq3A_560 : i32
          %jit3A_562 = arith.constant 1 : i32
          %select_n3A_563 = arith.select %eq3A_561, %jit3A_562, %jit3A_559 : i32
          %rem3A_564 = arith.remsi %add3A_542, %select_n3A_563 : i32
          %ne3A_565 = arith.constant 0 : i32
          %ne3A_566 = arith.cmpi ne, %rem3A_564, %ne3A_565 : i32
          %lt3A_567 = arith.constant 0 : i32
          %lt3A_568 = arith.cmpi slt, %rem3A_564, %lt3A_567 : i32
          %lt3A_569 = arith.constant 0 : i32
          %lt3A_570 = arith.cmpi slt, %select_n3A_563, %lt3A_569 : i32
          %ne3A_571 = arith.xori %lt3A_568, %lt3A_570 : i1
          %and3A_572 = arith.andi %ne3A_571, %ne3A_566 : i1
          %add3A_573 = arith.addi %rem3A_564, %select_n3A_563 : i32
          %select_n3A_574 = arith.select %and3A_572, %add3A_573, %rem3A_564 : i32
          %dma_start3A_575 = arith.constant 0 : i32
          %dma_start3A_576 = tpu.memref_slice %arg13[%select_n3A_574, %dma_start3A_575] : memref<2x80xf32, #tpu.memory_space<vmem>> -> memref<1x80xf32, #tpu.memory_space<vmem>>
          %dma_start3A_577 = tpu.memref_squeeze %dma_start3A_576 : memref<1x80xf32, #tpu.memory_space<vmem>> -> memref<80xf32, #tpu.memory_space<vmem>>
          %dma_start3A_578 = arith.constant 0 : i32
          %dma_start3A_579 = tpu.memref_slice %arg11[%select_n3A_558, %dma_start3A_578] : memref<3x80xi32, #tpu.memory_space<vmem>> -> memref<1x80xi32, #tpu.memory_space<vmem>>
          %dma_start3A_580 = tpu.memref_squeeze %dma_start3A_579 : memref<1x80xi32, #tpu.memory_space<vmem>> -> memref<80xi32, #tpu.memory_space<vmem>>
          %dma_start3A_581 = arith.constant 0 : i32
          %dma_start3A_582 = tpu.memref_slice %arg5[%dma_start3A_581] : memref<10240xf32, #tpu.memory_space<hbm>> -> memref<10240xf32, #tpu.memory_space<hbm>>
          tpu.enqueue_indirect_dma source(%dma_start3A_582 : memref<10240xf32, #tpu.memory_space<hbm>>) target(%dma_start3A_577 : memref<80xf32, #tpu.memory_space<vmem>>) offsets(%dma_start3A_580 : memref<80xi32, #tpu.memory_space<vmem>>) semaphore(%arg17 : memref<!tpu.dma_semaphore, #tpu.memory_space<semaphore_mem>>)
        } else {
        }
      }
      %scan3A_235 = arith.constant 180 : i32
      %dma_wait3A_236 = arith.constant 1 : i32
      %dma_wait3A_237 = arith.constant 2 : i32
      %dma_wait3A_238 = arith.constant 0 : i32
      %dma_wait3A_239 = arith.constant 0 : i32
      %dma_wait3A_240 = tpu.memref_slice %arg12[%dma_wait3A_236, %dma_wait3A_238, %dma_wait3A_239] : memref<2x80x128xf32, #tpu.memory_space<vmem>> -> memref<1x80x128xf32, #tpu.memory_space<vmem>>
      %dma_wait3A_241 = tpu.memref_squeeze %dma_wait3A_240 : memref<1x80x128xf32, #tpu.memory_space<vmem>> -> memref<80x128xf32, #tpu.memory_space<vmem>>
      %dma_wait3A_242 = arith.constant 0 : i32
      %dma_wait3A_243 = tpu.memref_slice %arg11[%dma_wait3A_237, %dma_wait3A_242] : memref<3x80xi32, #tpu.memory_space<vmem>> -> memref<1x80xi32, #tpu.memory_space<vmem>>
      %dma_wait3A_244 = tpu.memref_squeeze %dma_wait3A_243 : memref<1x80xi32, #tpu.memory_space<vmem>> -> memref<80xi32, #tpu.memory_space<vmem>>
      %dma_wait3A_245 = arith.constant 0 : i32
      %dma_wait3A_246 = arith.constant 0 : i32
      %dma_wait3A_247 = tpu.memref_slice %arg8[%dma_wait3A_245, %dma_wait3A_246] : memref<10240x128xf32, #tpu.memory_space<vmem_shared>> -> memref<10240x128xf32, #tpu.memory_space<vmem_shared>>
      tpu.wait_indirect_dma semaphore(%arg16 : memref<!tpu.dma_semaphore, #tpu.memory_space<semaphore_mem>>) src(%dma_wait3A_241 : memref<80x128xf32, #tpu.memory_space<vmem>>) dst(%dma_wait3A_247 : memref<10240x128xf32, #tpu.memory_space<vmem_shared>>)
      %dma_wait3A_248 = arith.constant 1 : i32
      %dma_wait3A_249 = arith.constant 2 : i32
      %dma_wait3A_250 = arith.constant 0 : i32
      %dma_wait3A_251 = tpu.memref_slice %arg13[%dma_wait3A_248, %dma_wait3A_250] : memref<2x80xf32, #tpu.memory_space<vmem>> -> memref<1x80xf32, #tpu.memory_space<vmem>>
      %dma_wait3A_252 = tpu.memref_squeeze %dma_wait3A_251 : memref<1x80xf32, #tpu.memory_space<vmem>> -> memref<80xf32, #tpu.memory_space<vmem>>
      %dma_wait3A_253 = arith.constant 0 : i32
      %dma_wait3A_254 = tpu.memref_slice %arg10[%dma_wait3A_249, %dma_wait3A_253] : memref<3x80xi32, #tpu.memory_space<vmem>> -> memref<1x80xi32, #tpu.memory_space<vmem>>
      %dma_wait3A_255 = tpu.memref_squeeze %dma_wait3A_254 : memref<1x80xi32, #tpu.memory_space<vmem>> -> memref<80xi32, #tpu.memory_space<vmem>>
      %dma_wait3A_256 = arith.constant 0 : i32
      %dma_wait3A_257 = tpu.memref_slice %arg9[%dma_wait3A_256] : memref<10240xf32, #tpu.memory_space<vmem_shared>> -> memref<10240xf32, #tpu.memory_space<vmem_shared>>
      tpu.wait_indirect_dma semaphore(%arg18 : memref<!tpu.dma_semaphore, #tpu.memory_space<semaphore_mem>>) src(%dma_wait3A_252 : memref<80xf32, #tpu.memory_space<vmem>>) dst(%dma_wait3A_257 : memref<10240xf32, #tpu.memory_space<vmem_shared>>)
    } else {
    }
    %eq3A_113 = arith.constant 1 : i32
    %eq3A_114 = arith.cmpi eq, %arg0, %eq3A_113 : i32
    %convert_element_type3A_115 = arith.extui %eq3A_114 : i1 to i32
    %cond3A_116 = arith.constant 0 : i32
    %cond3A_117 = arith.cmpi ne, %convert_element_type3A_115, %cond3A_116 : i32
    scf.if %cond3A_117 {
      %dma_start3A = arith.constant 180 : i32
      %dma_start3A_127 = arith.constant 0 : i32
      %dma_start3A_128 = arith.constant 0 : i32
      %dma_start3A_129 = tpu.memref_slice %arg10[%dma_start3A_127, %dma_start3A_128] : memref<3x80xi32, #tpu.memory_space<vmem>> -> memref<1x80xi32, #tpu.memory_space<vmem>>
      %dma_start3A_130 = tpu.memref_squeeze %dma_start3A_129 : memref<1x80xi32, #tpu.memory_space<vmem>> -> memref<80xi32, #tpu.memory_space<vmem>>
      %dma_start3A_131 = arith.constant 0 : i32
      %dma_start3A_132 = tpu.memref_slice %arg2[%arg1, %dma_start3A, %dma_start3A_131] : memref<16x256x80xi32, #tpu.memory_space<hbm>> -> memref<1x1x80xi32, #tpu.memory_space<hbm>>
      %dma_start3A_133 = tpu.memref_squeeze %dma_start3A_132 : memref<1x1x80xi32, #tpu.memory_space<hbm>> -> memref<80xi32, #tpu.memory_space<hbm>>
      %dma_start3A_134 = arith.constant 0 : i32
      %dma_start3A_135 = tpu.memref_slice %arg10[%dma_start3A_127, %dma_start3A_134] : memref<3x80xi32, #tpu.memory_space<vmem>> -> memref<1x80xi32, #tpu.memory_space<vmem>>
      %dma_start3A_136 = tpu.memref_squeeze %dma_start3A_135 : memref<1x80xi32, #tpu.memory_space<vmem>> -> memref<80xi32, #tpu.memory_space<vmem>>
      %dma_start3A_137 = arith.constant 0 : i32
      %dma_start3A_138 = tpu.memref_slice %arg2[%arg1, %dma_start3A, %dma_start3A_137] : memref<16x256x80xi32, #tpu.memory_space<hbm>> -> memref<1x1x80xi32, #tpu.memory_space<hbm>>
      %dma_start3A_139 = tpu.memref_squeeze %dma_start3A_138 : memref<1x1x80xi32, #tpu.memory_space<hbm>> -> memref<80xi32, #tpu.memory_space<hbm>>
      tpu.enqueue_dma source(%dma_start3A_139 : memref<80xi32, #tpu.memory_space<hbm>>) target(%dma_start3A_136 : memref<80xi32, #tpu.memory_space<vmem>>) target_semaphore(%arg14 : memref<!tpu.dma_semaphore, #tpu.memory_space<semaphore_mem>>)
      %dma_start3A_140 = arith.constant 180 : i32
      %dma_start3A_141 = arith.constant 0 : i32
      %dma_start3A_142 = arith.constant 0 : i32
      %dma_start3A_143 = tpu.memref_slice %arg11[%dma_start3A_141, %dma_start3A_142] : memref<3x80xi32, #tpu.memory_space<vmem>> -> memref<1x80xi32, #tpu.memory_space<vmem>>
      %dma_start3A_144 = tpu.memref_squeeze %dma_start3A_143 : memref<1x80xi32, #tpu.memory_space<vmem>> -> memref<80xi32, #tpu.memory_space<vmem>>
      %dma_start3A_145 = arith.constant 0 : i32
      %dma_start3A_146 = tpu.memref_slice %arg3[%arg1, %dma_start3A_140, %dma_start3A_145] : memref<16x256x80xi32, #tpu.memory_space<hbm>> -> memref<1x1x80xi32, #tpu.memory_space<hbm>>
      %dma_start3A_147 = tpu.memref_squeeze %dma_start3A_146 : memref<1x1x80xi32, #tpu.memory_space<hbm>> -> memref<80xi32, #tpu.memory_space<hbm>>
      %dma_start3A_148 = arith.constant 0 : i32
      %dma_start3A_149 = tpu.memref_slice %arg11[%dma_start3A_141, %dma_start3A_148] : memref<3x80xi32, #tpu.memory_space<vmem>> -> memref<1x80xi32, #tpu.memory_space<vmem>>
      %dma_start3A_150 = tpu.memref_squeeze %dma_start3A_149 : memref<1x80xi32, #tpu.memory_space<vmem>> -> memref<80xi32, #tpu.memory_space<vmem>>
      %dma_start3A_151 = arith.constant 0 : i32
      %dma_start3A_152 = tpu.memref_slice %arg3[%arg1, %dma_start3A_140, %dma_start3A_151] : memref<16x256x80xi32, #tpu.memory_space<hbm>> -> memref<1x1x80xi32, #tpu.memory_space<hbm>>
      %dma_start3A_153 = tpu.memref_squeeze %dma_start3A_152 : memref<1x1x80xi32, #tpu.memory_space<hbm>> -> memref<80xi32, #tpu.memory_space<hbm>>
      tpu.enqueue_dma source(%dma_start3A_153 : memref<80xi32, #tpu.memory_space<hbm>>) target(%dma_start3A_150 : memref<80xi32, #tpu.memory_space<vmem>>) target_semaphore(%arg14 : memref<!tpu.dma_semaphore, #tpu.memory_space<semaphore_mem>>)
      %dma_wait3A = arith.constant 180 : i32
      %dma_wait3A_154 = arith.constant 0 : i32
      %dma_wait3A_155 = arith.constant 0 : i32
      %dma_wait3A_156 = tpu.memref_slice %arg10[%dma_wait3A_154, %dma_wait3A_155] : memref<3x80xi32, #tpu.memory_space<vmem>> -> memref<1x80xi32, #tpu.memory_space<vmem>>
      %dma_wait3A_157 = tpu.memref_squeeze %dma_wait3A_156 : memref<1x80xi32, #tpu.memory_space<vmem>> -> memref<80xi32, #tpu.memory_space<vmem>>
      %dma_wait3A_158 = arith.constant 0 : i32
      %dma_wait3A_159 = tpu.memref_slice %arg2[%arg1, %dma_wait3A, %dma_wait3A_158] : memref<16x256x80xi32, #tpu.memory_space<hbm>> -> memref<1x1x80xi32, #tpu.memory_space<hbm>>
      %dma_wait3A_160 = tpu.memref_squeeze %dma_wait3A_159 : memref<1x1x80xi32, #tpu.memory_space<hbm>> -> memref<80xi32, #tpu.memory_space<hbm>>
      %dma_wait3A_161 = arith.constant 0 : i32
      %dma_wait3A_162 = tpu.memref_slice %arg10[%dma_wait3A_154, %dma_wait3A_161] : memref<3x80xi32, #tpu.memory_space<vmem>> -> memref<1x80xi32, #tpu.memory_space<vmem>>
      %dma_wait3A_163 = tpu.memref_squeeze %dma_wait3A_162 : memref<1x80xi32, #tpu.memory_space<vmem>> -> memref<80xi32, #tpu.memory_space<vmem>>
      %dma_wait3A_164 = arith.constant 0 : i32
      %dma_wait3A_165 = tpu.memref_slice %arg2[%arg1, %dma_wait3A, %dma_wait3A_164] : memref<16x256x80xi32, #tpu.memory_space<hbm>> -> memref<1x1x80xi32, #tpu.memory_space<hbm>>
      %dma_wait3A_166 = tpu.memref_squeeze %dma_wait3A_165 : memref<1x1x80xi32, #tpu.memory_space<hbm>> -> memref<80xi32, #tpu.memory_space<hbm>>
      tpu.wait_dma2 semaphore(%arg14 : memref<!tpu.dma_semaphore, #tpu.memory_space<semaphore_mem>>) src(%dma_wait3A_166 : memref<80xi32, #tpu.memory_space<hbm>>) dst(%dma_wait3A_163 : memref<80xi32, #tpu.memory_space<vmem>>)
      %dma_wait3A_167 = arith.constant 180 : i32
      %dma_wait3A_168 = arith.constant 0 : i32
      %dma_wait3A_169 = arith.constant 0 : i32
      %dma_wait3A_170 = tpu.memref_slice %arg11[%dma_wait3A_168, %dma_wait3A_169] : memref<3x80xi32, #tpu.memory_space<vmem>> -> memref<1x80xi32, #tpu.memory_space<vmem>>
      %dma_wait3A_171 = tpu.memref_squeeze %dma_wait3A_170 : memref<1x80xi32, #tpu.memory_space<vmem>> -> memref<80xi32, #tpu.memory_space<vmem>>
      %dma_wait3A_172 = arith.constant 0 : i32
      %dma_wait3A_173 = tpu.memref_slice %arg3[%arg1, %dma_wait3A_167, %dma_wait3A_172] : memref<16x256x80xi32, #tpu.memory_space<hbm>> -> memref<1x1x80xi32, #tpu.memory_space<hbm>>
      %dma_wait3A_174 = tpu.memref_squeeze %dma_wait3A_173 : memref<1x1x80xi32, #tpu.memory_space<hbm>> -> memref<80xi32, #tpu.memory_space<hbm>>
      %dma_wait3A_175 = arith.constant 0 : i32
      %dma_wait3A_176 = tpu.memref_slice %arg11[%dma_wait3A_168, %dma_wait3A_175] : memref<3x80xi32, #tpu.memory_space<vmem>> -> memref<1x80xi32, #tpu.memory_space<vmem>>
      %dma_wait3A_177 = tpu.memref_squeeze %dma_wait3A_176 : memref<1x80xi32, #tpu.memory_space<vmem>> -> memref<80xi32, #tpu.memory_space<vmem>>
      %dma_wait3A_178 = arith.constant 0 : i32
      %dma_wait3A_179 = tpu.memref_slice %arg3[%arg1, %dma_wait3A_167, %dma_wait3A_178] : memref<16x256x80xi32, #tpu.memory_space<hbm>> -> memref<1x1x80xi32, #tpu.memory_space<hbm>>
      %dma_wait3A_180 = tpu.memref_squeeze %dma_wait3A_179 : memref<1x1x80xi32, #tpu.memory_space<hbm>> -> memref<80xi32, #tpu.memory_space<hbm>>
      tpu.wait_dma2 semaphore(%arg14 : memref<!tpu.dma_semaphore, #tpu.memory_space<semaphore_mem>>) src(%dma_wait3A_180 : memref<80xi32, #tpu.memory_space<hbm>>) dst(%dma_wait3A_177 : memref<80xi32, #tpu.memory_space<vmem>>)
      %dma_start3A_181 = arith.constant 0 : i32
      %dma_start3A_182 = arith.constant 0 : i32
      %dma_start3A_183 = arith.constant 0 : i32
      %dma_start3A_184 = arith.constant 0 : i32
      %dma_start3A_185 = tpu.memref_slice %arg12[%dma_start3A_182, %dma_start3A_183, %dma_start3A_184] : memref<2x80x128xf32, #tpu.memory_space<vmem>> -> memref<1x80x128xf32, #tpu.memory_space<vmem>>
      %dma_start3A_186 = tpu.memref_squeeze %dma_start3A_185 : memref<1x80x128xf32, #tpu.memory_space<vmem>> -> memref<80x128xf32, #tpu.memory_space<vmem>>
      %dma_start3A_187 = arith.constant 0 : i32
      %dma_start3A_188 = tpu.memref_slice %arg10[%dma_start3A_181, %dma_start3A_187] : memref<3x80xi32, #tpu.memory_space<vmem>> -> memref<1x80xi32, #tpu.memory_space<vmem>>
      %dma_start3A_189 = tpu.memref_squeeze %dma_start3A_188 : memref<1x80xi32, #tpu.memory_space<vmem>> -> memref<80xi32, #tpu.memory_space<vmem>>
      %dma_start3A_190 = arith.constant 0 : i32
      %dma_start3A_191 = arith.constant 0 : i32
      %dma_start3A_192 = tpu.memref_slice %arg4[%dma_start3A_190, %dma_start3A_191] : memref<10240x128xf32, #tpu.memory_space<hbm>> -> memref<10240x128xf32, #tpu.memory_space<hbm>>
      tpu.enqueue_indirect_dma source(%dma_start3A_192 : memref<10240x128xf32, #tpu.memory_space<hbm>>) target(%dma_start3A_186 : memref<80x128xf32, #tpu.memory_space<vmem>>) offsets(%dma_start3A_189 : memref<80xi32, #tpu.memory_space<vmem>>) semaphore(%arg15 : memref<!tpu.dma_semaphore, #tpu.memory_space<semaphore_mem>>)
      %dma_start3A_193 = arith.constant 0 : i32
      %dma_start3A_194 = arith.constant 0 : i32
      %dma_start3A_195 = arith.constant 0 : i32
      %dma_start3A_196 = tpu.memref_slice %arg13[%dma_start3A_194, %dma_start3A_195] : memref<2x80xf32, #tpu.memory_space<vmem>> -> memref<1x80xf32, #tpu.memory_space<vmem>>
      %dma_start3A_197 = tpu.memref_squeeze %dma_start3A_196 : memref<1x80xf32, #tpu.memory_space<vmem>> -> memref<80xf32, #tpu.memory_space<vmem>>
      %dma_start3A_198 = arith.constant 0 : i32
      %dma_start3A_199 = tpu.memref_slice %arg11[%dma_start3A_193, %dma_start3A_198] : memref<3x80xi32, #tpu.memory_space<vmem>> -> memref<1x80xi32, #tpu.memory_space<vmem>>
      %dma_start3A_200 = tpu.memref_squeeze %dma_start3A_199 : memref<1x80xi32, #tpu.memory_space<vmem>> -> memref<80xi32, #tpu.memory_space<vmem>>
      %dma_start3A_201 = arith.constant 0 : i32
      %dma_start3A_202 = tpu.memref_slice %arg5[%dma_start3A_201] : memref<10240xf32, #tpu.memory_space<hbm>> -> memref<10240xf32, #tpu.memory_space<hbm>>
      tpu.enqueue_indirect_dma source(%dma_start3A_202 : memref<10240xf32, #tpu.memory_space<hbm>>) target(%dma_start3A_197 : memref<80xf32, #tpu.memory_space<vmem>>) offsets(%dma_start3A_200 : memref<80xi32, #tpu.memory_space<vmem>>) semaphore(%arg17 : memref<!tpu.dma_semaphore, #tpu.memory_space<semaphore_mem>>)
      %dma_start3A_203 = arith.constant 181 : i32
      %dma_start3A_204 = arith.constant 1 : i32
      %dma_start3A_205 = arith.constant 0 : i32
      %dma_start3A_206 = tpu.memref_slice %arg10[%dma_start3A_204, %dma_start3A_205] : memref<3x80xi32, #tpu.memory_space<vmem>> -> memref<1x80xi32, #tpu.memory_space<vmem>>
      %dma_start3A_207 = tpu.memref_squeeze %dma_start3A_206 : memref<1x80xi32, #tpu.memory_space<vmem>> -> memref<80xi32, #tpu.memory_space<vmem>>
      %dma_start3A_208 = arith.constant 0 : i32
      %dma_start3A_209 = tpu.memref_slice %arg2[%arg1, %dma_start3A_203, %dma_start3A_208] : memref<16x256x80xi32, #tpu.memory_space<hbm>> -> memref<1x1x80xi32, #tpu.memory_space<hbm>>
      %dma_start3A_210 = tpu.memref_squeeze %dma_start3A_209 : memref<1x1x80xi32, #tpu.memory_space<hbm>> -> memref<80xi32, #tpu.memory_space<hbm>>
      %dma_start3A_211 = arith.constant 0 : i32
      %dma_start3A_212 = tpu.memref_slice %arg10[%dma_start3A_204, %dma_start3A_211] : memref<3x80xi32, #tpu.memory_space<vmem>> -> memref<1x80xi32, #tpu.memory_space<vmem>>
      %dma_start3A_213 = tpu.memref_squeeze %dma_start3A_212 : memref<1x80xi32, #tpu.memory_space<vmem>> -> memref<80xi32, #tpu.memory_space<vmem>>
      %dma_start3A_214 = arith.constant 0 : i32
      %dma_start3A_215 = tpu.memref_slice %arg2[%arg1, %dma_start3A_203, %dma_start3A_214] : memref<16x256x80xi32, #tpu.memory_space<hbm>> -> memref<1x1x80xi32, #tpu.memory_space<hbm>>
      %dma_start3A_216 = tpu.memref_squeeze %dma_start3A_215 : memref<1x1x80xi32, #tpu.memory_space<hbm>> -> memref<80xi32, #tpu.memory_space<hbm>>
      tpu.enqueue_dma source(%dma_start3A_216 : memref<80xi32, #tpu.memory_space<hbm>>) target(%dma_start3A_213 : memref<80xi32, #tpu.memory_space<vmem>>) target_semaphore(%arg14 : memref<!tpu.dma_semaphore, #tpu.memory_space<semaphore_mem>>)
      %dma_start3A_217 = arith.constant 181 : i32
      %dma_start3A_218 = arith.constant 1 : i32
      %dma_start3A_219 = arith.constant 0 : i32
      %dma_start3A_220 = tpu.memref_slice %arg11[%dma_start3A_218, %dma_start3A_219] : memref<3x80xi32, #tpu.memory_space<vmem>> -> memref<1x80xi32, #tpu.memory_space<vmem>>
      %dma_start3A_221 = tpu.memref_squeeze %dma_start3A_220 : memref<1x80xi32, #tpu.memory_space<vmem>> -> memref<80xi32, #tpu.memory_space<vmem>>
      %dma_start3A_222 = arith.constant 0 : i32
      %dma_start3A_223 = tpu.memref_slice %arg3[%arg1, %dma_start3A_217, %dma_start3A_222] : memref<16x256x80xi32, #tpu.memory_space<hbm>> -> memref<1x1x80xi32, #tpu.memory_space<hbm>>
      %dma_start3A_224 = tpu.memref_squeeze %dma_start3A_223 : memref<1x1x80xi32, #tpu.memory_space<hbm>> -> memref<80xi32, #tpu.memory_space<hbm>>
      %dma_start3A_225 = arith.constant 0 : i32
      %dma_start3A_226 = tpu.memref_slice %arg11[%dma_start3A_218, %dma_start3A_225] : memref<3x80xi32, #tpu.memory_space<vmem>> -> memref<1x80xi32, #tpu.memory_space<vmem>>
      %dma_start3A_227 = tpu.memref_squeeze %dma_start3A_226 : memref<1x80xi32, #tpu.memory_space<vmem>> -> memref<80xi32, #tpu.memory_space<vmem>>
      %dma_start3A_228 = arith.constant 0 : i32
      %dma_start3A_229 = tpu.memref_slice %arg3[%arg1, %dma_start3A_217, %dma_start3A_228] : memref<16x256x80xi32, #tpu.memory_space<hbm>> -> memref<1x1x80xi32, #tpu.memory_space<hbm>>
      %dma_start3A_230 = tpu.memref_squeeze %dma_start3A_229 : memref<1x1x80xi32, #tpu.memory_space<hbm>> -> memref<80xi32, #tpu.memory_space<hbm>>
      tpu.enqueue_dma source(%dma_start3A_230 : memref<80xi32, #tpu.memory_space<hbm>>) target(%dma_start3A_227 : memref<80xi32, #tpu.memory_space<vmem>>) target_semaphore(%arg14 : memref<!tpu.dma_semaphore, #tpu.memory_space<semaphore_mem>>)
      %scan3A_231 = arith.constant 0 : i32
      %scan3A_232 = arith.constant 76 : i32
      %scan3A_233 = arith.addi %scan3A_231, %scan3A_232 : i32
      %scan3A_234 = arith.constant 1 : i32
      scf.for %scan3A_258 = %scan3A_231 to %scan3A_233 step %scan3A_234  : i32 {
        %jit3A = arith.constant 3 : i32
        %eq3A_259 = arith.constant 0 : i32
        %eq3A_260 = arith.cmpi eq, %jit3A, %eq3A_259 : i32
        %jit3A_261 = arith.constant 1 : i32
        %select_n3A = arith.select %eq3A_260, %jit3A_261, %jit3A : i32
        %rem3A = arith.remsi %scan3A_258, %select_n3A : i32
        %ne3A = arith.constant 0 : i32
        %ne3A_262 = arith.cmpi ne, %rem3A, %ne3A : i32
        %lt3A = arith.constant 0 : i32
        %lt3A_263 = arith.cmpi slt, %rem3A, %lt3A : i32
        %lt3A_264 = arith.constant 0 : i32
        %lt3A_265 = arith.cmpi slt, %select_n3A, %lt3A_264 : i32
        %ne3A_266 = arith.xori %lt3A_263, %lt3A_265 : i1
        %and3A = arith.andi %ne3A_266, %ne3A_262 : i1
        %add3A_267 = arith.addi %rem3A, %select_n3A : i32
        %select_n3A_268 = arith.select %and3A, %add3A_267, %rem3A : i32
        %jit3A_269 = arith.constant 2 : i32
        %eq3A_270 = arith.constant 0 : i32
        %eq3A_271 = arith.cmpi eq, %jit3A_269, %eq3A_270 : i32
        %jit3A_272 = arith.constant 1 : i32
        %select_n3A_273 = arith.select %eq3A_271, %jit3A_272, %jit3A_269 : i32
        %rem3A_274 = arith.remsi %scan3A_258, %select_n3A_273 : i32
        %ne3A_275 = arith.constant 0 : i32
        %ne3A_276 = arith.cmpi ne, %rem3A_274, %ne3A_275 : i32
        %lt3A_277 = arith.constant 0 : i32
        %lt3A_278 = arith.cmpi slt, %rem3A_274, %lt3A_277 : i32
        %lt3A_279 = arith.constant 0 : i32
        %lt3A_280 = arith.cmpi slt, %select_n3A_273, %lt3A_279 : i32
        %ne3A_281 = arith.xori %lt3A_278, %lt3A_280 : i1
        %and3A_282 = arith.andi %ne3A_281, %ne3A_276 : i1
        %add3A_283 = arith.addi %rem3A_274, %select_n3A_273 : i32
        %select_n3A_284 = arith.select %and3A_282, %add3A_283, %rem3A_274 : i32
        %dma_wait3A_285 = arith.constant 0 : i32
        %dma_wait3A_286 = arith.constant 0 : i32
        %dma_wait3A_287 = tpu.memref_slice %arg12[%select_n3A_284, %dma_wait3A_285, %dma_wait3A_286] : memref<2x80x128xf32, #tpu.memory_space<vmem>> -> memref<1x80x128xf32, #tpu.memory_space<vmem>>
        %dma_wait3A_288 = tpu.memref_squeeze %dma_wait3A_287 : memref<1x80x128xf32, #tpu.memory_space<vmem>> -> memref<80x128xf32, #tpu.memory_space<vmem>>
        %dma_wait3A_289 = arith.constant 0 : i32
        %dma_wait3A_290 = tpu.memref_slice %arg10[%select_n3A_268, %dma_wait3A_289] : memref<3x80xi32, #tpu.memory_space<vmem>> -> memref<1x80xi32, #tpu.memory_space<vmem>>
        %dma_wait3A_291 = tpu.memref_squeeze %dma_wait3A_290 : memref<1x80xi32, #tpu.memory_space<vmem>> -> memref<80xi32, #tpu.memory_space<vmem>>
        %dma_wait3A_292 = arith.constant 0 : i32
        %dma_wait3A_293 = arith.constant 0 : i32
        %dma_wait3A_294 = tpu.memref_slice %arg4[%dma_wait3A_292, %dma_wait3A_293] : memref<10240x128xf32, #tpu.memory_space<hbm>> -> memref<10240x128xf32, #tpu.memory_space<hbm>>
        tpu.wait_indirect_dma semaphore(%arg15 : memref<!tpu.dma_semaphore, #tpu.memory_space<semaphore_mem>>) src(%dma_wait3A_294 : memref<10240x128xf32, #tpu.memory_space<hbm>>) dst(%dma_wait3A_288 : memref<80x128xf32, #tpu.memory_space<vmem>>)
        %jit3A_295 = arith.constant 2 : i32
        %eq3A_296 = arith.constant 0 : i32
        %eq3A_297 = arith.cmpi eq, %jit3A_295, %eq3A_296 : i32
        %jit3A_298 = arith.constant 1 : i32
        %select_n3A_299 = arith.select %eq3A_297, %jit3A_298, %jit3A_295 : i32
        %rem3A_300 = arith.remsi %scan3A_258, %select_n3A_299 : i32
        %ne3A_301 = arith.constant 0 : i32
        %ne3A_302 = arith.cmpi ne, %rem3A_300, %ne3A_301 : i32
        %lt3A_303 = arith.constant 0 : i32
        %lt3A_304 = arith.cmpi slt, %rem3A_300, %lt3A_303 : i32
        %lt3A_305 = arith.constant 0 : i32
        %lt3A_306 = arith.cmpi slt, %select_n3A_299, %lt3A_305 : i32
        %ne3A_307 = arith.xori %lt3A_304, %lt3A_306 : i1
        %and3A_308 = arith.andi %ne3A_307, %ne3A_302 : i1
        %add3A_309 = arith.addi %rem3A_300, %select_n3A_299 : i32
        %select_n3A_310 = arith.select %and3A_308, %add3A_309, %rem3A_300 : i32
        %jit3A_311 = arith.constant 3 : i32
        %eq3A_312 = arith.constant 0 : i32
        %eq3A_313 = arith.cmpi eq, %jit3A_311, %eq3A_312 : i32
        %jit3A_314 = arith.constant 1 : i32
        %select_n3A_315 = arith.select %eq3A_313, %jit3A_314, %jit3A_311 : i32
        %rem3A_316 = arith.remsi %scan3A_258, %select_n3A_315 : i32
        %ne3A_317 = arith.constant 0 : i32
        %ne3A_318 = arith.cmpi ne, %rem3A_316, %ne3A_317 : i32
        %lt3A_319 = arith.constant 0 : i32
        %lt3A_320 = arith.cmpi slt, %rem3A_316, %lt3A_319 : i32
        %lt3A_321 = arith.constant 0 : i32
        %lt3A_322 = arith.cmpi slt, %select_n3A_315, %lt3A_321 : i32
        %ne3A_323 = arith.xori %lt3A_320, %lt3A_322 : i1
        %and3A_324 = arith.andi %ne3A_323, %ne3A_318 : i1
        %add3A_325 = arith.addi %rem3A_316, %select_n3A_315 : i32
        %select_n3A_326 = arith.select %and3A_324, %add3A_325, %rem3A_316 : i32
        %dma_start3A_327 = arith.constant 0 : i32
        %dma_start3A_328 = arith.constant 0 : i32
        %dma_start3A_329 = tpu.memref_slice %arg12[%select_n3A_310, %dma_start3A_327, %dma_start3A_328] : memref<2x80x128xf32, #tpu.memory_space<vmem>> -> memref<1x80x128xf32, #tpu.memory_space<vmem>>
        %dma_start3A_330 = tpu.memref_squeeze %dma_start3A_329 : memref<1x80x128xf32, #tpu.memory_space<vmem>> -> memref<80x128xf32, #tpu.memory_space<vmem>>
        %dma_start3A_331 = arith.constant 0 : i32
        %dma_start3A_332 = tpu.memref_slice %arg11[%select_n3A_326, %dma_start3A_331] : memref<3x80xi32, #tpu.memory_space<vmem>> -> memref<1x80xi32, #tpu.memory_space<vmem>>
        %dma_start3A_333 = tpu.memref_squeeze %dma_start3A_332 : memref<1x80xi32, #tpu.memory_space<vmem>> -> memref<80xi32, #tpu.memory_space<vmem>>
        %dma_start3A_334 = arith.constant 0 : i32
        %dma_start3A_335 = arith.constant 0 : i32
        %dma_start3A_336 = tpu.memref_slice %arg8[%dma_start3A_334, %dma_start3A_335] : memref<10240x128xf32, #tpu.memory_space<vmem_shared>> -> memref<10240x128xf32, #tpu.memory_space<vmem_shared>>
        tpu.enqueue_indirect_dma source(%dma_start3A_330 : memref<80x128xf32, #tpu.memory_space<vmem>>) target(%dma_start3A_336 : memref<10240x128xf32, #tpu.memory_space<vmem_shared>>) offsets(%dma_start3A_333 : memref<80xi32, #tpu.memory_space<vmem>>) semaphore(%arg16 : memref<!tpu.dma_semaphore, #tpu.memory_space<semaphore_mem>>) {add = true}
        %jit3A_337 = arith.constant 3 : i32
        %eq3A_338 = arith.constant 0 : i32
        %eq3A_339 = arith.cmpi eq, %jit3A_337, %eq3A_338 : i32
        %jit3A_340 = arith.constant 1 : i32
        %select_n3A_341 = arith.select %eq3A_339, %jit3A_340, %jit3A_337 : i32
        %rem3A_342 = arith.remsi %scan3A_258, %select_n3A_341 : i32
        %ne3A_343 = arith.constant 0 : i32
        %ne3A_344 = arith.cmpi ne, %rem3A_342, %ne3A_343 : i32
        %lt3A_345 = arith.constant 0 : i32
        %lt3A_346 = arith.cmpi slt, %rem3A_342, %lt3A_345 : i32
        %lt3A_347 = arith.constant 0 : i32
        %lt3A_348 = arith.cmpi slt, %select_n3A_341, %lt3A_347 : i32
        %ne3A_349 = arith.xori %lt3A_346, %lt3A_348 : i1
        %and3A_350 = arith.andi %ne3A_349, %ne3A_344 : i1
        %add3A_351 = arith.addi %rem3A_342, %select_n3A_341 : i32
        %select_n3A_352 = arith.select %and3A_350, %add3A_351, %rem3A_342 : i32
        %jit3A_353 = arith.constant 2 : i32
        %eq3A_354 = arith.constant 0 : i32
        %eq3A_355 = arith.cmpi eq, %jit3A_353, %eq3A_354 : i32
        %jit3A_356 = arith.constant 1 : i32
        %select_n3A_357 = arith.select %eq3A_355, %jit3A_356, %jit3A_353 : i32
        %rem3A_358 = arith.remsi %scan3A_258, %select_n3A_357 : i32
        %ne3A_359 = arith.constant 0 : i32
        %ne3A_360 = arith.cmpi ne, %rem3A_358, %ne3A_359 : i32
        %lt3A_361 = arith.constant 0 : i32
        %lt3A_362 = arith.cmpi slt, %rem3A_358, %lt3A_361 : i32
        %lt3A_363 = arith.constant 0 : i32
        %lt3A_364 = arith.cmpi slt, %select_n3A_357, %lt3A_363 : i32
        %ne3A_365 = arith.xori %lt3A_362, %lt3A_364 : i1
        %and3A_366 = arith.andi %ne3A_365, %ne3A_360 : i1
        %add3A_367 = arith.addi %rem3A_358, %select_n3A_357 : i32
        %select_n3A_368 = arith.select %and3A_366, %add3A_367, %rem3A_358 : i32
        %dma_wait3A_369 = arith.constant 0 : i32
        %dma_wait3A_370 = tpu.memref_slice %arg13[%select_n3A_368, %dma_wait3A_369] : memref<2x80xf32, #tpu.memory_space<vmem>> -> memref<1x80xf32, #tpu.memory_space<vmem>>
        %dma_wait3A_371 = tpu.memref_squeeze %dma_wait3A_370 : memref<1x80xf32, #tpu.memory_space<vmem>> -> memref<80xf32, #tpu.memory_space<vmem>>
        %dma_wait3A_372 = arith.constant 0 : i32
        %dma_wait3A_373 = tpu.memref_slice %arg11[%select_n3A_352, %dma_wait3A_372] : memref<3x80xi32, #tpu.memory_space<vmem>> -> memref<1x80xi32, #tpu.memory_space<vmem>>
        %dma_wait3A_374 = tpu.memref_squeeze %dma_wait3A_373 : memref<1x80xi32, #tpu.memory_space<vmem>> -> memref<80xi32, #tpu.memory_space<vmem>>
        %dma_wait3A_375 = arith.constant 0 : i32
        %dma_wait3A_376 = tpu.memref_slice %arg5[%dma_wait3A_375] : memref<10240xf32, #tpu.memory_space<hbm>> -> memref<10240xf32, #tpu.memory_space<hbm>>
        tpu.wait_indirect_dma semaphore(%arg17 : memref<!tpu.dma_semaphore, #tpu.memory_space<semaphore_mem>>) src(%dma_wait3A_376 : memref<10240xf32, #tpu.memory_space<hbm>>) dst(%dma_wait3A_371 : memref<80xf32, #tpu.memory_space<vmem>>)
        %jit3A_377 = arith.constant 2 : i32
        %eq3A_378 = arith.constant 0 : i32
        %eq3A_379 = arith.cmpi eq, %jit3A_377, %eq3A_378 : i32
        %jit3A_380 = arith.constant 1 : i32
        %select_n3A_381 = arith.select %eq3A_379, %jit3A_380, %jit3A_377 : i32
        %rem3A_382 = arith.remsi %scan3A_258, %select_n3A_381 : i32
        %ne3A_383 = arith.constant 0 : i32
        %ne3A_384 = arith.cmpi ne, %rem3A_382, %ne3A_383 : i32
        %lt3A_385 = arith.constant 0 : i32
        %lt3A_386 = arith.cmpi slt, %rem3A_382, %lt3A_385 : i32
        %lt3A_387 = arith.constant 0 : i32
        %lt3A_388 = arith.cmpi slt, %select_n3A_381, %lt3A_387 : i32
        %ne3A_389 = arith.xori %lt3A_386, %lt3A_388 : i1
        %and3A_390 = arith.andi %ne3A_389, %ne3A_384 : i1
        %add3A_391 = arith.addi %rem3A_382, %select_n3A_381 : i32
        %select_n3A_392 = arith.select %and3A_390, %add3A_391, %rem3A_382 : i32
        %jit3A_393 = arith.constant 3 : i32
        %eq3A_394 = arith.constant 0 : i32
        %eq3A_395 = arith.cmpi eq, %jit3A_393, %eq3A_394 : i32
        %jit3A_396 = arith.constant 1 : i32
        %select_n3A_397 = arith.select %eq3A_395, %jit3A_396, %jit3A_393 : i32
        %rem3A_398 = arith.remsi %scan3A_258, %select_n3A_397 : i32
        %ne3A_399 = arith.constant 0 : i32
        %ne3A_400 = arith.cmpi ne, %rem3A_398, %ne3A_399 : i32
        %lt3A_401 = arith.constant 0 : i32
        %lt3A_402 = arith.cmpi slt, %rem3A_398, %lt3A_401 : i32
        %lt3A_403 = arith.constant 0 : i32
        %lt3A_404 = arith.cmpi slt, %select_n3A_397, %lt3A_403 : i32
        %ne3A_405 = arith.xori %lt3A_402, %lt3A_404 : i1
        %and3A_406 = arith.andi %ne3A_405, %ne3A_400 : i1
        %add3A_407 = arith.addi %rem3A_398, %select_n3A_397 : i32
        %select_n3A_408 = arith.select %and3A_406, %add3A_407, %rem3A_398 : i32
        %dma_start3A_409 = arith.constant 0 : i32
        %dma_start3A_410 = tpu.memref_slice %arg13[%select_n3A_392, %dma_start3A_409] : memref<2x80xf32, #tpu.memory_space<vmem>> -> memref<1x80xf32, #tpu.memory_space<vmem>>
        %dma_start3A_411 = tpu.memref_squeeze %dma_start3A_410 : memref<1x80xf32, #tpu.memory_space<vmem>> -> memref<80xf32, #tpu.memory_space<vmem>>
        %dma_start3A_412 = arith.constant 0 : i32
        %dma_start3A_413 = tpu.memref_slice %arg10[%select_n3A_408, %dma_start3A_412] : memref<3x80xi32, #tpu.memory_space<vmem>> -> memref<1x80xi32, #tpu.memory_space<vmem>>
        %dma_start3A_414 = tpu.memref_squeeze %dma_start3A_413 : memref<1x80xi32, #tpu.memory_space<vmem>> -> memref<80xi32, #tpu.memory_space<vmem>>
        %dma_start3A_415 = arith.constant 0 : i32
        %dma_start3A_416 = tpu.memref_slice %arg9[%dma_start3A_415] : memref<10240xf32, #tpu.memory_space<vmem_shared>> -> memref<10240xf32, #tpu.memory_space<vmem_shared>>
        tpu.enqueue_indirect_dma source(%dma_start3A_411 : memref<80xf32, #tpu.memory_space<vmem>>) target(%dma_start3A_416 : memref<10240xf32, #tpu.memory_space<vmem_shared>>) offsets(%dma_start3A_414 : memref<80xi32, #tpu.memory_space<vmem>>) semaphore(%arg18 : memref<!tpu.dma_semaphore, #tpu.memory_space<semaphore_mem>>) {add = true}
        %ge3A = arith.constant 1 : i32
        %ge3A_417 = arith.cmpi sge, %scan3A_258, %ge3A : i32
        %convert_element_type3A_418 = arith.extui %ge3A_417 : i1 to i32
        %cond3A_419 = arith.constant 0 : i32
        %cond3A_420 = arith.cmpi ne, %convert_element_type3A_418, %cond3A_419 : i32
        scf.if %cond3A_420 {
          %sub3A = arith.constant 1 : i32
          %sub3A_435 = arith.subi %scan3A_258, %sub3A : i32
          %jit3A_436 = arith.constant 2 : i32
          %eq3A_437 = arith.constant 0 : i32
          %eq3A_438 = arith.cmpi eq, %jit3A_436, %eq3A_437 : i32
          %jit3A_439 = arith.constant 1 : i32
          %select_n3A_440 = arith.select %eq3A_438, %jit3A_439, %jit3A_436 : i32
          %rem3A_441 = arith.remsi %sub3A_435, %select_n3A_440 : i32
          %ne3A_442 = arith.constant 0 : i32
          %ne3A_443 = arith.cmpi ne, %rem3A_441, %ne3A_442 : i32
          %lt3A_444 = arith.constant 0 : i32
          %lt3A_445 = arith.cmpi slt, %rem3A_441, %lt3A_444 : i32
          %lt3A_446 = arith.constant 0 : i32
          %lt3A_447 = arith.cmpi slt, %select_n3A_440, %lt3A_446 : i32
          %ne3A_448 = arith.xori %lt3A_445, %lt3A_447 : i1
          %and3A_449 = arith.andi %ne3A_448, %ne3A_443 : i1
          %add3A_450 = arith.addi %rem3A_441, %select_n3A_440 : i32
          %select_n3A_451 = arith.select %and3A_449, %add3A_450, %rem3A_441 : i32
          %jit3A_452 = arith.constant 3 : i32
          %eq3A_453 = arith.constant 0 : i32
          %eq3A_454 = arith.cmpi eq, %jit3A_452, %eq3A_453 : i32
          %jit3A_455 = arith.constant 1 : i32
          %select_n3A_456 = arith.select %eq3A_454, %jit3A_455, %jit3A_452 : i32
          %rem3A_457 = arith.remsi %sub3A_435, %select_n3A_456 : i32
          %ne3A_458 = arith.constant 0 : i32
          %ne3A_459 = arith.cmpi ne, %rem3A_457, %ne3A_458 : i32
          %lt3A_460 = arith.constant 0 : i32
          %lt3A_461 = arith.cmpi slt, %rem3A_457, %lt3A_460 : i32
          %lt3A_462 = arith.constant 0 : i32
          %lt3A_463 = arith.cmpi slt, %select_n3A_456, %lt3A_462 : i32
          %ne3A_464 = arith.xori %lt3A_461, %lt3A_463 : i1
          %and3A_465 = arith.andi %ne3A_464, %ne3A_459 : i1
          %add3A_466 = arith.addi %rem3A_457, %select_n3A_456 : i32
          %select_n3A_467 = arith.select %and3A_465, %add3A_466, %rem3A_457 : i32
          %dma_wait3A_468 = arith.constant 0 : i32
          %dma_wait3A_469 = arith.constant 0 : i32
          %dma_wait3A_470 = tpu.memref_slice %arg12[%select_n3A_451, %dma_wait3A_468, %dma_wait3A_469] : memref<2x80x128xf32, #tpu.memory_space<vmem>> -> memref<1x80x128xf32, #tpu.memory_space<vmem>>
          %dma_wait3A_471 = tpu.memref_squeeze %dma_wait3A_470 : memref<1x80x128xf32, #tpu.memory_space<vmem>> -> memref<80x128xf32, #tpu.memory_space<vmem>>
          %dma_wait3A_472 = arith.constant 0 : i32
          %dma_wait3A_473 = tpu.memref_slice %arg11[%select_n3A_467, %dma_wait3A_472] : memref<3x80xi32, #tpu.memory_space<vmem>> -> memref<1x80xi32, #tpu.memory_space<vmem>>
          %dma_wait3A_474 = tpu.memref_squeeze %dma_wait3A_473 : memref<1x80xi32, #tpu.memory_space<vmem>> -> memref<80xi32, #tpu.memory_space<vmem>>
          %dma_wait3A_475 = arith.constant 0 : i32
          %dma_wait3A_476 = arith.constant 0 : i32
          %dma_wait3A_477 = tpu.memref_slice %arg8[%dma_wait3A_475, %dma_wait3A_476] : memref<10240x128xf32, #tpu.memory_space<vmem_shared>> -> memref<10240x128xf32, #tpu.memory_space<vmem_shared>>
          tpu.wait_indirect_dma semaphore(%arg16 : memref<!tpu.dma_semaphore, #tpu.memory_space<semaphore_mem>>) src(%dma_wait3A_471 : memref<80x128xf32, #tpu.memory_space<vmem>>) dst(%dma_wait3A_477 : memref<10240x128xf32, #tpu.memory_space<vmem_shared>>)
          %sub3A_478 = arith.constant 1 : i32
          %sub3A_479 = arith.subi %scan3A_258, %sub3A_478 : i32
          %jit3A_480 = arith.constant 2 : i32
          %eq3A_481 = arith.constant 0 : i32
          %eq3A_482 = arith.cmpi eq, %jit3A_480, %eq3A_481 : i32
          %jit3A_483 = arith.constant 1 : i32
          %select_n3A_484 = arith.select %eq3A_482, %jit3A_483, %jit3A_480 : i32
          %rem3A_485 = arith.remsi %sub3A_479, %select_n3A_484 : i32
          %ne3A_486 = arith.constant 0 : i32
          %ne3A_487 = arith.cmpi ne, %rem3A_485, %ne3A_486 : i32
          %lt3A_488 = arith.constant 0 : i32
          %lt3A_489 = arith.cmpi slt, %rem3A_485, %lt3A_488 : i32
          %lt3A_490 = arith.constant 0 : i32
          %lt3A_491 = arith.cmpi slt, %select_n3A_484, %lt3A_490 : i32
          %ne3A_492 = arith.xori %lt3A_489, %lt3A_491 : i1
          %and3A_493 = arith.andi %ne3A_492, %ne3A_487 : i1
          %add3A_494 = arith.addi %rem3A_485, %select_n3A_484 : i32
          %select_n3A_495 = arith.select %and3A_493, %add3A_494, %rem3A_485 : i32
          %jit3A_496 = arith.constant 3 : i32
          %eq3A_497 = arith.constant 0 : i32
          %eq3A_498 = arith.cmpi eq, %jit3A_496, %eq3A_497 : i32
          %jit3A_499 = arith.constant 1 : i32
          %select_n3A_500 = arith.select %eq3A_498, %jit3A_499, %jit3A_496 : i32
          %rem3A_501 = arith.remsi %sub3A_479, %select_n3A_500 : i32
          %ne3A_502 = arith.constant 0 : i32
          %ne3A_503 = arith.cmpi ne, %rem3A_501, %ne3A_502 : i32
          %lt3A_504 = arith.constant 0 : i32
          %lt3A_505 = arith.cmpi slt, %rem3A_501, %lt3A_504 : i32
          %lt3A_506 = arith.constant 0 : i32
          %lt3A_507 = arith.cmpi slt, %select_n3A_500, %lt3A_506 : i32
          %ne3A_508 = arith.xori %lt3A_505, %lt3A_507 : i1
          %and3A_509 = arith.andi %ne3A_508, %ne3A_503 : i1
          %add3A_510 = arith.addi %rem3A_501, %select_n3A_500 : i32
          %select_n3A_511 = arith.select %and3A_509, %add3A_510, %rem3A_501 : i32
          %dma_wait3A_512 = arith.constant 0 : i32
          %dma_wait3A_513 = tpu.memref_slice %arg13[%select_n3A_495, %dma_wait3A_512] : memref<2x80xf32, #tpu.memory_space<vmem>> -> memref<1x80xf32, #tpu.memory_space<vmem>>
          %dma_wait3A_514 = tpu.memref_squeeze %dma_wait3A_513 : memref<1x80xf32, #tpu.memory_space<vmem>> -> memref<80xf32, #tpu.memory_space<vmem>>
          %dma_wait3A_515 = arith.constant 0 : i32
          %dma_wait3A_516 = tpu.memref_slice %arg10[%select_n3A_511, %dma_wait3A_515] : memref<3x80xi32, #tpu.memory_space<vmem>> -> memref<1x80xi32, #tpu.memory_space<vmem>>
          %dma_wait3A_517 = tpu.memref_squeeze %dma_wait3A_516 : memref<1x80xi32, #tpu.memory_space<vmem>> -> memref<80xi32, #tpu.memory_space<vmem>>
          %dma_wait3A_518 = arith.constant 0 : i32
          %dma_wait3A_519 = tpu.memref_slice %arg9[%dma_wait3A_518] : memref<10240xf32, #tpu.memory_space<vmem_shared>> -> memref<10240xf32, #tpu.memory_space<vmem_shared>>
          tpu.wait_indirect_dma semaphore(%arg18 : memref<!tpu.dma_semaphore, #tpu.memory_space<semaphore_mem>>) src(%dma_wait3A_514 : memref<80xf32, #tpu.memory_space<vmem>>) dst(%dma_wait3A_519 : memref<10240xf32, #tpu.memory_space<vmem_shared>>)
        } else {
        }
        %add3A_421 = arith.constant 2 : i32
        %add3A_422 = arith.addi %scan3A_258, %add3A_421 : i32
        %lt3A_423 = arith.constant 76 : i32
        %lt3A_424 = arith.cmpi slt, %add3A_422, %lt3A_423 : i32
        %convert_element_type3A_425 = arith.extui %lt3A_424 : i1 to i32
        %cond3A_426 = arith.constant 0 : i32
        %cond3A_427 = arith.cmpi ne, %convert_element_type3A_425, %cond3A_426 : i32
        scf.if %cond3A_427 {
          %add3A_435 = arith.constant 2 : i32
          %add3A_436 = arith.addi %scan3A_258, %add3A_435 : i32
          %add3A_437 = arith.constant 180 : i32
          %add3A_438 = arith.addi %add3A_437, %add3A_436 : i32
          %jit3A_439 = arith.constant 3 : i32
          %eq3A_440 = arith.constant 0 : i32
          %eq3A_441 = arith.cmpi eq, %jit3A_439, %eq3A_440 : i32
          %jit3A_442 = arith.constant 1 : i32
          %select_n3A_443 = arith.select %eq3A_441, %jit3A_442, %jit3A_439 : i32
          %rem3A_444 = arith.remsi %add3A_436, %select_n3A_443 : i32
          %ne3A_445 = arith.constant 0 : i32
          %ne3A_446 = arith.cmpi ne, %rem3A_444, %ne3A_445 : i32
          %lt3A_447 = arith.constant 0 : i32
          %lt3A_448 = arith.cmpi slt, %rem3A_444, %lt3A_447 : i32
          %lt3A_449 = arith.constant 0 : i32
          %lt3A_450 = arith.cmpi slt, %select_n3A_443, %lt3A_449 : i32
          %ne3A_451 = arith.xori %lt3A_448, %lt3A_450 : i1
          %and3A_452 = arith.andi %ne3A_451, %ne3A_446 : i1
          %add3A_453 = arith.addi %rem3A_444, %select_n3A_443 : i32
          %select_n3A_454 = arith.select %and3A_452, %add3A_453, %rem3A_444 : i32
          %dma_start3A_455 = arith.constant 0 : i32
          %dma_start3A_456 = tpu.memref_slice %arg10[%select_n3A_454, %dma_start3A_455] : memref<3x80xi32, #tpu.memory_space<vmem>> -> memref<1x80xi32, #tpu.memory_space<vmem>>
          %dma_start3A_457 = tpu.memref_squeeze %dma_start3A_456 : memref<1x80xi32, #tpu.memory_space<vmem>> -> memref<80xi32, #tpu.memory_space<vmem>>
          %dma_start3A_458 = arith.constant 0 : i32
          %dma_start3A_459 = tpu.memref_slice %arg2[%arg1, %add3A_438, %dma_start3A_458] : memref<16x256x80xi32, #tpu.memory_space<hbm>> -> memref<1x1x80xi32, #tpu.memory_space<hbm>>
          %dma_start3A_460 = tpu.memref_squeeze %dma_start3A_459 : memref<1x1x80xi32, #tpu.memory_space<hbm>> -> memref<80xi32, #tpu.memory_space<hbm>>
          %dma_start3A_461 = arith.constant 0 : i32
          %dma_start3A_462 = tpu.memref_slice %arg10[%select_n3A_454, %dma_start3A_461] : memref<3x80xi32, #tpu.memory_space<vmem>> -> memref<1x80xi32, #tpu.memory_space<vmem>>
          %dma_start3A_463 = tpu.memref_squeeze %dma_start3A_462 : memref<1x80xi32, #tpu.memory_space<vmem>> -> memref<80xi32, #tpu.memory_space<vmem>>
          %dma_start3A_464 = arith.constant 0 : i32
          %dma_start3A_465 = tpu.memref_slice %arg2[%arg1, %add3A_438, %dma_start3A_464] : memref<16x256x80xi32, #tpu.memory_space<hbm>> -> memref<1x1x80xi32, #tpu.memory_space<hbm>>
          %dma_start3A_466 = tpu.memref_squeeze %dma_start3A_465 : memref<1x1x80xi32, #tpu.memory_space<hbm>> -> memref<80xi32, #tpu.memory_space<hbm>>
          tpu.enqueue_dma source(%dma_start3A_466 : memref<80xi32, #tpu.memory_space<hbm>>) target(%dma_start3A_463 : memref<80xi32, #tpu.memory_space<vmem>>) target_semaphore(%arg14 : memref<!tpu.dma_semaphore, #tpu.memory_space<semaphore_mem>>)
          %add3A_467 = arith.constant 180 : i32
          %add3A_468 = arith.addi %add3A_467, %add3A_436 : i32
          %jit3A_469 = arith.constant 3 : i32
          %eq3A_470 = arith.constant 0 : i32
          %eq3A_471 = arith.cmpi eq, %jit3A_469, %eq3A_470 : i32
          %jit3A_472 = arith.constant 1 : i32
          %select_n3A_473 = arith.select %eq3A_471, %jit3A_472, %jit3A_469 : i32
          %rem3A_474 = arith.remsi %add3A_436, %select_n3A_473 : i32
          %ne3A_475 = arith.constant 0 : i32
          %ne3A_476 = arith.cmpi ne, %rem3A_474, %ne3A_475 : i32
          %lt3A_477 = arith.constant 0 : i32
          %lt3A_478 = arith.cmpi slt, %rem3A_474, %lt3A_477 : i32
          %lt3A_479 = arith.constant 0 : i32
          %lt3A_480 = arith.cmpi slt, %select_n3A_473, %lt3A_479 : i32
          %ne3A_481 = arith.xori %lt3A_478, %lt3A_480 : i1
          %and3A_482 = arith.andi %ne3A_481, %ne3A_476 : i1
          %add3A_483 = arith.addi %rem3A_474, %select_n3A_473 : i32
          %select_n3A_484 = arith.select %and3A_482, %add3A_483, %rem3A_474 : i32
          %dma_start3A_485 = arith.constant 0 : i32
          %dma_start3A_486 = tpu.memref_slice %arg11[%select_n3A_484, %dma_start3A_485] : memref<3x80xi32, #tpu.memory_space<vmem>> -> memref<1x80xi32, #tpu.memory_space<vmem>>
          %dma_start3A_487 = tpu.memref_squeeze %dma_start3A_486 : memref<1x80xi32, #tpu.memory_space<vmem>> -> memref<80xi32, #tpu.memory_space<vmem>>
          %dma_start3A_488 = arith.constant 0 : i32
          %dma_start3A_489 = tpu.memref_slice %arg3[%arg1, %add3A_468, %dma_start3A_488] : memref<16x256x80xi32, #tpu.memory_space<hbm>> -> memref<1x1x80xi32, #tpu.memory_space<hbm>>
          %dma_start3A_490 = tpu.memref_squeeze %dma_start3A_489 : memref<1x1x80xi32, #tpu.memory_space<hbm>> -> memref<80xi32, #tpu.memory_space<hbm>>
          %dma_start3A_491 = arith.constant 0 : i32
          %dma_start3A_492 = tpu.memref_slice %arg11[%select_n3A_484, %dma_start3A_491] : memref<3x80xi32, #tpu.memory_space<vmem>> -> memref<1x80xi32, #tpu.memory_space<vmem>>
          %dma_start3A_493 = tpu.memref_squeeze %dma_start3A_492 : memref<1x80xi32, #tpu.memory_space<vmem>> -> memref<80xi32, #tpu.memory_space<vmem>>
          %dma_start3A_494 = arith.constant 0 : i32
          %dma_start3A_495 = tpu.memref_slice %arg3[%arg1, %add3A_468, %dma_start3A_494] : memref<16x256x80xi32, #tpu.memory_space<hbm>> -> memref<1x1x80xi32, #tpu.memory_space<hbm>>
          %dma_start3A_496 = tpu.memref_squeeze %dma_start3A_495 : memref<1x1x80xi32, #tpu.memory_space<hbm>> -> memref<80xi32, #tpu.memory_space<hbm>>
          tpu.enqueue_dma source(%dma_start3A_496 : memref<80xi32, #tpu.memory_space<hbm>>) target(%dma_start3A_493 : memref<80xi32, #tpu.memory_space<vmem>>) target_semaphore(%arg14 : memref<!tpu.dma_semaphore, #tpu.memory_space<semaphore_mem>>)
        } else {
        }
        %add3A_428 = arith.constant 1 : i32
        %add3A_429 = arith.addi %scan3A_258, %add3A_428 : i32
        %lt3A_430 = arith.constant 76 : i32
        %lt3A_431 = arith.cmpi slt, %add3A_429, %lt3A_430 : i32
        %convert_element_type3A_432 = arith.extui %lt3A_431 : i1 to i32
        %cond3A_433 = arith.constant 0 : i32
        %cond3A_434 = arith.cmpi ne, %convert_element_type3A_432, %cond3A_433 : i32
        scf.if %cond3A_434 {
          %add3A_435 = arith.constant 1 : i32
          %add3A_436 = arith.addi %scan3A_258, %add3A_435 : i32
          %add3A_437 = arith.constant 180 : i32
          %add3A_438 = arith.addi %add3A_437, %add3A_436 : i32
          %jit3A_439 = arith.constant 3 : i32
          %eq3A_440 = arith.constant 0 : i32
          %eq3A_441 = arith.cmpi eq, %jit3A_439, %eq3A_440 : i32
          %jit3A_442 = arith.constant 1 : i32
          %select_n3A_443 = arith.select %eq3A_441, %jit3A_442, %jit3A_439 : i32
          %rem3A_444 = arith.remsi %add3A_436, %select_n3A_443 : i32
          %ne3A_445 = arith.constant 0 : i32
          %ne3A_446 = arith.cmpi ne, %rem3A_444, %ne3A_445 : i32
          %lt3A_447 = arith.constant 0 : i32
          %lt3A_448 = arith.cmpi slt, %rem3A_444, %lt3A_447 : i32
          %lt3A_449 = arith.constant 0 : i32
          %lt3A_450 = arith.cmpi slt, %select_n3A_443, %lt3A_449 : i32
          %ne3A_451 = arith.xori %lt3A_448, %lt3A_450 : i1
          %and3A_452 = arith.andi %ne3A_451, %ne3A_446 : i1
          %add3A_453 = arith.addi %rem3A_444, %select_n3A_443 : i32
          %select_n3A_454 = arith.select %and3A_452, %add3A_453, %rem3A_444 : i32
          %dma_wait3A_455 = arith.constant 0 : i32
          %dma_wait3A_456 = tpu.memref_slice %arg10[%select_n3A_454, %dma_wait3A_455] : memref<3x80xi32, #tpu.memory_space<vmem>> -> memref<1x80xi32, #tpu.memory_space<vmem>>
          %dma_wait3A_457 = tpu.memref_squeeze %dma_wait3A_456 : memref<1x80xi32, #tpu.memory_space<vmem>> -> memref<80xi32, #tpu.memory_space<vmem>>
          %dma_wait3A_458 = arith.constant 0 : i32
          %dma_wait3A_459 = tpu.memref_slice %arg2[%arg1, %add3A_438, %dma_wait3A_458] : memref<16x256x80xi32, #tpu.memory_space<hbm>> -> memref<1x1x80xi32, #tpu.memory_space<hbm>>
          %dma_wait3A_460 = tpu.memref_squeeze %dma_wait3A_459 : memref<1x1x80xi32, #tpu.memory_space<hbm>> -> memref<80xi32, #tpu.memory_space<hbm>>
          %dma_wait3A_461 = arith.constant 0 : i32
          %dma_wait3A_462 = tpu.memref_slice %arg10[%select_n3A_454, %dma_wait3A_461] : memref<3x80xi32, #tpu.memory_space<vmem>> -> memref<1x80xi32, #tpu.memory_space<vmem>>
          %dma_wait3A_463 = tpu.memref_squeeze %dma_wait3A_462 : memref<1x80xi32, #tpu.memory_space<vmem>> -> memref<80xi32, #tpu.memory_space<vmem>>
          %dma_wait3A_464 = arith.constant 0 : i32
          %dma_wait3A_465 = tpu.memref_slice %arg2[%arg1, %add3A_438, %dma_wait3A_464] : memref<16x256x80xi32, #tpu.memory_space<hbm>> -> memref<1x1x80xi32, #tpu.memory_space<hbm>>
          %dma_wait3A_466 = tpu.memref_squeeze %dma_wait3A_465 : memref<1x1x80xi32, #tpu.memory_space<hbm>> -> memref<80xi32, #tpu.memory_space<hbm>>
          tpu.wait_dma2 semaphore(%arg14 : memref<!tpu.dma_semaphore, #tpu.memory_space<semaphore_mem>>) src(%dma_wait3A_466 : memref<80xi32, #tpu.memory_space<hbm>>) dst(%dma_wait3A_463 : memref<80xi32, #tpu.memory_space<vmem>>)
          %add3A_467 = arith.constant 180 : i32
          %add3A_468 = arith.addi %add3A_467, %add3A_436 : i32
          %jit3A_469 = arith.constant 3 : i32
          %eq3A_470 = arith.constant 0 : i32
          %eq3A_471 = arith.cmpi eq, %jit3A_469, %eq3A_470 : i32
          %jit3A_472 = arith.constant 1 : i32
          %select_n3A_473 = arith.select %eq3A_471, %jit3A_472, %jit3A_469 : i32
          %rem3A_474 = arith.remsi %add3A_436, %select_n3A_473 : i32
          %ne3A_475 = arith.constant 0 : i32
          %ne3A_476 = arith.cmpi ne, %rem3A_474, %ne3A_475 : i32
          %lt3A_477 = arith.constant 0 : i32
          %lt3A_478 = arith.cmpi slt, %rem3A_474, %lt3A_477 : i32
          %lt3A_479 = arith.constant 0 : i32
          %lt3A_480 = arith.cmpi slt, %select_n3A_473, %lt3A_479 : i32
          %ne3A_481 = arith.xori %lt3A_478, %lt3A_480 : i1
          %and3A_482 = arith.andi %ne3A_481, %ne3A_476 : i1
          %add3A_483 = arith.addi %rem3A_474, %select_n3A_473 : i32
          %select_n3A_484 = arith.select %and3A_482, %add3A_483, %rem3A_474 : i32
          %dma_wait3A_485 = arith.constant 0 : i32
          %dma_wait3A_486 = tpu.memref_slice %arg11[%select_n3A_484, %dma_wait3A_485] : memref<3x80xi32, #tpu.memory_space<vmem>> -> memref<1x80xi32, #tpu.memory_space<vmem>>
          %dma_wait3A_487 = tpu.memref_squeeze %dma_wait3A_486 : memref<1x80xi32, #tpu.memory_space<vmem>> -> memref<80xi32, #tpu.memory_space<vmem>>
          %dma_wait3A_488 = arith.constant 0 : i32
          %dma_wait3A_489 = tpu.memref_slice %arg3[%arg1, %add3A_468, %dma_wait3A_488] : memref<16x256x80xi32, #tpu.memory_space<hbm>> -> memref<1x1x80xi32, #tpu.memory_space<hbm>>
          %dma_wait3A_490 = tpu.memref_squeeze %dma_wait3A_489 : memref<1x1x80xi32, #tpu.memory_space<hbm>> -> memref<80xi32, #tpu.memory_space<hbm>>
          %dma_wait3A_491 = arith.constant 0 : i32
          %dma_wait3A_492 = tpu.memref_slice %arg11[%select_n3A_484, %dma_wait3A_491] : memref<3x80xi32, #tpu.memory_space<vmem>> -> memref<1x80xi32, #tpu.memory_space<vmem>>
          %dma_wait3A_493 = tpu.memref_squeeze %dma_wait3A_492 : memref<1x80xi32, #tpu.memory_space<vmem>> -> memref<80xi32, #tpu.memory_space<vmem>>
          %dma_wait3A_494 = arith.constant 0 : i32
          %dma_wait3A_495 = tpu.memref_slice %arg3[%arg1, %add3A_468, %dma_wait3A_494] : memref<16x256x80xi32, #tpu.memory_space<hbm>> -> memref<1x1x80xi32, #tpu.memory_space<hbm>>
          %dma_wait3A_496 = tpu.memref_squeeze %dma_wait3A_495 : memref<1x1x80xi32, #tpu.memory_space<hbm>> -> memref<80xi32, #tpu.memory_space<hbm>>
          tpu.wait_dma2 semaphore(%arg14 : memref<!tpu.dma_semaphore, #tpu.memory_space<semaphore_mem>>) src(%dma_wait3A_496 : memref<80xi32, #tpu.memory_space<hbm>>) dst(%dma_wait3A_493 : memref<80xi32, #tpu.memory_space<vmem>>)
          %add3A_497 = arith.constant 1 : i32
          %add3A_498 = arith.addi %scan3A_258, %add3A_497 : i32
          %jit3A_499 = arith.constant 3 : i32
          %eq3A_500 = arith.constant 0 : i32
          %eq3A_501 = arith.cmpi eq, %jit3A_499, %eq3A_500 : i32
          %jit3A_502 = arith.constant 1 : i32
          %select_n3A_503 = arith.select %eq3A_501, %jit3A_502, %jit3A_499 : i32
          %rem3A_504 = arith.remsi %add3A_498, %select_n3A_503 : i32
          %ne3A_505 = arith.constant 0 : i32
          %ne3A_506 = arith.cmpi ne, %rem3A_504, %ne3A_505 : i32
          %lt3A_507 = arith.constant 0 : i32
          %lt3A_508 = arith.cmpi slt, %rem3A_504, %lt3A_507 : i32
          %lt3A_509 = arith.constant 0 : i32
          %lt3A_510 = arith.cmpi slt, %select_n3A_503, %lt3A_509 : i32
          %ne3A_511 = arith.xori %lt3A_508, %lt3A_510 : i1
          %and3A_512 = arith.andi %ne3A_511, %ne3A_506 : i1
          %add3A_513 = arith.addi %rem3A_504, %select_n3A_503 : i32
          %select_n3A_514 = arith.select %and3A_512, %add3A_513, %rem3A_504 : i32
          %jit3A_515 = arith.constant 2 : i32
          %eq3A_516 = arith.constant 0 : i32
          %eq3A_517 = arith.cmpi eq, %jit3A_515, %eq3A_516 : i32
          %jit3A_518 = arith.constant 1 : i32
          %select_n3A_519 = arith.select %eq3A_517, %jit3A_518, %jit3A_515 : i32
          %rem3A_520 = arith.remsi %add3A_498, %select_n3A_519 : i32
          %ne3A_521 = arith.constant 0 : i32
          %ne3A_522 = arith.cmpi ne, %rem3A_520, %ne3A_521 : i32
          %lt3A_523 = arith.constant 0 : i32
          %lt3A_524 = arith.cmpi slt, %rem3A_520, %lt3A_523 : i32
          %lt3A_525 = arith.constant 0 : i32
          %lt3A_526 = arith.cmpi slt, %select_n3A_519, %lt3A_525 : i32
          %ne3A_527 = arith.xori %lt3A_524, %lt3A_526 : i1
          %and3A_528 = arith.andi %ne3A_527, %ne3A_522 : i1
          %add3A_529 = arith.addi %rem3A_520, %select_n3A_519 : i32
          %select_n3A_530 = arith.select %and3A_528, %add3A_529, %rem3A_520 : i32
          %dma_start3A_531 = arith.constant 0 : i32
          %dma_start3A_532 = arith.constant 0 : i32
          %dma_start3A_533 = tpu.memref_slice %arg12[%select_n3A_530, %dma_start3A_531, %dma_start3A_532] : memref<2x80x128xf32, #tpu.memory_space<vmem>> -> memref<1x80x128xf32, #tpu.memory_space<vmem>>
          %dma_start3A_534 = tpu.memref_squeeze %dma_start3A_533 : memref<1x80x128xf32, #tpu.memory_space<vmem>> -> memref<80x128xf32, #tpu.memory_space<vmem>>
          %dma_start3A_535 = arith.constant 0 : i32
          %dma_start3A_536 = tpu.memref_slice %arg10[%select_n3A_514, %dma_start3A_535] : memref<3x80xi32, #tpu.memory_space<vmem>> -> memref<1x80xi32, #tpu.memory_space<vmem>>
          %dma_start3A_537 = tpu.memref_squeeze %dma_start3A_536 : memref<1x80xi32, #tpu.memory_space<vmem>> -> memref<80xi32, #tpu.memory_space<vmem>>
          %dma_start3A_538 = arith.constant 0 : i32
          %dma_start3A_539 = arith.constant 0 : i32
          %dma_start3A_540 = tpu.memref_slice %arg4[%dma_start3A_538, %dma_start3A_539] : memref<10240x128xf32, #tpu.memory_space<hbm>> -> memref<10240x128xf32, #tpu.memory_space<hbm>>
          tpu.enqueue_indirect_dma source(%dma_start3A_540 : memref<10240x128xf32, #tpu.memory_space<hbm>>) target(%dma_start3A_534 : memref<80x128xf32, #tpu.memory_space<vmem>>) offsets(%dma_start3A_537 : memref<80xi32, #tpu.memory_space<vmem>>) semaphore(%arg15 : memref<!tpu.dma_semaphore, #tpu.memory_space<semaphore_mem>>)
          %add3A_541 = arith.constant 1 : i32
          %add3A_542 = arith.addi %scan3A_258, %add3A_541 : i32
          %jit3A_543 = arith.constant 3 : i32
          %eq3A_544 = arith.constant 0 : i32
          %eq3A_545 = arith.cmpi eq, %jit3A_543, %eq3A_544 : i32
          %jit3A_546 = arith.constant 1 : i32
          %select_n3A_547 = arith.select %eq3A_545, %jit3A_546, %jit3A_543 : i32
          %rem3A_548 = arith.remsi %add3A_542, %select_n3A_547 : i32
          %ne3A_549 = arith.constant 0 : i32
          %ne3A_550 = arith.cmpi ne, %rem3A_548, %ne3A_549 : i32
          %lt3A_551 = arith.constant 0 : i32
          %lt3A_552 = arith.cmpi slt, %rem3A_548, %lt3A_551 : i32
          %lt3A_553 = arith.constant 0 : i32
          %lt3A_554 = arith.cmpi slt, %select_n3A_547, %lt3A_553 : i32
          %ne3A_555 = arith.xori %lt3A_552, %lt3A_554 : i1
          %and3A_556 = arith.andi %ne3A_555, %ne3A_550 : i1
          %add3A_557 = arith.addi %rem3A_548, %select_n3A_547 : i32
          %select_n3A_558 = arith.select %and3A_556, %add3A_557, %rem3A_548 : i32
          %jit3A_559 = arith.constant 2 : i32
          %eq3A_560 = arith.constant 0 : i32
          %eq3A_561 = arith.cmpi eq, %jit3A_559, %eq3A_560 : i32
          %jit3A_562 = arith.constant 1 : i32
          %select_n3A_563 = arith.select %eq3A_561, %jit3A_562, %jit3A_559 : i32
          %rem3A_564 = arith.remsi %add3A_542, %select_n3A_563 : i32
          %ne3A_565 = arith.constant 0 : i32
          %ne3A_566 = arith.cmpi ne, %rem3A_564, %ne3A_565 : i32
          %lt3A_567 = arith.constant 0 : i32
          %lt3A_568 = arith.cmpi slt, %rem3A_564, %lt3A_567 : i32
          %lt3A_569 = arith.constant 0 : i32
          %lt3A_570 = arith.cmpi slt, %select_n3A_563, %lt3A_569 : i32
          %ne3A_571 = arith.xori %lt3A_568, %lt3A_570 : i1
          %and3A_572 = arith.andi %ne3A_571, %ne3A_566 : i1
          %add3A_573 = arith.addi %rem3A_564, %select_n3A_563 : i32
          %select_n3A_574 = arith.select %and3A_572, %add3A_573, %rem3A_564 : i32
          %dma_start3A_575 = arith.constant 0 : i32
          %dma_start3A_576 = tpu.memref_slice %arg13[%select_n3A_574, %dma_start3A_575] : memref<2x80xf32, #tpu.memory_space<vmem>> -> memref<1x80xf32, #tpu.memory_space<vmem>>
          %dma_start3A_577 = tpu.memref_squeeze %dma_start3A_576 : memref<1x80xf32, #tpu.memory_space<vmem>> -> memref<80xf32, #tpu.memory_space<vmem>>
          %dma_start3A_578 = arith.constant 0 : i32
          %dma_start3A_579 = tpu.memref_slice %arg11[%select_n3A_558, %dma_start3A_578] : memref<3x80xi32, #tpu.memory_space<vmem>> -> memref<1x80xi32, #tpu.memory_space<vmem>>
          %dma_start3A_580 = tpu.memref_squeeze %dma_start3A_579 : memref<1x80xi32, #tpu.memory_space<vmem>> -> memref<80xi32, #tpu.memory_space<vmem>>
          %dma_start3A_581 = arith.constant 0 : i32
          %dma_start3A_582 = tpu.memref_slice %arg5[%dma_start3A_581] : memref<10240xf32, #tpu.memory_space<hbm>> -> memref<10240xf32, #tpu.memory_space<hbm>>
          tpu.enqueue_indirect_dma source(%dma_start3A_582 : memref<10240xf32, #tpu.memory_space<hbm>>) target(%dma_start3A_577 : memref<80xf32, #tpu.memory_space<vmem>>) offsets(%dma_start3A_580 : memref<80xi32, #tpu.memory_space<vmem>>) semaphore(%arg17 : memref<!tpu.dma_semaphore, #tpu.memory_space<semaphore_mem>>)
        } else {
        }
      }
      %scan3A_235 = arith.constant 76 : i32
      %dma_wait3A_236 = arith.constant 1 : i32
      %dma_wait3A_237 = arith.constant 0 : i32
      %dma_wait3A_238 = arith.constant 0 : i32
      %dma_wait3A_239 = arith.constant 0 : i32
      %dma_wait3A_240 = tpu.memref_slice %arg12[%dma_wait3A_236, %dma_wait3A_238, %dma_wait3A_239] : memref<2x80x128xf32, #tpu.memory_space<vmem>> -> memref<1x80x128xf32, #tpu.memory_space<vmem>>
      %dma_wait3A_241 = tpu.memref_squeeze %dma_wait3A_240 : memref<1x80x128xf32, #tpu.memory_space<vmem>> -> memref<80x128xf32, #tpu.memory_space<vmem>>
      %dma_wait3A_242 = arith.constant 0 : i32
      %dma_wait3A_243 = tpu.memref_slice %arg11[%dma_wait3A_237, %dma_wait3A_242] : memref<3x80xi32, #tpu.memory_space<vmem>> -> memref<1x80xi32, #tpu.memory_space<vmem>>
      %dma_wait3A_244 = tpu.memref_squeeze %dma_wait3A_243 : memref<1x80xi32, #tpu.memory_space<vmem>> -> memref<80xi32, #tpu.memory_space<vmem>>
      %dma_wait3A_245 = arith.constant 0 : i32
      %dma_wait3A_246 = arith.constant 0 : i32
      %dma_wait3A_247 = tpu.memref_slice %arg8[%dma_wait3A_245, %dma_wait3A_246] : memref<10240x128xf32, #tpu.memory_space<vmem_shared>> -> memref<10240x128xf32, #tpu.memory_space<vmem_shared>>
      tpu.wait_indirect_dma semaphore(%arg16 : memref<!tpu.dma_semaphore, #tpu.memory_space<semaphore_mem>>) src(%dma_wait3A_241 : memref<80x128xf32, #tpu.memory_space<vmem>>) dst(%dma_wait3A_247 : memref<10240x128xf32, #tpu.memory_space<vmem_shared>>)
      %dma_wait3A_248 = arith.constant 1 : i32
      %dma_wait3A_249 = arith.constant 0 : i32
      %dma_wait3A_250 = arith.constant 0 : i32
      %dma_wait3A_251 = tpu.memref_slice %arg13[%dma_wait3A_248, %dma_wait3A_250] : memref<2x80xf32, #tpu.memory_space<vmem>> -> memref<1x80xf32, #tpu.memory_space<vmem>>
      %dma_wait3A_252 = tpu.memref_squeeze %dma_wait3A_251 : memref<1x80xf32, #tpu.memory_space<vmem>> -> memref<80xf32, #tpu.memory_space<vmem>>
      %dma_wait3A_253 = arith.constant 0 : i32
      %dma_wait3A_254 = tpu.memref_slice %arg10[%dma_wait3A_249, %dma_wait3A_253] : memref<3x80xi32, #tpu.memory_space<vmem>> -> memref<1x80xi32, #tpu.memory_space<vmem>>
      %dma_wait3A_255 = tpu.memref_squeeze %dma_wait3A_254 : memref<1x80xi32, #tpu.memory_space<vmem>> -> memref<80xi32, #tpu.memory_space<vmem>>
      %dma_wait3A_256 = arith.constant 0 : i32
      %dma_wait3A_257 = tpu.memref_slice %arg9[%dma_wait3A_256] : memref<10240xf32, #tpu.memory_space<vmem_shared>> -> memref<10240xf32, #tpu.memory_space<vmem_shared>>
      tpu.wait_indirect_dma semaphore(%arg18 : memref<!tpu.dma_semaphore, #tpu.memory_space<semaphore_mem>>) src(%dma_wait3A_252 : memref<80xf32, #tpu.memory_space<vmem>>) dst(%dma_wait3A_257 : memref<10240xf32, #tpu.memory_space<vmem_shared>>)
    } else {
    }
    %barrier3A_118 = arith.constant 0 : index
    tpu.barrier barrier_id(%barrier3A_118)
    %mul3A_119 = arith.constant 640 : i32
    %mul3A_120 = arith.muli %arg1, %mul3A_119 : i32
    %mul3A_121 = arith.constant 640 : i32
    %mul3A_122 = arith.muli %arg1, %mul3A_121 : i32
    "tpu.region"() ({
      %run_scoped3A_127 = tpu.sem_alloc : memref<!tpu.dma_semaphore, #tpu.memory_space<semaphore_mem>>
      %dma_start3A = arith.constant 0 : i32
      %dma_start3A_128 = tpu.memref_slice %arg6[%arg0, %mul3A_122, %dma_start3A] : memref<2x10240x128xf32, #tpu.memory_space<hbm>> -> memref<1x640x128xf32, #tpu.memory_space<hbm>>
      %dma_start3A_129 = tpu.memref_squeeze %dma_start3A_128 : memref<1x640x128xf32, #tpu.memory_space<hbm>> -> memref<640x128xf32, #tpu.memory_space<hbm>>
      %dma_start3A_130 = arith.constant 0 : i32
      %dma_start3A_131 = tpu.memref_slice %arg8[%mul3A_120, %dma_start3A_130] : memref<10240x128xf32, #tpu.memory_space<vmem_shared>> -> memref<640x128xf32, #tpu.memory_space<vmem_shared>>
      tpu.enqueue_dma source(%dma_start3A_131 : memref<640x128xf32, #tpu.memory_space<vmem_shared>>) target(%dma_start3A_129 : memref<640x128xf32, #tpu.memory_space<hbm>>) target_semaphore(%run_scoped3A_127 : memref<!tpu.dma_semaphore, #tpu.memory_space<semaphore_mem>>)
      %dma_wait3A = arith.constant 0 : i32
      %dma_wait3A_132 = tpu.memref_slice %arg6[%arg0, %mul3A_122, %dma_wait3A] : memref<2x10240x128xf32, #tpu.memory_space<hbm>> -> memref<1x640x128xf32, #tpu.memory_space<hbm>>
      %dma_wait3A_133 = tpu.memref_squeeze %dma_wait3A_132 : memref<1x640x128xf32, #tpu.memory_space<hbm>> -> memref<640x128xf32, #tpu.memory_space<hbm>>
      %dma_wait3A_134 = arith.constant 0 : i32
      %dma_wait3A_135 = tpu.memref_slice %arg8[%mul3A_120, %dma_wait3A_134] : memref<10240x128xf32, #tpu.memory_space<vmem_shared>> -> memref<640x128xf32, #tpu.memory_space<vmem_shared>>
      tpu.wait_dma2 semaphore(%run_scoped3A_127 : memref<!tpu.dma_semaphore, #tpu.memory_space<semaphore_mem>>) src(%dma_wait3A_135 : memref<640x128xf32, #tpu.memory_space<vmem_shared>>) dst(%dma_wait3A_133 : memref<640x128xf32, #tpu.memory_space<hbm>>)
      tpu.yield
    }) : () -> ()
    %mul3A_123 = arith.constant 640 : i32
    %mul3A_124 = arith.muli %arg1, %mul3A_123 : i32
    %mul3A_125 = arith.constant 640 : i32
    %mul3A_126 = arith.muli %arg1, %mul3A_125 : i32
    "tpu.region"() ({
      %run_scoped3A_127 = tpu.sem_alloc : memref<!tpu.dma_semaphore, #tpu.memory_space<semaphore_mem>>
      %dma_start3A = tpu.memref_slice %arg7[%arg0, %mul3A_126] : memref<2x10240xf32, #tpu.memory_space<hbm>> -> memref<1x640xf32, #tpu.memory_space<hbm>>
      %dma_start3A_128 = tpu.memref_squeeze %dma_start3A : memref<1x640xf32, #tpu.memory_space<hbm>> -> memref<640xf32, #tpu.memory_space<hbm>>
      %dma_start3A_129 = tpu.memref_slice %arg9[%mul3A_124] : memref<10240xf32, #tpu.memory_space<vmem_shared>> -> memref<640xf32, #tpu.memory_space<vmem_shared>>
      tpu.enqueue_dma source(%dma_start3A_129 : memref<640xf32, #tpu.memory_space<vmem_shared>>) target(%dma_start3A_128 : memref<640xf32, #tpu.memory_space<hbm>>) target_semaphore(%run_scoped3A_127 : memref<!tpu.dma_semaphore, #tpu.memory_space<semaphore_mem>>)
      %dma_wait3A = tpu.memref_slice %arg7[%arg0, %mul3A_126] : memref<2x10240xf32, #tpu.memory_space<hbm>> -> memref<1x640xf32, #tpu.memory_space<hbm>>
      %dma_wait3A_130 = tpu.memref_squeeze %dma_wait3A : memref<1x640xf32, #tpu.memory_space<hbm>> -> memref<640xf32, #tpu.memory_space<hbm>>
      %dma_wait3A_131 = tpu.memref_slice %arg9[%mul3A_124] : memref<10240xf32, #tpu.memory_space<vmem_shared>> -> memref<640xf32, #tpu.memory_space<vmem_shared>>
      tpu.wait_dma2 semaphore(%run_scoped3A_127 : memref<!tpu.dma_semaphore, #tpu.memory_space<semaphore_mem>>) src(%dma_wait3A_131 : memref<640xf32, #tpu.memory_space<vmem_shared>>) dst(%dma_wait3A_130 : memref<640xf32, #tpu.memory_space<hbm>>)
      tpu.yield
    }) : () -> ()
    return
  }
}

module attributes {stable_mosaic.version = 14 : i64} {
  func.func @_stats_body(%arg0: i32, %arg1: memref<1024x128xf32, #tpu.memory_space<vmem>>, %arg2: memref<1x128xf32, #tpu.memory_space<vmem>>, %arg3: memref<8x128xf32, #tpu.memory_space<vmem>>) attributes {dimension_semantics = [#tpu.dimension_semantics<arbitrary>], iteration_bounds = array<i64: 10>, scalar_prefetch = 0 : i64, scratch_operands = 0 : i64, tpu.core_type = #tpu.core_type<tc>, window_params = [{transform_indices = @transform_0, window_bounds = array<i64: 1024, 128>}, {pipeline_mode = #tpu.pipeline_mode<synchronous>, transform_indices = @transform_1, window_bounds = array<i64: 1, 128>}, {pipeline_mode = #tpu.pipeline_mode<synchronous>, transform_indices = @transform_2, window_bounds = array<i64: 8, 128>}]} {
    %eq3A = arith.constant 0 : i32
    %eq3A_0 = arith.cmpi eq, %arg0, %eq3A : i32
    %convert_element_type3A = arith.extui %eq3A_0 : i1 to i32
    %cond3A = arith.constant 0 : i32
    %cond3A_1 = arith.cmpi ne, %convert_element_type3A, %cond3A : i32
    scf.if %cond3A_1 {
      %broadcast_in_dim3A_25 = arith.constant 0.000000e+00 : f32
      %broadcast_in_dim3A_26 = vector.broadcast %broadcast_in_dim3A_25 : f32 to vector<8x128xf32>
      %swap3A_27 = arith.constant 0 : index
      %swap3A_28 = arith.constant 0 : index
      %swap3A_29 = vector.load %arg3[%swap3A_27, %swap3A_28] : memref<8x128xf32, #tpu.memory_space<vmem>>, vector<8x128xf32>
      tpu.vector_store %arg3[%swap3A_27, %swap3A_28], %broadcast_in_dim3A_26 {strides = array<i32>} : memref<8x128xf32, #tpu.memory_space<vmem>>, vector<8x128xf32>,
    } else {
    }
    %get3A = arith.constant 0 : index
    %get3A_2 = arith.constant 0 : index
    %get3A_3 = vector.load %arg1[%get3A, %get3A_2] : memref<1024x128xf32, #tpu.memory_space<vmem>>, vector<1024x128xf32>
    %get3A_4 = arith.constant 0 : index
    %get3A_5 = arith.constant 0 : index
    %get3A_6 = vector.load %arg3[%get3A_4, %get3A_5] : memref<8x128xf32, #tpu.memory_space<vmem>>, vector<1x128xf32>
    %reduce_sum3A = arith.constant dense<0.000000e+00> : vector<128xf32>
    %reduce_sum3A_7 = vector.multi_reduction <add>, %get3A_3, %reduce_sum3A [0] : vector<1024x128xf32> to vector<128xf32>
    %broadcast_in_dim3A = vector.shape_cast %reduce_sum3A_7 : vector<128xf32> to vector<1x128xf32>
    %add3A = arith.addf %get3A_6, %broadcast_in_dim3A : vector<1x128xf32>
    %swap3A = arith.constant 0 : index
    %swap3A_8 = arith.constant 0 : index
    %swap3A_9 = vector.load %arg3[%swap3A, %swap3A_8] : memref<8x128xf32, #tpu.memory_space<vmem>>, vector<1x128xf32>
    tpu.vector_store %arg3[%swap3A, %swap3A_8], %add3A {strides = array<i32>} : memref<8x128xf32, #tpu.memory_space<vmem>>, vector<1x128xf32>,
    %get3A_10 = arith.constant 1 : index
    %get3A_11 = arith.constant 0 : index
    %get3A_12 = vector.load %arg3[%get3A_10, %get3A_11] : memref<8x128xf32, #tpu.memory_space<vmem>>, vector<1x128xf32>
    %mul3A = arith.mulf %get3A_3, %get3A_3 : vector<1024x128xf32>
    %reduce_sum3A_13 = arith.constant dense<0.000000e+00> : vector<128xf32>
    %reduce_sum3A_14 = vector.multi_reduction <add>, %mul3A, %reduce_sum3A_13 [0] : vector<1024x128xf32> to vector<128xf32>
    %broadcast_in_dim3A_15 = vector.shape_cast %reduce_sum3A_14 : vector<128xf32> to vector<1x128xf32>
    %add3A_16 = arith.addf %get3A_12, %broadcast_in_dim3A_15 : vector<1x128xf32>
    %swap3A_17 = arith.constant 1 : index
    %swap3A_18 = arith.constant 0 : index
    %swap3A_19 = vector.load %arg3[%swap3A_17, %swap3A_18] : memref<8x128xf32, #tpu.memory_space<vmem>>, vector<1x128xf32>
    tpu.vector_store %arg3[%swap3A_17, %swap3A_18], %add3A_16 {strides = array<i32>} : memref<8x128xf32, #tpu.memory_space<vmem>>, vector<1x128xf32>,
    %eq3A_20 = arith.constant 9 : i32
    %eq3A_21 = arith.cmpi eq, %arg0, %eq3A_20 : i32
    %convert_element_type3A_22 = arith.extui %eq3A_21 : i1 to i32
    %cond3A_23 = arith.constant 0 : i32
    %cond3A_24 = arith.cmpi ne, %convert_element_type3A_22, %cond3A_23 : i32
    scf.if %cond3A_24 {
      %get3A_25 = arith.constant 0 : index
      %get3A_26 = arith.constant 0 : index
      %get3A_27 = vector.load %arg3[%get3A_25, %get3A_26] : memref<8x128xf32, #tpu.memory_space<vmem>>, vector<1x128xf32>
      %div3A = arith.constant 1.000000e+04 : f32
      %div3A_28 = vector.broadcast %div3A : f32 to vector<1x128xf32>
      %div3A_29 = arith.divf %get3A_27, %div3A_28 : vector<1x128xf32>
      %get3A_30 = arith.constant 1 : index
      %get3A_31 = arith.constant 0 : index
      %get3A_32 = vector.load %arg3[%get3A_30, %get3A_31] : memref<8x128xf32, #tpu.memory_space<vmem>>, vector<1x128xf32>
      %div3A_33 = arith.constant 1.000000e+04 : f32
      %div3A_34 = vector.broadcast %div3A_33 : f32 to vector<1x128xf32>
      %div3A_35 = arith.divf %get3A_32, %div3A_34 : vector<1x128xf32>
      %mul3A_36 = arith.mulf %div3A_29, %div3A_29 : vector<1x128xf32>
      %sub3A = arith.subf %div3A_35, %mul3A_36 : vector<1x128xf32>
      %swap3A_37 = arith.constant 0 : index
      %swap3A_38 = arith.constant 0 : index
      %swap3A_39 = vector.load %arg3[%swap3A_37, %swap3A_38] : memref<8x128xf32, #tpu.memory_space<vmem>>, vector<1x128xf32>
      tpu.vector_store %arg3[%swap3A_37, %swap3A_38], %div3A_29 {strides = array<i32>} : memref<8x128xf32, #tpu.memory_space<vmem>>, vector<1x128xf32>,
      %get3A_40 = arith.constant 0 : index
      %get3A_41 = arith.constant 0 : index
      %get3A_42 = vector.load %arg2[%get3A_40, %get3A_41] : memref<1x128xf32, #tpu.memory_space<vmem>>, vector<1x128xf32>
      %add3A_43 = arith.constant 9.99999974E-6 : f32
      %add3A_44 = vector.broadcast %add3A_43 : f32 to vector<1x128xf32>
      %add3A_45 = arith.addf %sub3A, %add3A_44 : vector<1x128xf32>
      %rsqrt3A = math.rsqrt %add3A_45 : vector<1x128xf32>
      %mul3A_46 = arith.mulf %get3A_42, %rsqrt3A : vector<1x128xf32>
      %swap3A_47 = arith.constant 1 : index
      %swap3A_48 = arith.constant 0 : index
      %swap3A_49 = vector.load %arg3[%swap3A_47, %swap3A_48] : memref<8x128xf32, #tpu.memory_space<vmem>>, vector<1x128xf32>
      tpu.vector_store %arg3[%swap3A_47, %swap3A_48], %mul3A_46 {strides = array<i32>} : memref<8x128xf32, #tpu.memory_space<vmem>>, vector<1x128xf32>,
    } else {
    }
    return
  }
  func.func @transform_0(%arg0: i32) -> (i32, i32) {
    %c0_i32 = arith.constant 0 : i32
    %c0_i32_0 = arith.constant 0 : i32
    return %arg0, %c0_i32 : i32, i32
  }
  func.func @transform_1(%arg0: i32) -> (i32, i32) {
    %c0_i32 = arith.constant 0 : i32
    %c0_i32_0 = arith.constant 0 : i32
    %c0_i32_1 = arith.constant 0 : i32
    return %c0_i32, %c0_i32_0 : i32, i32
  }
  func.func @transform_2(%arg0: i32) -> (i32, i32) {
    %c0_i32 = arith.constant 0 : i32
    %c0_i32_0 = arith.constant 0 : i32
    %c0_i32_1 = arith.constant 0 : i32
    return %c0_i32, %c0_i32_0 : i32, i32
  }
}

module attributes {stable_mosaic.version = 14 : i64} {
  func.func @_z_body(%arg0: i32, %arg1: memref<1024x128xf32, #tpu.memory_space<vmem>>, %arg2: memref<8x128xf32, #tpu.memory_space<vmem>>, %arg3: memref<1x128xf32, #tpu.memory_space<vmem>>, %arg4: memref<1024x1xf32, #tpu.memory_space<vmem>>, %arg5: memref<1024x1xf32, #tpu.memory_space<vmem>>, %arg6: memref<1024x128xf32, #tpu.memory_space<vmem>>, %arg7: memref<1024x1xf32, #tpu.memory_space<vmem>>) attributes {dimension_semantics = [#tpu.dimension_semantics<arbitrary>], iteration_bounds = array<i64: 10>, scalar_prefetch = 0 : i64, scratch_operands = 0 : i64, tpu.core_type = #tpu.core_type<tc>, window_params = [{transform_indices = @transform_0, window_bounds = array<i64: 1024, 128>}, {pipeline_mode = #tpu.pipeline_mode<synchronous>, transform_indices = @transform_1, window_bounds = array<i64: 8, 128>}, {pipeline_mode = #tpu.pipeline_mode<synchronous>, transform_indices = @transform_2, window_bounds = array<i64: 1, 128>}, {transform_indices = @transform_3, window_bounds = array<i64: 1024, 1>}, {transform_indices = @transform_4, window_bounds = array<i64: 1024, 1>}, {transform_indices = @transform_5, window_bounds = array<i64: 1024, 128>}, {transform_indices = @transform_6, window_bounds = array<i64: 1024, 1>}]} {
    %get3A = arith.constant 0 : index
    %get3A_0 = arith.constant 0 : index
    %get3A_1 = vector.load %arg2[%get3A, %get3A_0] : memref<8x128xf32, #tpu.memory_space<vmem>>, vector<1x128xf32>
    %get3A_2 = arith.constant 1 : index
    %get3A_3 = arith.constant 0 : index
    %get3A_4 = vector.load %arg2[%get3A_2, %get3A_3] : memref<8x128xf32, #tpu.memory_space<vmem>>, vector<1x128xf32>
    %get3A_5 = arith.constant 0 : index
    %get3A_6 = arith.constant 0 : index
    %get3A_7 = vector.load %arg4[%get3A_5, %get3A_6] : memref<1024x1xf32, #tpu.memory_space<vmem>>, vector<1024x1xf32>
    %get3A_8 = arith.constant 0 : index
    %get3A_9 = arith.constant 0 : index
    %get3A_10 = vector.load %arg5[%get3A_8, %get3A_9] : memref<1024x1xf32, #tpu.memory_space<vmem>>, vector<1024x1xf32>
    %add3A = arith.addf %get3A_7, %get3A_10 : vector<1024x1xf32>
    %add3A_11 = arith.constant 1.000000e+00 : f32
    %add3A_12 = vector.broadcast %add3A_11 : f32 to vector<1024x1xf32>
    %add3A_13 = arith.addf %add3A, %add3A_12 : vector<1024x1xf32>
    %rsqrt3A = math.rsqrt %add3A_13 : vector<1024x1xf32>
    %mul3A = arith.constant 1024 : i32
    %mul3A_14 = arith.muli %arg0, %mul3A : i32
    %iota3A = tpu.iota {dimensions = array<i32: 0>} : vector<1024x1xi32>
    %add3A_15 = vector.broadcast %mul3A_14 : i32 to vector<1024x1xi32>
    %add3A_16 = arith.addi %add3A_15, %iota3A : vector<1024x1xi32>
    %lt3A = arith.constant 10000 : i32
    %lt3A_17 = vector.broadcast %lt3A : i32 to vector<1024x1xi32>
    %lt3A_18 = arith.cmpi slt, %add3A_16, %lt3A_17 : vector<1024x1xi32>
    %jit3A = arith.constant 0.000000e+00 : f32
    %broadcast_in_dim3A = vector.broadcast %jit3A : f32 to vector<1024x1xf32>
    %select_n3A = arith.select %lt3A_18, %rsqrt3A, %broadcast_in_dim3A : vector<1024x1xi1>, vector<1024x1xf32>
    %get3A_19 = arith.constant 0 : index
    %get3A_20 = arith.constant 0 : index
    %get3A_21 = vector.load %arg1[%get3A_19, %get3A_20] : memref<1024x128xf32, #tpu.memory_space<vmem>>, vector<1024x128xf32>
    %sub3A = vector.broadcast %get3A_1 : vector<1x128xf32> to vector<1024x128xf32>
    %sub3A_22 = arith.subf %get3A_21, %sub3A : vector<1024x128xf32>
    %mul3A_23 = vector.broadcast %get3A_4 : vector<1x128xf32> to vector<1024x128xf32>
    %mul3A_24 = arith.mulf %sub3A_22, %mul3A_23 : vector<1024x128xf32>
    %get3A_25 = arith.constant 0 : index
    %get3A_26 = arith.constant 0 : index
    %get3A_27 = vector.load %arg3[%get3A_25, %get3A_26] : memref<1x128xf32, #tpu.memory_space<vmem>>, vector<1x128xf32>
    %add3A_28 = vector.broadcast %get3A_27 : vector<1x128xf32> to vector<1024x128xf32>
    %add3A_29 = arith.addf %mul3A_24, %add3A_28 : vector<1024x128xf32>
    %mul3A_30 = vector.broadcast %select_n3A : vector<1024x1xf32> to vector<1024x128xf32>
    %mul3A_31 = arith.mulf %mul3A_30, %add3A_29 : vector<1024x128xf32>
    %swap3A = arith.constant 0 : index
    %swap3A_32 = arith.constant 0 : index
    %swap3A_33 = vector.load %arg6[%swap3A, %swap3A_32] : memref<1024x128xf32, #tpu.memory_space<vmem>>, vector<1024x128xf32>
    tpu.vector_store %arg6[%swap3A, %swap3A_32], %mul3A_31 {strides = array<i32>} : memref<1024x128xf32, #tpu.memory_space<vmem>>, vector<1024x128xf32>,
    %swap3A_34 = arith.constant 0 : index
    %swap3A_35 = arith.constant 0 : index
    %swap3A_36 = vector.load %arg7[%swap3A_34, %swap3A_35] : memref<1024x1xf32, #tpu.memory_space<vmem>>, vector<1024x1xf32>
    tpu.vector_store %arg7[%swap3A_34, %swap3A_35], %select_n3A {strides = array<i32>} : memref<1024x1xf32, #tpu.memory_space<vmem>>, vector<1024x1xf32>,
    return
  }
  func.func @transform_0(%arg0: i32) -> (i32, i32) {
    %c0_i32 = arith.constant 0 : i32
    %c0_i32_0 = arith.constant 0 : i32
    return %arg0, %c0_i32 : i32, i32
  }
  func.func @transform_1(%arg0: i32) -> (i32, i32) {
    %c0_i32 = arith.constant 0 : i32
    %c0_i32_0 = arith.constant 0 : i32
    %c0_i32_1 = arith.constant 0 : i32
    return %c0_i32, %c0_i32_0 : i32, i32
  }
  func.func @transform_2(%arg0: i32) -> (i32, i32) {
    %c0_i32 = arith.constant 0 : i32
    %c0_i32_0 = arith.constant 0 : i32
    %c0_i32_1 = arith.constant 0 : i32
    return %c0_i32, %c0_i32_0 : i32, i32
  }
  func.func @transform_3(%arg0: i32) -> (i32, i32) {
    %c0_i32 = arith.constant 0 : i32
    %c0_i32_0 = arith.constant 0 : i32
    return %arg0, %c0_i32 : i32, i32
  }
  func.func @transform_4(%arg0: i32) -> (i32, i32) {
    %c0_i32 = arith.constant 0 : i32
    %c0_i32_0 = arith.constant 0 : i32
    return %arg0, %c0_i32 : i32, i32
  }
  func.func @transform_5(%arg0: i32) -> (i32, i32) {
    %c0_i32 = arith.constant 0 : i32
    %c0_i32_0 = arith.constant 0 : i32
    return %arg0, %c0_i32 : i32, i32
  }
  func.func @transform_6(%arg0: i32) -> (i32, i32) {
    %c0_i32 = arith.constant 0 : i32
    %c0_i32_0 = arith.constant 0 : i32
    return %arg0, %c0_i32 : i32, i32
  }
}

module attributes {stable_mosaic.version = 14 : i64} {
  func.func @_final_body(%arg0: i32, %arg1: memref<1x1024x128xf32, #tpu.memory_space<vmem>>, %arg2: memref<1x1024x128xf32, #tpu.memory_space<vmem>>, %arg3: memref<1024x128xf32, #tpu.memory_space<vmem>>, %arg4: memref<1024x1xf32, #tpu.memory_space<vmem>>, %arg5: memref<1024x1xf32, #tpu.memory_space<vmem>>, %arg6: memref<1024x1xf32, #tpu.memory_space<vmem>>, %arg7: memref<128x128xf32, #tpu.memory_space<vmem>>, %arg8: memref<1x128xf32, #tpu.memory_space<vmem>>, %arg9: memref<128x128xf32, #tpu.memory_space<vmem>>, %arg10: memref<1x128xf32, #tpu.memory_space<vmem>>, %arg11: memref<1x128xf32, #tpu.memory_space<vmem>>, %arg12: memref<8x128xf32, #tpu.memory_space<vmem>>) attributes {dimension_semantics = [#tpu.dimension_semantics<arbitrary>], iteration_bounds = array<i64: 10>, scalar_prefetch = 0 : i64, scratch_operands = 1 : i64, tpu.core_type = #tpu.core_type<tc>, window_params = [{transform_indices = @transform_0, window_bounds = array<i64: 1, 1024, 128>}, {transform_indices = @transform_1, window_bounds = array<i64: 1, 1024, 128>}, {transform_indices = @transform_2, window_bounds = array<i64: 1024, 128>}, {transform_indices = @transform_3, window_bounds = array<i64: 1024, 1>}, {transform_indices = @transform_4, window_bounds = array<i64: 1024, 1>}, {transform_indices = @transform_5, window_bounds = array<i64: 1024, 1>}, {pipeline_mode = #tpu.pipeline_mode<synchronous>, transform_indices = @transform_6, window_bounds = array<i64: 128, 128>}, {pipeline_mode = #tpu.pipeline_mode<synchronous>, transform_indices = @transform_7, window_bounds = array<i64: 1, 128>}, {pipeline_mode = #tpu.pipeline_mode<synchronous>, transform_indices = @transform_8, window_bounds = array<i64: 128, 128>}, {pipeline_mode = #tpu.pipeline_mode<synchronous>, transform_indices = @transform_9, window_bounds = array<i64: 1, 128>}, {pipeline_mode = #tpu.pipeline_mode<synchronous>, transform_indices = @transform_10, window_bounds = array<i64: 1, 128>}]} {
    %get3A = arith.constant 0 : index
    %get3A_0 = arith.constant 0 : index
    %get3A_1 = vector.load %arg4[%get3A, %get3A_0] : memref<1024x1xf32, #tpu.memory_space<vmem>>, vector<1024x1xf32>
    %get3A_2 = arith.constant 0 : index
    %get3A_3 = arith.constant 0 : index
    %get3A_4 = arith.constant 0 : index
    %get3A_5 = vector.load %arg1[%get3A_2, %get3A_3, %get3A_4] : memref<1x1024x128xf32, #tpu.memory_space<vmem>>, vector<1x1024x128xf32>
    %get3A_6 = vector.shape_cast %get3A_5 : vector<1x1024x128xf32> to vector<1024x128xf32>
    %get3A_7 = arith.constant 0 : index
    %get3A_8 = arith.constant 0 : index
    %get3A_9 = arith.constant 0 : index
    %get3A_10 = vector.load %arg2[%get3A_7, %get3A_8, %get3A_9] : memref<1x1024x128xf32, #tpu.memory_space<vmem>>, vector<1x1024x128xf32>
    %get3A_11 = vector.shape_cast %get3A_10 : vector<1x1024x128xf32> to vector<1024x128xf32>
    %add3A = arith.addf %get3A_6, %get3A_11 : vector<1024x128xf32>
    %get3A_12 = arith.constant 0 : index
    %get3A_13 = arith.constant 0 : index
    %get3A_14 = vector.load %arg3[%get3A_12, %get3A_13] : memref<1024x128xf32, #tpu.memory_space<vmem>>, vector<1024x128xf32>
    %add3A_15 = arith.addf %add3A, %get3A_14 : vector<1024x128xf32>
    %mul3A = vector.broadcast %get3A_1 : vector<1024x1xf32> to vector<1024x128xf32>
    %mul3A_16 = arith.mulf %mul3A, %add3A_15 : vector<1024x128xf32>
    %get3A_17 = arith.constant 0 : index
    %get3A_18 = arith.constant 0 : index
    %get3A_19 = vector.load %arg7[%get3A_17, %get3A_18] : memref<128x128xf32, #tpu.memory_space<vmem>>, vector<128x128xf32>
    %dot_general3A = arith.constant dense<0.000000e+00> : vector<1024x128xf32>
    %dot_general3A_20 = tpu.matmul %mul3A_16, %get3A_19, %dot_general3A {dimension_numbers = #tpu.dot_dimension_numbers<[1], [0], [0], [1], [0, 0, 1, 1], [], []>, transpose_lhs_hint = false} : vector<1024x128xf32>, vector<128x128xf32>, vector<1024x128xf32> -> vector<1024x128xf32>
    %get3A_21 = arith.constant 0 : index
    %get3A_22 = arith.constant 0 : index
    %get3A_23 = vector.load %arg8[%get3A_21, %get3A_22] : memref<1x128xf32, #tpu.memory_space<vmem>>, vector<1x128xf32>
    %add3A_24 = vector.broadcast %get3A_23 : vector<1x128xf32> to vector<1024x128xf32>
    %add3A_25 = arith.addf %dot_general3A_20, %add3A_24 : vector<1024x128xf32>
    %ge3A = arith.constant 0.000000e+00 : f32
    %ge3A_26 = vector.broadcast %ge3A : f32 to vector<1024x128xf32>
    %ge3A_27 = arith.cmpf oge, %add3A_25, %ge3A_26 : vector<1024x128xf32>
    %mul3A_28 = arith.constant 1.000000e-01 : f32
    %mul3A_29 = vector.broadcast %mul3A_28 : f32 to vector<1024x128xf32>
    %mul3A_30 = arith.mulf %mul3A_29, %add3A_25 : vector<1024x128xf32>
    %select_n3A = arith.select %ge3A_27, %add3A_25, %mul3A_30 : vector<1024x128xi1>, vector<1024x128xf32>
    %get3A_31 = arith.constant 0 : index
    %get3A_32 = arith.constant 0 : index
    %get3A_33 = vector.load %arg5[%get3A_31, %get3A_32] : memref<1024x1xf32, #tpu.memory_space<vmem>>, vector<1024x1xf32>
    %get3A_34 = arith.constant 0 : index
    %get3A_35 = arith.constant 0 : index
    %get3A_36 = vector.load %arg6[%get3A_34, %get3A_35] : memref<1024x1xf32, #tpu.memory_space<vmem>>, vector<1024x1xf32>
    %add3A_37 = arith.addf %get3A_33, %get3A_36 : vector<1024x1xf32>
    %add3A_38 = arith.addf %add3A_37, %get3A_1 : vector<1024x1xf32>
    %mul3A_39 = arith.mulf %get3A_1, %add3A_38 : vector<1024x1xf32>
    %mul3A_40 = vector.broadcast %mul3A_39 : vector<1024x1xf32> to vector<1024x128xf32>
    %mul3A_41 = arith.mulf %mul3A_40, %select_n3A : vector<1024x128xf32>
    %reduce_sum3A = arith.constant dense<0.000000e+00> : vector<128xf32>
    %reduce_sum3A_42 = vector.multi_reduction <add>, %mul3A_41, %reduce_sum3A [0] : vector<1024x128xf32> to vector<128xf32>
    %broadcast_in_dim3A = vector.shape_cast %reduce_sum3A_42 : vector<128xf32> to vector<1x128xf32>
    %eq3A = arith.constant 0 : i32
    %eq3A_43 = arith.cmpi eq, %arg0, %eq3A : i32
    %convert_element_type3A = arith.extui %eq3A_43 : i1 to i32
    %cond3A = arith.constant 0 : i32
    %cond3A_44 = arith.cmpi ne, %convert_element_type3A, %cond3A : i32
    scf.if %cond3A_44 {
      %broadcast_in_dim3A_56 = arith.constant 0.000000e+00 : f32
      %broadcast_in_dim3A_57 = vector.broadcast %broadcast_in_dim3A_56 : f32 to vector<8x128xf32>
      %swap3A_58 = arith.constant 0 : index
      %swap3A_59 = arith.constant 0 : index
      %swap3A_60 = vector.load %arg12[%swap3A_58, %swap3A_59] : memref<8x128xf32, #tpu.memory_space<vmem>>, vector<8x128xf32>
      tpu.vector_store %arg12[%swap3A_58, %swap3A_59], %broadcast_in_dim3A_57 {strides = array<i32>} : memref<8x128xf32, #tpu.memory_space<vmem>>, vector<8x128xf32>,
    } else {
    }
    %get3A_45 = arith.constant 0 : index
    %get3A_46 = arith.constant 0 : index
    %get3A_47 = vector.load %arg12[%get3A_45, %get3A_46] : memref<8x128xf32, #tpu.memory_space<vmem>>, vector<1x128xf32>
    %add3A_48 = arith.addf %get3A_47, %broadcast_in_dim3A : vector<1x128xf32>
    %swap3A = arith.constant 0 : index
    %swap3A_49 = arith.constant 0 : index
    %swap3A_50 = vector.load %arg12[%swap3A, %swap3A_49] : memref<8x128xf32, #tpu.memory_space<vmem>>, vector<1x128xf32>
    tpu.vector_store %arg12[%swap3A, %swap3A_49], %add3A_48 {strides = array<i32>} : memref<8x128xf32, #tpu.memory_space<vmem>>, vector<1x128xf32>,
    %eq3A_51 = arith.constant 9 : i32
    %eq3A_52 = arith.cmpi eq, %arg0, %eq3A_51 : i32
    %convert_element_type3A_53 = arith.extui %eq3A_52 : i1 to i32
    %cond3A_54 = arith.constant 0 : i32
    %cond3A_55 = arith.cmpi ne, %convert_element_type3A_53, %cond3A_54 : i32
    scf.if %cond3A_55 {
      %get3A_56 = arith.constant 0 : index
      %get3A_57 = arith.constant 0 : index
      %get3A_58 = vector.load %arg12[%get3A_56, %get3A_57] : memref<8x128xf32, #tpu.memory_space<vmem>>, vector<1x128xf32>
      %div3A = arith.constant 1.000000e+04 : f32
      %div3A_59 = vector.broadcast %div3A : f32 to vector<1x128xf32>
      %div3A_60 = arith.divf %get3A_58, %div3A_59 : vector<1x128xf32>
      %get3A_61 = arith.constant 0 : index
      %get3A_62 = arith.constant 0 : index
      %get3A_63 = vector.load %arg9[%get3A_61, %get3A_62] : memref<128x128xf32, #tpu.memory_space<vmem>>, vector<128x128xf32>
      %dot_general3A_64 = arith.constant dense<0.000000e+00> : vector<1x128xf32>
      %dot_general3A_65 = tpu.matmul %div3A_60, %get3A_63, %dot_general3A_64 {dimension_numbers = #tpu.dot_dimension_numbers<[1], [0], [0], [1], [0, 0, 1, 1], [], []>, transpose_lhs_hint = false} : vector<1x128xf32>, vector<128x128xf32>, vector<1x128xf32> -> vector<1x128xf32>
      %get3A_66 = arith.constant 0 : index
      %get3A_67 = arith.constant 0 : index
      %get3A_68 = vector.load %arg10[%get3A_66, %get3A_67] : memref<1x128xf32, #tpu.memory_space<vmem>>, vector<1x128xf32>
      %add3A_69 = arith.addf %dot_general3A_65, %get3A_68 : vector<1x128xf32>
      %swap3A_70 = arith.constant 0 : index
      %swap3A_71 = arith.constant 0 : index
      %swap3A_72 = vector.load %arg11[%swap3A_70, %swap3A_71] : memref<1x128xf32, #tpu.memory_space<vmem>>, vector<1x128xf32>
      tpu.vector_store %arg11[%swap3A_70, %swap3A_71], %add3A_69 {strides = array<i32>} : memref<1x128xf32, #tpu.memory_space<vmem>>, vector<1x128xf32>,
    } else {
    }
    return
  }
  func.func @transform_0(%arg0: i32) -> (i32, i32, i32) {
    %c0_i32 = arith.constant 0 : i32
    %c0_i32_0 = arith.constant 0 : i32
    %c0_i32_1 = arith.constant 0 : i32
    return %c0_i32, %arg0, %c0_i32_0 : i32, i32, i32
  }
  func.func @transform_1(%arg0: i32) -> (i32, i32, i32) {
    %c1_i32 = arith.constant 1 : i32
    %c0_i32 = arith.constant 0 : i32
    %c0_i32_0 = arith.constant 0 : i32
    return %c1_i32, %arg0, %c0_i32 : i32, i32, i32
  }
  func.func @transform_2(%arg0: i32) -> (i32, i32) {
    %c0_i32 = arith.constant 0 : i32
    %c0_i32_0 = arith.constant 0 : i32
    return %arg0, %c0_i32 : i32, i32
  }
  func.func @transform_3(%arg0: i32) -> (i32, i32) {
    %c0_i32 = arith.constant 0 : i32
    %c0_i32_0 = arith.constant 0 : i32
    return %arg0, %c0_i32 : i32, i32
  }
  func.func @transform_4(%arg0: i32) -> (i32, i32) {
    %c0_i32 = arith.constant 0 : i32
    %c0_i32_0 = arith.constant 0 : i32
    return %arg0, %c0_i32 : i32, i32
  }
  func.func @transform_5(%arg0: i32) -> (i32, i32) {
    %c0_i32 = arith.constant 0 : i32
    %c0_i32_0 = arith.constant 0 : i32
    return %arg0, %c0_i32 : i32, i32
  }
  func.func @transform_6(%arg0: i32) -> (i32, i32) {
    %c0_i32 = arith.constant 0 : i32
    %c0_i32_0 = arith.constant 0 : i32
    %c0_i32_1 = arith.constant 0 : i32
    return %c0_i32, %c0_i32_0 : i32, i32
  }
  func.func @transform_7(%arg0: i32) -> (i32, i32) {
    %c0_i32 = arith.constant 0 : i32
    %c0_i32_0 = arith.constant 0 : i32
    %c0_i32_1 = arith.constant 0 : i32
    return %c0_i32, %c0_i32_0 : i32, i32
  }
  func.func @transform_8(%arg0: i32) -> (i32, i32) {
    %c0_i32 = arith.constant 0 : i32
    %c0_i32_0 = arith.constant 0 : i32
    %c0_i32_1 = arith.constant 0 : i32
    return %c0_i32, %c0_i32_0 : i32, i32
  }
  func.func @transform_9(%arg0: i32) -> (i32, i32) {
    %c0_i32 = arith.constant 0 : i32
    %c0_i32_0 = arith.constant 0 : i32
    %c0_i32_1 = arith.constant 0 : i32
    return %c0_i32, %c0_i32_0 : i32, i32
  }
  func.func @transform_10(%arg0: i32) -> (i32, i32) {
    %c0_i32 = arith.constant 0 : i32
    %c0_i32_0 = arith.constant 0 : i32
    %c0_i32_1 = arith.constant 0 : i32
    return %c0_i32, %c0_i32_0 : i32, i32
  }
}

</mosaic_0001>

<sc_bundles>
// kernel: kernel.10.cloned.1.call-start
scs
__scs_entry_jumppad:
0x0: {  	(pc) =	sbr.rel $0x88, $3  }
0x1: {  	(tag) =	ssettag $0x0;
	lr =	simm.s32 $0x1  }
0x2: {  	[smem:$0x3F99] =	sst lr;
	_ =	strace $0xD0000000  }
0x3: {  	_ = 	snop  }
0x4: {  	_ = 	snop  }
0x5: {  	_ = 	snop  }
0x6: {  	_ = 	snop  }
0x7: {  	_ = 	snop  }
__scs_overlays_trampoline_lowered:
0x8: {  	[smem:$0x3FA8] =	sst s0  }
0x9: {  	[smem:$0x3FA9] =	sst s1  }
0xa: {  	[smem:$0x3FAA] =	sst s2  }
0xb: {  	[smem:$0x3FAB] =	sst s3  }
0xc: {  	[smem:$0x3FAC] =	sst s4  }
0xd: {  	[smem:$0x3FAD] =	sst s5  }
0xe: {  	[smem:$0x3FAE] =	sst s6  }
0xf: {  	[smem:$0x3FAF] =	sst s7  }
0x10: {  	[smem:$0x3FB0] =	sst s8  }
0x11: {  	[smem:$0x3FB1] =	sst s9;
	s0 =	simm.s32 @!p0 $0x0  }
0x12: {  	s1 =	sld [smem:$0x3F97];
	s0 =	simm.s32 @p0 $0x1  }
0x13: {  	[smem:$0x3FB2] =	sst s0;
	s0 =	simm.s32 @!p1 $0x0  }
0x14: {  	s2 =	sld [smem:$0x3F96];
	s0 =	simm.s32 @p1 $0x1  }
0x15: {  	[smem:$0x3FB3] =	sst s0;
	s0 =	simm.s32 @!p2 $0x0  }
0x16: {  	s3 =	sld [smem:$0x3FDB];
	s0 =	simm.s32 @p2 $0x1  }
0x17: {  	s4 =	simm.s32 $0x1BF5;
	[smem:$0x3FB5] =	sst s0  }
0x18: {  	s0 =	sld [smem:$0x3F98];
	_ =	swait.ge [sflag:s4], $0x0  }
0x19: {  	s7 =	sld [smem:$0x3F99]  }
0x1a: {  	s8 =	sadd.s32 $0xFFFFE003, lr  }
0x1b: {  	s9 =	sadd.s32 $0xFFFFFEF7, lr;
	s5 =	simm.s32 $0xFFFFFFFF;
	p2 =	slt.u32 s8, $0xFFFFF086  }
0x1c: {  	p1 =	slt.u32 s9, $0xF7A;
	s5 =	simm.s32 @!p2 $0x0  }
0x1d: {  	s5 =	simm.s32 @p1 $0x1;
	p0 =	seq.s32 s7, s2  }
0x1e: {  	s7 =	smul.u32 @!p0 $0xF7A, s2;
	p2 =	seq.s32 @!p0 s5, $0x0  }
0x1f: {  	s9 =	smul.u32 $0xF7A, s1;
	s8 =	simm.s32 @!p0 $0x1BF5;
	p2 =	por !p2, p0  }
0x20: {  	[sflag:s8] =	ssyncset.s32 @!p0 $0xFFFFF086;
	s6 =	sadd.s32 @!p0 s3, s7;
	s7 =	simm.s32 @!p0 $0x108  }
0x21: {  	s3 =	sadd.s32 s3, s9;
	s6 =	sadd.s32 @!p0 $0x88, s6;
	s7 =	simm.s32 @p2 $0x1082  }
0x22: {  	[simem:s7], [sflag:s8] =	dma.local @!p0 [hbm:s6], $0xF7A  }
0x23: {  	s9 =	sor.u32 $0xD0000000, s2;
	s6 =	simm.s32 $0x108;
	_ =	swait.ge @!p0 [sflag:s8], $0x0  }
0x24: {  	s3 =	sadd.s32 $0x88, s3;
	s6 =	simm.s32 @!p1 $0x1082;
	[sflag:s4] =	ssyncset.s32 $0xFFFFF086  }
0x25: {  	[simem:s6], [sflag:s4] =	dma.local [hbm:s3], $0xF7A  }
0x26: {  	[smem:$0x3F99] =	sst s1;
	(tag) =	ssettag s2;
	_ =	strace s9  }
0x27: {  	s1 =	sld [smem:$0x3FA9]  }
0x28: {  	s2 =	sld [smem:$0x3FAA]  }
0x29: {  	s4 =	sld [smem:$0x3FAC]  }
0x2a: {  	p0 =	seq.s32 s5, $0x0;
	s5 =	sld [smem:$0x3FAD]  }
0x2b: {  	s6 =	sld [smem:$0x3FAE]  }
0x2c: {  	s7 =	sld [smem:$0x3FAF]  }
0x2d: {  	s3 =	simm.s32 $0x108;
	s8 =	sld [smem:$0x3FB0]  }
0x2e: {  	s3 =	simm.s32 @!p0 $0x1082;
	s9 =	sld [smem:$0x3FB1]  }
0x2f: {  	lr =	sadd.s32 s0, s3;
	s0 =	sld [smem:$0x3FA8]  }
0x30: {  	s3 =	sld [smem:$0x3FAB]  }
0x31: {  	[smem:$0x3FB4] =	sst s10  }
0x32: {  	s10 =	sld [smem:$0x3FB2];
	_ =	sdelay $0x3  }
0x33: {  	p0 =	seq.s32 s10, $0x1;
	s10 =	sld [smem:$0x3FB4];
	_ =	sdelay $0x3  }
0x34: {  	[smem:$0x3FB4] =	sst s10  }
0x35: {  	s10 =	sld [smem:$0x3FB3];
	_ =	sdelay $0x3  }
0x36: {  	p1 =	seq.s32 s10, $0x1;
	s10 =	sld [smem:$0x3FB4];
	_ =	sdelay $0x3  }
0x37: {  	[smem:$0x3FB4] =	sst s10  }
0x38: {  	s10 =	sld [smem:$0x3FB5]  }
0x39: {  	_ = 	snop;
	(pc) =	sbr.ind lr, $3  }
0x3a: {  	_ = 	snop  }
0x3b: {  	_ = 	snop  }
0x3c: {  	p2 =	seq.s32 s10, $0x1;
	s10 =	sld [smem:$0x3FB4]  }
0x3d: {  	_ =	shalt  }
0x3e: {  	_ =	shalt  }
0x3f: {  	_ =	shalt  }
0x40: {  	_ =	shalt  }
0x41: {  	_ =	shalt  }
0x42: {  	_ =	shalt  }
0x43: {  	_ =	shalt  }
0x44: {  	_ =	shalt  }
0x45: {  	_ =	shalt  }
0x46: {  	_ =	shalt  }
0x47: {  	_ =	shalt  }
0x48: {  	_ =	shalt  }
0x49: {  	_ =	shalt  }
0x4a: {  	_ =	shalt  }
0x4b: {  	_ =	shalt  }
0x4c: {  	_ =	shalt  }
0x4d: {  	_ =	shalt  }
0x4e: {  	_ =	shalt  }
0x4f: {  	_ =	shalt  }
0x50: {  	_ =	shalt  }
0x51: {  	_ =	shalt  }
0x52: {  	_ =	shalt  }
0x53: {  	_ =	shalt  }
0x54: {  	_ =	shalt  }
0x55: {  	_ =	shalt  }
0x56: {  	_ =	shalt  }
0x57: {  	_ =	shalt  }
0x58: {  	_ =	shalt  }
0x59: {  	_ =	shalt  }
0x5a: {  	_ =	shalt  }
0x5b: {  	_ =	shalt  }
0x5c: {  	_ =	shalt  }
0x5d: {  	_ =	shalt  }
0x5e: {  	_ =	shalt  }
0x5f: {  	_ =	shalt  }
0x60: {  	_ =	shalt  }
0x61: {  	_ =	shalt  }
0x62: {  	_ =	shalt  }
0x63: {  	_ =	shalt  }
0x64: {  	_ =	shalt  }
0x65: {  	_ =	shalt  }
0x66: {  	_ =	shalt  }
0x67: {  	_ =	shalt  }
0x68: {  	_ =	shalt  }
0x69: {  	_ =	shalt  }
0x6a: {  	_ =	shalt  }
0x6b: {  	_ =	shalt  }
0x6c: {  	_ =	shalt  }
0x6d: {  	_ =	shalt  }
0x6e: {  	_ =	shalt  }
0x6f: {  	_ =	shalt  }
0x70: {  	_ =	shalt  }
0x71: {  	_ =	shalt  }
0x72: {  	_ =	shalt  }
0x73: {  	_ =	shalt  }
0x74: {  	_ =	shalt  }
0x75: {  	_ =	shalt  }
0x76: {  	_ =	shalt  }
0x77: {  	_ =	shalt  }
0x78: {  	_ =	shalt  }
0x79: {  	_ =	shalt  }
0x7a: {  	_ =	shalt  }
0x7b: {  	_ =	shalt  }
0x7c: {  	_ =	shalt  }
0x7d: {  	_ =	shalt  }
0x7e: {  	_ =	shalt  }
0x7f: {  	_ =	shalt  }
0x80: {  	_ =	shalt  }
0x81: {  	_ =	shalt  }
0x82: {  	_ =	shalt  }
0x83: {  	_ =	shalt  }
0x84: {  	_ =	shalt  }
0x85: {  	_ =	shalt  }
0x86: {  	_ =	shalt  }
0x87: {  	_ =	shalt  }
.Lfunc_end0:
.L_simem_size_0:
called_computation.1_lowered:
.L_overlay_start_0:
0x88: {  	s2 =	sld [smem:$0x3FD9]  }
0x89: {  	s3 =	sld [smem:$0x3FFE];
	_ =	sdelay $0x1  }
0x8a: {  	s1 =	srdreg.scid  }
0x8b: {  	s0 =	sand.u32 $0x1, s1  }
0x8c: {  	s16 =	sshll.u32 s0, $0xA;
	s2 =	sadd.s32 s3, s2  }
0x8d: {  	s2 =	sadd.s32 s2, s16  }
0x8e: {  	[smem:$0x3FC0] =	sst s2  }
0x8f: {  	_ = 	snop  }
0x90: {  	(tm) =	ssettm $0x1  }
0x91: {  	s17 =	sld [smem:$0x3FFB];
	_ =	sdelay $0x3  }
0x92: {  	_ =	strace s17  }
0x93: {  	s2 =	sld [smem:$0x3FFC];
	_ =	sdelay $0x3  }
0x94: {  	_ =	strace s2  }
0x95: {  	s2 =	sld [smem:$0x3FFD];
	_ =	sdelay $0x3  }
0x96: {  	_ =	strace s2  }
0x97: {  	_ =	strace $0x8FFFFFFF  }
0x98: {  	s18 =	sld [smem:$0x3FDB];
	_ =	sdelay $0x1  }
0x99: {  	s19 =	simm.s32 $_scs_section_size  }
0x9a: {  	s4 =	simm.s32 $_size__tile_overlayer_lowered;
	s5 =	simm.s32 $_tile_overlayer_lowered  }
0x9b: {  	s22 =	simm.s32 $0x1BFF;
	s21 =	sshll.u32 s5, $0x1;
	s2 =	sadd.s32 s19, s18  }
0x9c: {  	s6 =	simm.s32 $0x0;
	s20 =	sshll.u32 s4, $0x1;
	s4 =	sadd.s32 s21, s2  }
0x9d: {  	[timem:s6], [sflag:s22] =	dma.local [hbm:s4], s20  }
0x9e: {  	_ =	swait.ge [sflag:s22], s20  }
0x9f: {  	s3 =	ssub.s32 $0x0, s20;
	[sflag:s22] =	ssyncset.done $0x0  }
0xa0: {  	[sflag:s22] =	ssyncadd.s32 s3;
	_ =	sdelay $0x1  }
0xa1: {  	s23 =	simm.s32 $0x1B8B  }
0xa2: {  	_ =	swait.ge [sflag:s23], $0x1  }
0xa3: {  	[sflag:s23] =	ssyncset.done $0x0  }
0xa4: {  	s25 =	simm.s32 $0x1B8E;
	s24 =	sld [smem:$0x3FFE];
	[sflag:s23] =	ssyncadd.s32 $0xFFFFFFFF  }
0xa5: {  	s26 =	simm.s32 $execute0_lowered;
	[smem:$0x3FD2] =	sst s25  }
0xa6: {  	s4 =	sshll.u32 s26, $0x1;
	_ =	strace $0x80000049;
	[dreg:$0x1] =	wrdreg $0xFFFFFFFF  }
0xa7: {  	s28 =	simm.s32 $_size_execute0_lowered;
	s2 =	sadd.s32 s2, s4;
	[dreg:$0x0] =	wrdreg $0x0  }
0xa8: {  	s4 =	sshll.u32 s28, $0x1;
	[dreg:$0x2] =	wrdreg s2  }
0xa9: {  	[dreg:$0x3] =	wrdreg s4  }
0xaa: {  	[dreg:$0x4] =	wrdreg $0xC0  }
0xab: {  	_ =	task [dreg:s6], $0x5FFFF  }
0xac: {  	[dreg:$0x1] =	wrdreg $0xFFFFFFFF  }
0xad: {  	[dreg:$0x0] =	wrdreg $0x60  }
0xae: {  	[dreg:$0x2] =	wrdreg s24  }
0xaf: {  	[dreg:$0x3] =	wrdreg $0x0  }
0xb0: {  	[dreg:$0x4] =	wrdreg $0x140000  }
0xb1: {  	[dreg:$0x5] =	wrdreg $0x9  }
0xb2: {  	_ =	task.clear_ibuf [dreg:s6], $0x6FFFF;
	_ =	strace $0x90000049  }
0xb3: {  	s29 =	simm.s32 $0x9;
	_ =	strace $0x8000004B  }
0xb4: {  	_ =	swait.ge [sflag:s29], $0x1  }
0xb5: {  	[sflag:s29] =	ssyncadd.s32 $0xFFFFFFFF  }
0xb6: {  	_ =	strace $0x9000004B  }
0xb7: {  	_ =	sfence  }
0xb8: {  	s30 =	sld [smem:$0x0];
	_ =	sdelay $0x2  }
0xb9: {  	s31 =	sshll.u32 s1, $0xD;
	s1 =	sshrl.u32 s1, $0x2  }
0xba: {  	s3 =	sand.u32 $0x4000, s31;
	s1 =	sadd.s32 s1, s30  }
0xbb: {  	s0 =	sor.u32 s3, s0;
	s1 =	sshll.u32 s1, $0x11  }
0xbc: {  	s0 =	sor.u32 s1, s0  }
0xbd: {  	s0 =	sadd.s32 $0x8F2B, s0  }
0xbe: {  	[sflag:s0] =	ssyncadd.remote.s32 $0x1  }
0xbf: {  	_ =	sfence.sel $0xFFFF  }
0xc0: {  	[dreg:$0x0] =	wrdreg $0xFFFFFFFF;
	(pc) =	sbr.abs _section_cstart, $3  }
0xc1: {  	[dreg:$0x1] =	wrdreg $0xFFFFFFFF  }
0xc2: {  	_ =	task.clear_ibuf [dreg:s6], $0x2FFFF;
	_ =	strace $0x9FFFFFFF  }
0xc3: {  	(tm) =	ssettm $0x7FFFFFFF  }
tec
execute0_lowered:
.L_overlay_start_1:
0x0: {  	(tag) =	ssettag $0x1  }
0x1: {  	s0 =	rddreg [dreg:$0x0]  }
0x2: {  	s1 =	rddreg [dreg:$0x1]  }
0x3: {  	s2 =	rddreg [dreg:$0x2];
	s17 =	stileid.u32  }
0x4: {  	s3 =	srdreg.scid;
	s4 =	simm.s32 $0x0;
	s8 =	smul.u32 $0x14000, s17  }
0x5: {  	s30 =	simm.s32 $0x6;
	s31 =	simm.s32 $0x19680;
	s10 =	smul.u32 $0x500, s17  }
0x6: {  	s3 =	sand.u32 $0x1, s3;
	[smem:$0x7FF] =	sst s4;
	s12 =	smul.u32 $0x280, s17  }
0x7: {  	s5 =	sadd.s32 $0x12C00, s0;
	s6 =	sadd.s32 $0x2200, s0;
	s14 =	smul.u32 $0x50000, s17  }
0x8: {  	s7 =	smul.u32 $0x140000, s3;
	_ =	strace $0x8000004A;
	s20 =	ssub.s32 $0x2, s3  }
0x9: {  	s19 =	sshll.u32 s3, $0x7;
	p0 =	seq.s32 s3, $0x1;
	s13 =	sshrl.u32 s20, $0x1  }
0xa: {  	s21 =	sor.u32 $0x50, s12;
	s22 =	sshrl.u32 s14, $0x2;
	s15 =	sadd.s32 $0xA0, s12  }
0xb: {  	s26 =	sadd.s32 $0xF0, s12;
	s18 =	sadd.s32 $0x140, s12;
	s8 =	sadd.s32 s8, s7  }
0xc: {  	s7 =	sadd.s32 $0x22C00, s0;
	s23 =	sshll.u32 s21, $0x7;
	s24 =	sshll.u32 s15, $0x7  }
0xd: {  	s15 =	sadd.s32 s15, s2;
	s16 =	sshll.u32 s26, $0x7;
	s9 =	sshrl.u32 s8, $0x3  }
0xe: {  	s8 =	sadd.s32 $0x12200, s0;
	s14 =	sadd.s32 s23, s1;
	s25 =	sadd.s32 s24, s1  }
0xf: {  	[dreg:$0x7] =	wrdreg s15;
	s23 =	sadd.s32 $0x1E0, s12;
	s11 =	sadd.s32 s9, s0  }
0x10: {  	s9 =	sor.u32 s19, s10;
	s10 =	ssub.s32 s20, s13;
	[dreg:$0x4] =	wrdreg s14  }
0x11: {  	s13 =	sadd.s32 s21, s2;
	[dreg:$0x6] =	wrdreg s25;
	s14 =	sadd.s32 s16, s1  }
0x12: {  	s19 =	sshll.u32 s18, $0x7;
	s16 =	sadd.s32 $0x190, s12;
	[dreg:$0x5] =	wrdreg s13  }
0x13: {  	s25 =	sshll.u32 s23, $0x7;
	s9 =	sshrl.u32 s9, $0x3;
	[dreg:$0x8] =	wrdreg s14  }
0x14: {  	s13 =	sadd.s32 s26, s2;
	s20 =	sadd.s32 s19, s1;
	s21 =	sshll.u32 s16, $0x7  }
0x15: {  	s24 =	sadd.s32 s16, s2;
	s3 =	sadd.s32 s25, s1;
	s26 =	sadd.s32 $0x230, s12  }
0x16: {  	s29 =	smax.u32 s10, $0x1;
	s10 =	simm.s32 $0x14280;
	[dreg:$0x9] =	wrdreg s13  }
0x17: {  	s0 =	sadd.s32 s9, s0;
	s9 =	sadd.s32 s22, s1;
	[dreg:$0xa] =	wrdreg s20  }
0x18: {  	s22 =	sadd.s32 s18, s2;
	s13 =	sadd.s32 s21, s1;
	[dreg:$0xd] =	wrdreg s24  }
0x19: {  	[dreg:$0xe] =	wrdreg s3;
	s21 =	sadd.s32 s12, s2;
	s14 =	sshll.u32 s26, $0x7  }
0x1a: {  	s3 =	sadd.s32 s26, s2;
	s24 =	sadd.s32 $0x4B600, s11;
	[dreg:$0xb] =	wrdreg s22  }
0x1b: {  	s11 =	simm.s32 $0x14480;
	[dreg:$0xc] =	wrdreg s13;
	s13 =	sadd.s32 s23, s2  }
0x1c: {  	s23 =	sshll.u32 s17, $0xC;
	s12 =	sadd.s32 s14, s1;
	[dreg:$0x11] =	wrdreg s3  }
0x1d: {  	[dreg:$0x18] =	wrdreg s24;
	s28 =	sadd.s32 $0x4AC00, s0;
	s0 =	sshll.u32 s17, $0xF  }
0x1e: {  	s14 =	simm.s32 $0x2;
	s17 =	simm.s32 $0x5;
	[dreg:$0xf] =	wrdreg s13  }
0x1f: {  	[dreg:$0x10] =	wrdreg s12;
	s15 =	sor.u32 $0x10, s23;
	s25 =	sadd.s32 s5, s23  }
0x20: {  	s18 =	sor.u32 $0xB40, s23;
	s26 =	sadd.s32 s6, s23;
	[dreg:$0x19] =	wrdreg s25  }
0x21: {  	s20 =	sor.u32 $0xB50, s23;
	s16 =	sadd.s32 s5, s15;
	[dreg:$0x1a] =	wrdreg s26  }
0x22: {  	s12 =	simm.s32 $0x1;
	s3 =	sadd.s32 s6, s15;
	[dreg:$0x12] =	wrdreg s16  }
.Ltmp0:
0x23: {  	s19 =	sadd.s32 s5, s18;
	[dreg:$0x13] =	wrdreg s3;
	(pc) =	sbr.rel .LBB2_1-.Ltmp0, $4  }
0x24: {  	s13 =	simm.s32 $0x50;
	s22 =	sadd.s32 s5, s20;
	[dreg:$0x14] =	wrdreg s19  }
0x25: {  	s15 =	simm.s32 $0x4;
	s3 =	sadd.s32 s6, s18;
	[dreg:$0x16] =	wrdreg s22  }
0x26: {  	s16 =	simm.s32 $0x3;
	[dreg:$0x15] =	wrdreg s3;
	s3 =	sadd.s32 s6, s20  }
0x27: {  	v0 =	vimm.f32 $0.0e+00;
	s18 =	simm.s32 $0x0;
	[dreg:$0x17] =	wrdreg s3;
	s3 =	simm.s32 $0x14680  }
.LBB2_14:
0x28: {  	_ =	swait.ge [sflag:s16], $0x2800  }
0x29: {  	[sflag:s16] =	ssyncset.done $0x0  }
0x2a: {  	[sflag:s16] =	ssyncadd.s32 $0xFFFFD800  }
0x2b: {  	_ =	swait.ge [sflag:s17], $0x50  }
0x2c: {  	[sflag:s17] =	ssyncset.done $0x0  }
0x2d: {  	s19 =	stileid.u32;
	[sflag:s17] =	ssyncadd.s32 $0xFFFFFFB0  }
0x2e: {  	s19 =	sshll.u32 s19, $0x6;
	[bflag:$0x0] =	sbarrier.arrive $0xFFFF  }
0x2f: {  	s20 =	sshrl.u32 s9, $0x3;
	s19 =	sor.u32 $0x1C06, s19;
	s22 =	rddreg [dreg:$0x18]  }
0x30: {  	[hbm:s22], [sflag:s19] =	dma.local [spmem:s20], $0x2800  }
0x31: {  	s25 =	sshrl.u32 s21, $0x3;
	s18 =	sadd.s32 $0x1, s18;
	_ =	swait.ge [sflag:s30], $0x2800  }
0x32: {  	s26 =	simm.s32 $0x20;
	p1 =	sne.s32 s18, s29;
	[sflag:s30] =	ssyncset.done $0x0  }
.Ltmp1:
0x33: {  	s24 =	simm.s32 $0x10;
	[sflag:s30] =	ssyncadd.s32 $0xFFFFD800;
	(pc) =	sbr.rel @!p1 .LBB2_15-.Ltmp1, $4  }
0x34: {  	[hbm:s28@s26], [sflag:s19] =	dma.strided [spmem:s25@s24], $0x50, s12, $0x10   }
0x35: {  	_ =	swait.ge [sflag:s30], $0x50  }
0x36: {  	[sflag:s30] =	ssyncset.done $0x0  }
0x37: {  	[sflag:s30] =	ssyncadd.s32 $0xFFFFFFB0  }
.LBB2_1:
0x38: {  	s19 =	simm.s32 $0x0;
	s20 =	simm.s32 $0x200  }
.LBB2_2:
0x39: {  	p1 =	sne.s32 s20, $0x9E00;
	[tilespmem:s19+$0x146F0] =	vst v0  }
0x3a: {  	[tilespmem:s19+$0x14680] =	vst v0  }
0x3b: {  	[tilespmem:s19+$0x14690] =	vst v0  }
.Ltmp2:
0x3c: {  	[tilespmem:s19+$0x146A0] =	vst v0;
	(pc) =	sbr.rel @p1 .LBB2_2-.Ltmp2, $4  }
0x3d: {  	[tilespmem:s19+$0x146B0] =	vst v0  }
0x3e: {  	[tilespmem:s19+$0x146C0] =	vst v0  }
0x3f: {  	[tilespmem:s19+$0x146D0] =	vst v0  }
0x40: {  	[tilespmem:s19+$0x146E0] =	vst v0;
	s19 =	sshra.s32 s20, $0x2;
	s20 =	sadd.s32 $0x200, s20  }
0x41: {  	[tilespmem:s19+$0x146F0] =	vst v0  }
0x42: {  	[tilespmem:s19+$0x14680] =	vst v0  }
0x43: {  	[tilespmem:s19+$0x14690] =	vst v0  }
0x44: {  	[tilespmem:s19+$0x146A0] =	vst v0  }
0x45: {  	[tilespmem:s19+$0x146B0] =	vst v0  }
0x46: {  	[tilespmem:s19+$0x146C0] =	vst v0  }
0x47: {  	[tilespmem:s19+$0x146D0] =	vst v0  }
0x48: {  	[tilespmem:s19+$0x146E0] =	vst v0  }
0x49: {  	[tilespmem:$0x19680] =	vst v0  }
0x4a: {  	[tilespmem:$0x19690] =	vst v0  }
0x4b: {  	[tilespmem:$0x196A0] =	vst v0  }
0x4c: {  	[tilespmem:$0x196B0] =	vst v0  }
0x4d: {  	[tilespmem:$0x196C0] =	vst v0  }
0x4e: {  	[spmem:s9] =	stream.linear.scatter [tilespmem:s3], [sflag:$0x6], $0x2800, $0x38;
	[tilespmem:$0x19780] =	vst v63  }
0x4f: {  	_ =	swait.ge [sflag:s30], $0x2800  }
0x50: {  	[sflag:s30] =	ssyncset.done $0x0  }
0x51: {  	[sflag:s30] =	ssyncadd.s32 $0xFFFFD800  }
0x52: {  	[spmem:s21] =	stream.linear.scatter [tilespmem:s31], [sflag:$0x6], $0x50, $0x38;
	[tilespmem:$0x19780] =	vst v63  }
0x53: {  	_ =	swait.ge [sflag:s30], $0x50  }
0x54: {  	[sflag:s30] =	ssyncset.done $0x0  }
0x55: {  	s22 =	rddreg [dreg:$0x4];
	[sflag:s30] =	ssyncadd.s32 $0xFFFFFFB0  }
0x56: {  	[spmem:s22] =	stream.linear.scatter [tilespmem:s3], [sflag:$0x6], $0x2800, $0x38;
	[tilespmem:$0x19780] =	vst v63  }
0x57: {  	_ =	swait.ge [sflag:s30], $0x2800  }
0x58: {  	[sflag:s30] =	ssyncset.done $0x0  }
0x59: {  	s24 =	rddreg [dreg:$0x5];
	[sflag:s30] =	ssyncadd.s32 $0xFFFFD800  }
0x5a: {  	[spmem:s24] =	stream.linear.scatter [tilespmem:s31], [sflag:$0x6], $0x50, $0x38;
	[tilespmem:$0x19780] =	vst v63  }
0x5b: {  	_ =	swait.ge [sflag:s30], $0x50  }
0x5c: {  	[sflag:s30] =	ssyncset.done $0x0  }
0x5d: {  	s25 =	rddreg [dreg:$0x6];
	[sflag:s30] =	ssyncadd.s32 $0xFFFFFFB0  }
0x5e: {  	[spmem:s25] =	stream.linear.scatter [tilespmem:s3], [sflag:$0x6], $0x2800, $0x38;
	[tilespmem:$0x19780] =	vst v63  }
0x5f: {  	_ =	swait.ge [sflag:s30], $0x2800  }
0x60: {  	[sflag:s30] =	ssyncset.done $0x0  }
0x61: {  	s26 =	rddreg [dreg:$0x7];
	[sflag:s30] =	ssyncadd.s32 $0xFFFFD800  }
0x62: {  	[spmem:s26] =	stream.linear.scatter [tilespmem:s31], [sflag:$0x6], $0x50, $0x38;
	[tilespmem:$0x19780] =	vst v63  }
0x63: {  	_ =	swait.ge [sflag:s30], $0x50  }
0x64: {  	[sflag:s30] =	ssyncset.done $0x0  }
0x65: {  	s20 =	rddreg [dreg:$0x8];
	[sflag:s30] =	ssyncadd.s32 $0xFFFFFFB0  }
0x66: {  	[spmem:s20] =	stream.linear.scatter [tilespmem:s3], [sflag:$0x6], $0x2800, $0x38;
	[tilespmem:$0x19780] =	vst v63  }
0x67: {  	_ =	swait.ge [sflag:s30], $0x2800  }
0x68: {  	[sflag:s30] =	ssyncset.done $0x0  }
0x69: {  	s22 =	rddreg [dreg:$0x9];
	[sflag:s30] =	ssyncadd.s32 $0xFFFFD800  }
0x6a: {  	[spmem:s22] =	stream.linear.scatter [tilespmem:s31], [sflag:$0x6], $0x50, $0x38;
	[tilespmem:$0x19780] =	vst v63  }
0x6b: {  	_ =	swait.ge [sflag:s30], $0x50  }
0x6c: {  	[sflag:s30] =	ssyncset.done $0x0  }
0x6d: {  	s24 =	rddreg [dreg:$0xa];
	[sflag:s30] =	ssyncadd.s32 $0xFFFFFFB0  }
0x6e: {  	[spmem:s24] =	stream.linear.scatter [tilespmem:s3], [sflag:$0x6], $0x2800, $0x38;
	[tilespmem:$0x19780] =	vst v63  }
0x6f: {  	_ =	swait.ge [sflag:s30], $0x2800  }
0x70: {  	[sflag:s30] =	ssyncset.done $0x0  }
0x71: {  	s25 =	rddreg [dreg:$0xb];
	[sflag:s30] =	ssyncadd.s32 $0xFFFFD800  }
0x72: {  	[spmem:s25] =	stream.linear.scatter [tilespmem:s31], [sflag:$0x6], $0x50, $0x38;
	[tilespmem:$0x19780] =	vst v63  }
0x73: {  	_ =	swait.ge [sflag:s30], $0x50  }
0x74: {  	[sflag:s30] =	ssyncset.done $0x0  }
0x75: {  	s26 =	rddreg [dreg:$0xc];
	[sflag:s30] =	ssyncadd.s32 $0xFFFFFFB0  }
0x76: {  	[spmem:s26] =	stream.linear.scatter [tilespmem:s3], [sflag:$0x6], $0x2800, $0x38;
	[tilespmem:$0x19780] =	vst v63  }
0x77: {  	_ =	swait.ge [sflag:s30], $0x2800  }
0x78: {  	[sflag:s30] =	ssyncset.done $0x0  }
0x79: {  	s20 =	rddreg [dreg:$0xd];
	[sflag:s30] =	ssyncadd.s32 $0xFFFFD800  }
0x7a: {  	[spmem:s20] =	stream.linear.scatter [tilespmem:s31], [sflag:$0x6], $0x50, $0x38;
	[tilespmem:$0x19780] =	vst v63  }
0x7b: {  	_ =	swait.ge [sflag:s30], $0x50  }
0x7c: {  	[sflag:s30] =	ssyncset.done $0x0  }
0x7d: {  	s22 =	rddreg [dreg:$0xe];
	[sflag:s30] =	ssyncadd.s32 $0xFFFFFFB0  }
0x7e: {  	[spmem:s22] =	stream.linear.scatter [tilespmem:s3], [sflag:$0x6], $0x2800, $0x38;
	[tilespmem:$0x19780] =	vst v63  }
0x7f: {  	_ =	swait.ge [sflag:s30], $0x2800  }
0x80: {  	[sflag:s30] =	ssyncset.done $0x0  }
0x81: {  	s24 =	rddreg [dreg:$0xf];
	[sflag:s30] =	ssyncadd.s32 $0xFFFFD800  }
0x82: {  	[spmem:s24] =	stream.linear.scatter [tilespmem:s31], [sflag:$0x6], $0x50, $0x38;
	[tilespmem:$0x19780] =	vst v63  }
0x83: {  	_ =	swait.ge [sflag:s30], $0x50  }
0x84: {  	[sflag:s30] =	ssyncset.done $0x0  }
0x85: {  	s25 =	rddreg [dreg:$0x10];
	[sflag:s30] =	ssyncadd.s32 $0xFFFFFFB0  }
0x86: {  	[spmem:s25] =	stream.linear.scatter [tilespmem:s3], [sflag:$0x6], $0x2800, $0x38;
	[tilespmem:$0x19780] =	vst v63  }
0x87: {  	_ =	swait.ge [sflag:s30], $0x2800  }
0x88: {  	[sflag:s30] =	ssyncset.done $0x0  }
0x89: {  	s26 =	rddreg [dreg:$0x11];
	[sflag:s30] =	ssyncadd.s32 $0xFFFFD800  }
0x8a: {  	[spmem:s26] =	stream.linear.scatter [tilespmem:s31], [sflag:$0x6], $0x50, $0x38;
	[tilespmem:$0x19780] =	vst v63  }
.Ltmp3:
0x8b: {  	_ =	swait.ge [sflag:s30], $0x50;
	(pc) =	sbr.rel @!p0 .LBB2_4-.Ltmp3, $4  }
0x8c: {  	[sflag:s30] =	ssyncset.done $0x0  }
0x8d: {  	[sflag:s30] =	ssyncadd.s32 $0xFFFFFFB0  }
0x8e: {  	[bflag:$0x0] =	sbarrier.arrive $0xFFFF  }
0x8f: {  	s19 =	simm.s32 $0x0  }
0x90: {  	s20 =	rddreg [dreg:$0x14]  }
0x91: {  	[tilespmem:s10], [sflag:$0x1] =	stream.linear.gather [hbm4b:s20+s19], $0x80, $0x38;
	[tilespmem:$0x19780] =	vst v63  }
0x92: {  	s22 =	rddreg [dreg:$0x15]  }
0x93: {  	[tilespmem:s11], [sflag:$0x1] =	stream.linear.gather [hbm4b:s22+s19], $0x80, $0x38;
	[tilespmem:$0x19780] =	vst v63  }
0x94: {  	_ =	swait.ge [sflag:s12], $0x80  }
0x95: {  	[sflag:s12] =	ssyncset.done $0x0  }
0x96: {  	[sflag:s12] =	ssyncadd.s32 $0xFFFFFF80  }
0x97: {  	_ =	swait.ge [sflag:s12], $0x80  }
0x98: {  	[sflag:s12] =	ssyncset.done $0x0  }
0x99: {  	[sflag:s12] =	ssyncadd.s32 $0xFFFFFF80  }
0x9a: {  	[tilespmem:s3], [sflag:$0x2] =	stream.indirect.gather [hbm4b:s7+s13], $0x80, s10, s13, $0xb8;
	[tilespmem:$0x19780] =	vst v63  }
0x9b: {  	_ = 	snop  }
0x9c: {  	[tilespmem:s31], [sflag:$0x4] =	stream.indirect.gather [hbm4b:s8+s13], $0x1, s11, s13, $0xb8;
	[tilespmem:$0x19780] =	vst v63  }
.Ltmp4:
0x9d: {  	_ = 	snop;
	(pc) =	sbr.rel .LBB2_10-.Ltmp4, $4  }
0x9e: {  	s22 =	simm.s32 $0x14300;
	s24 =	rddreg [dreg:$0x16]  }
0x9f: {  	[tilespmem:s22], [sflag:$0x1] =	stream.linear.gather [hbm4b:s24+s19], $0x80, $0x38;
	[tilespmem:$0x19780] =	vst v63  }
0xa0: {  	s26 =	simm.s32 $0x14500;
	s20 =	simm.s32 $0x5B00;
	s25 =	rddreg [dreg:$0x17]  }
0xa1: {  	[tilespmem:s26], [sflag:$0x1] =	stream.linear.gather [hbm4b:s25+s19], $0x80, $0x38;
	[tilespmem:$0x19780] =	vst v63  }
.LBB2_11:
0xa2: {  	s22 =	sadd.s32 $0x2, s19  }
0xa3: {  	s24 =	sand.u32 $0xFF, s22  }
0xa4: {  	s24 =	smul.u32 $0xAB, s24;
	_ =	sdelay $0x1  }
0xa5: {  	s24 =	sshrl.u32 s24, $0x9  }
0xa6: {  	s24 =	smul.u32 $0x3, s24  }
0xa7: {  	s25 =	sand.u32 $0xFC00, s20  }
0xa8: {  	s26 =	sand.u32 $0x380, s20;
	s25 =	sadd.s32 s0, s25;
	s22 =	ssub.s32 s22, s24  }
0xa9: {  	s26 =	sor.u32 s26, s25;
	s22 =	sand.u32 $0xFF, s22  }
0xaa: {  	s24 =	sshrl.u32 s26, $0x3;
	s22 =	sshll.u32 s22, $0x7  }
0xab: {  	s26 =	sadd.s32 s5, s24;
	s25 =	sadd.s32 $0x14280, s22  }
0xac: {  	[tilespmem:s25], [sflag:$0x1] =	stream.linear.gather [hbm4b:s26+s4], $0x80, $0x38;
	[tilespmem:$0x19780] =	vst v63  }
0xad: {  	s24 =	sadd.s32 s6, s24;
	s22 =	sadd.s32 $0x14480, s22  }
0xae: {  	[tilespmem:s22], [sflag:$0x1] =	stream.linear.gather [hbm4b:s24+s4], $0x80, $0x38;
	[tilespmem:$0x19780] =	vst v63  }
.LBB2_13:
0xaf: {  	s19 =	sadd.s32 $0x1, s19  }
0xb0: {  	s22 =	smul.u32 $0xAB, s19;
	_ =	sdelay $0x1  }
0xb1: {  	s22 =	sshrl.u32 s22, $0x9  }
0xb2: {  	s22 =	sand.u32 $0x7F, s22  }
0xb3: {  	_ =	swait.ge [sflag:s12], $0x80;
	s22 =	smul.u32 $0x3, s22  }
0xb4: {  	[sflag:s12] =	ssyncset.done $0x0;
	s24 =	sand.u32 $0x1, s19  }
0xb5: {  	[sflag:s12] =	ssyncadd.s32 $0xFFFFFF80;
	s25 =	smul.u32 $0xA000, s24;
	s22 =	ssub.s32 s19, s22  }
0xb6: {  	s24 =	sshll.u32 s24, $0x7;
	_ =	swait.ge [sflag:s12], $0x80;
	s22 =	sand.u32 $0xFF, s22  }
0xb7: {  	[sflag:s12] =	ssyncset.done $0x0;
	s25 =	sshrl.u32 s25, $0x2;
	s22 =	sshll.u32 s22, $0x7  }
0xb8: {  	[sflag:s12] =	ssyncadd.s32 $0xFFFFFF80;
	s25 =	sor.u32 $0x14680, s25;
	s26 =	sadd.s32 $0x14280, s22  }
0xb9: {  	[tilespmem:s25], [sflag:$0x2] =	stream.indirect.gather [hbm4b:s7+s13], $0x80, s26, s13, $0xb8;
	[tilespmem:$0x19780] =	vst v63  }
0xba: {  	s20 =	sadd.s32 $0x80, s20;
	s24 =	sadd.s32 $0x19680, s24;
	s22 =	sadd.s32 $0x14480, s22  }
0xbb: {  	[tilespmem:s24], [sflag:$0x4] =	stream.indirect.gather [hbm4b:s8+s13], $0x1, s22, s13, $0xb8;
	[tilespmem:$0x19780] =	vst v63  }
.LBB2_10:
0xbc: {  	s22 =	smul.u32 $0xAB, s19;
	_ =	sdelay $0x1  }
0xbd: {  	s22 =	sshrl.u32 s22, $0x9  }
0xbe: {  	s22 =	sand.u32 $0x7F, s22  }
0xbf: {  	s22 =	smul.u32 $0x3, s22  }
0xc0: {  	s24 =	sand.u32 $0x1, s19  }
0xc1: {  	s25 =	smul.u32 $0xA000, s24;
	s22 =	ssub.s32 s19, s22  }
0xc2: {  	_ =	swait.ge [sflag:s14], $0x2800;
	s22 =	sand.u32 $0xFF, s22  }
0xc3: {  	[sflag:s14] =	ssyncset.done $0x0;
	s25 =	sshrl.u32 s25, $0x2;
	s22 =	sshll.u32 s22, $0x7  }
0xc4: {  	[sflag:s14] =	ssyncadd.s32 $0xFFFFD800;
	s25 =	sor.u32 $0x14680, s25;
	s26 =	sadd.s32 $0x14480, s22  }
0xc5: {  	[spmem:s1] =	stream.indirect.scatter.add.f32 [tilespmem:s25], [sflag:$0x3], $0x80, s26, s13, $0xb8;
	[tilespmem:$0x19780] =	vst v63  }
0xc6: {  	_ =	swait.ge [sflag:s15], $0x50  }
0xc7: {  	p1 =	seq.s32 s19, $0x0;
	s24 =	sshll.u32 s24, $0x7;
	[sflag:s15] =	ssyncset.done $0x0  }
0xc8: {  	s24 =	sadd.s32 $0x19680, s24;
	s22 =	sadd.s32 $0x14280, s22;
	[sflag:s15] =	ssyncadd.s32 $0xFFFFFFB0  }
0xc9: {  	[spmem:s2] =	stream.indirect.scatter.add.f32 [tilespmem:s24], [sflag:$0x5], $0x1, s22, s13, $0xb8;
	[tilespmem:$0x19780] =	vst v63  }
0xca: {  	p2 =	sgt.u32 @!p1 s19, $0x49;
	s22 =	simm.s32 @!p1 $0x3  }
0xcb: {  	p2 =	por p1, !p2;
	_ =	swait.ge @!p1 [sflag:s22], $0x2800  }
.Ltmp5:
0xcc: {  	[sflag:s22] =	ssyncset.done @!p1 $0x0;
	(pc) =	sbr.rel @p2 .LBB2_11-.Ltmp5, $4  }
0xcd: {  	[sflag:s22] =	ssyncadd.s32 @!p1 $0xFFFFD800;
	s22 =	simm.s32 @!p1 $0x5  }
0xce: {  	_ =	swait.ge @!p1 [sflag:s22], $0x50  }
0xcf: {  	[sflag:s22] =	ssyncset.done @!p1 $0x0  }
0xd0: {  	[sflag:s22] =	ssyncadd.s32 @!p1 $0xFFFFFFB0  }
0xd1: {  	p1 =	seq.s32 s19, $0x4B  }
.Ltmp6:
0xd2: {  	_ = 	snop;
	(pc) =	sbr.rel @!p1 .LBB2_13-.Ltmp6, $4  }
.Ltmp7:
0xd3: {  	_ = 	snop;
	(pc) =	sbr.rel @p1 .LBB2_14-.Ltmp7, $4  }
0xd4: {  	_ = 	snop  }
0xd5: {  	_ = 	snop  }
0xd6: {  	_ = 	snop  }
0xd7: {  	_ = 	snop  }
.LBB2_4:
0xd8: {  	s20 =	rddreg [dreg:$0x19]  }
0xd9: {  	[tilespmem:s10], [sflag:$0x1] =	stream.linear.gather [hbm4b:s20+s19], $0x80, $0x38;
	[tilespmem:$0x19780] =	vst v63  }
0xda: {  	s22 =	rddreg [dreg:$0x1a]  }
0xdb: {  	[tilespmem:s11], [sflag:$0x1] =	stream.linear.gather [hbm4b:s22+s19], $0x80, $0x38;
	[tilespmem:$0x19780] =	vst v63  }
0xdc: {  	_ =	swait.ge [sflag:s12], $0x80  }
0xdd: {  	[sflag:s12] =	ssyncset.done $0x0  }
0xde: {  	[sflag:s12] =	ssyncadd.s32 $0xFFFFFF80  }
0xdf: {  	_ =	swait.ge [sflag:s12], $0x80  }
0xe0: {  	[sflag:s12] =	ssyncset.done $0x0  }
0xe1: {  	[sflag:s12] =	ssyncadd.s32 $0xFFFFFF80  }
0xe2: {  	[tilespmem:s3], [sflag:$0x2] =	stream.indirect.gather [hbm4b:s7+s13], $0x80, s10, s13, $0xb8;
	[tilespmem:$0x19780] =	vst v63  }
0xe3: {  	_ = 	snop  }
0xe4: {  	[tilespmem:s31], [sflag:$0x4] =	stream.indirect.gather [hbm4b:s8+s13], $0x1, s11, s13, $0xb8;
	[tilespmem:$0x19780] =	vst v63  }
.Ltmp8:
0xe5: {  	_ = 	snop;
	(pc) =	sbr.rel .LBB2_5-.Ltmp8, $4  }
0xe6: {  	s22 =	simm.s32 $0x14300;
	s24 =	rddreg [dreg:$0x12]  }
0xe7: {  	[tilespmem:s22], [sflag:$0x1] =	stream.linear.gather [hbm4b:s24+s19], $0x80, $0x38;
	[tilespmem:$0x19780] =	vst v63  }
0xe8: {  	s26 =	simm.s32 $0x14500;
	s20 =	simm.s32 $0x20;
	s25 =	rddreg [dreg:$0x13]  }
0xe9: {  	[tilespmem:s26], [sflag:$0x1] =	stream.linear.gather [hbm4b:s25+s19], $0x80, $0x38;
	[tilespmem:$0x19780] =	vst v63  }
.LBB2_6:
0xea: {  	s22 =	sadd.s32 $0x2, s19  }
0xeb: {  	s24 =	smul.u32 $0xAB, s22;
	_ =	sdelay $0x1  }
0xec: {  	s24 =	sshrl.u32 s24, $0x9  }
0xed: {  	s24 =	sand.u32 $0x7F, s24  }
0xee: {  	s24 =	smul.u32 $0x3, s24;
	_ =	sdelay $0x1  }
0xef: {  	s25 =	sand.u32 $0x1F80, s20;
	s22 =	ssub.s32 s22, s24  }
0xf0: {  	s26 =	sand.u32 $0x70, s20;
	s25 =	sadd.s32 s23, s25;
	s22 =	sand.u32 $0xFF, s22  }
0xf1: {  	s24 =	sor.u32 s26, s25;
	s22 =	sshll.u32 s22, $0x7  }
0xf2: {  	s26 =	sadd.s32 s5, s24;
	s25 =	sadd.s32 $0x14280, s22  }
0xf3: {  	[tilespmem:s25], [sflag:$0x1] =	stream.linear.gather [hbm4b:s26+s4], $0x80, $0x38;
	[tilespmem:$0x19780] =	vst v63  }
0xf4: {  	s24 =	sadd.s32 s6, s24;
	s22 =	sadd.s32 $0x14480, s22  }
0xf5: {  	[tilespmem:s22], [sflag:$0x1] =	stream.linear.gather [hbm4b:s24+s4], $0x80, $0x38;
	[tilespmem:$0x19780] =	vst v63  }
.LBB2_8:
0xf6: {  	s19 =	sadd.s32 $0x1, s19  }
0xf7: {  	s22 =	smul.u32 $0xAB, s19;
	_ =	sdelay $0x1  }
0xf8: {  	s22 =	sshrl.u32 s22, $0x9  }
0xf9: {  	s22 =	sand.u32 $0x7F, s22  }
0xfa: {  	_ =	swait.ge [sflag:s12], $0x80;
	s22 =	smul.u32 $0x3, s22  }
0xfb: {  	[sflag:s12] =	ssyncset.done $0x0;
	s24 =	sand.u32 $0x1, s19  }
0xfc: {  	[sflag:s12] =	ssyncadd.s32 $0xFFFFFF80;
	s25 =	smul.u32 $0xA000, s24;
	s22 =	ssub.s32 s19, s22  }
0xfd: {  	s24 =	sshll.u32 s24, $0x7;
	_ =	swait.ge [sflag:s12], $0x80;
	s22 =	sand.u32 $0xFF, s22  }
0xfe: {  	[sflag:s12] =	ssyncset.done $0x0;
	s25 =	sshrl.u32 s25, $0x2;
	s22 =	sshll.u32 s22, $0x7  }
0xff: {  	[sflag:s12] =	ssyncadd.s32 $0xFFFFFF80;
	s25 =	sor.u32 $0x14680, s25;
	s26 =	sadd.s32 $0x14280, s22  }
0x100: {  	[tilespmem:s25], [sflag:$0x2] =	stream.indirect.gather [hbm4b:s7+s13], $0x80, s26, s13, $0xb8;
	[tilespmem:$0x19780] =	vst v63  }
0x101: {  	s20 =	sadd.s32 $0x10, s20;
	s24 =	sadd.s32 $0x19680, s24;
	s22 =	sadd.s32 $0x14480, s22  }
0x102: {  	[tilespmem:s24], [sflag:$0x4] =	stream.indirect.gather [hbm4b:s8+s13], $0x1, s22, s13, $0xb8;
	[tilespmem:$0x19780] =	vst v63  }
.LBB2_5:
0x103: {  	s22 =	smul.u32 $0xAB, s19;
	_ =	sdelay $0x1  }
0x104: {  	s22 =	sshrl.u32 s22, $0x9  }
0x105: {  	s22 =	sand.u32 $0x7F, s22  }
0x106: {  	s22 =	smul.u32 $0x3, s22  }
0x107: {  	s24 =	sand.u32 $0x1, s19  }
0x108: {  	s25 =	smul.u32 $0xA000, s24;
	s22 =	ssub.s32 s19, s22  }
0x109: {  	_ =	swait.ge [sflag:s14], $0x2800;
	s22 =	sand.u32 $0xFF, s22  }
0x10a: {  	[sflag:s14] =	ssyncset.done $0x0;
	s25 =	sshrl.u32 s25, $0x2;
	s22 =	sshll.u32 s22, $0x7  }
0x10b: {  	[sflag:s14] =	ssyncadd.s32 $0xFFFFD800;
	s25 =	sor.u32 $0x14680, s25;
	s26 =	sadd.s32 $0x14480, s22  }
0x10c: {  	[spmem:s1] =	stream.indirect.scatter.add.f32 [tilespmem:s25], [sflag:$0x3], $0x80, s26, s13, $0xb8;
	[tilespmem:$0x19780] =	vst v63  }
0x10d: {  	_ =	swait.ge [sflag:s15], $0x50  }
0x10e: {  	p1 =	seq.s32 s19, $0x0;
	s24 =	sshll.u32 s24, $0x7;
	[sflag:s15] =	ssyncset.done $0x0  }
0x10f: {  	s24 =	sadd.s32 $0x19680, s24;
	s22 =	sadd.s32 $0x14280, s22;
	[sflag:s15] =	ssyncadd.s32 $0xFFFFFFB0  }
0x110: {  	[spmem:s2] =	stream.indirect.scatter.add.f32 [tilespmem:s24], [sflag:$0x5], $0x1, s22, s13, $0xb8;
	[tilespmem:$0x19780] =	vst v63  }
0x111: {  	p2 =	sgt.u32 @!p1 s19, $0xB1;
	s22 =	simm.s32 @!p1 $0x3  }
0x112: {  	p2 =	por p1, !p2;
	_ =	swait.ge @!p1 [sflag:s22], $0x2800  }
.Ltmp9:
0x113: {  	[sflag:s22] =	ssyncset.done @!p1 $0x0;
	(pc) =	sbr.rel @p2 .LBB2_6-.Ltmp9, $4  }
0x114: {  	[sflag:s22] =	ssyncadd.s32 @!p1 $0xFFFFD800;
	s22 =	simm.s32 @!p1 $0x5  }
0x115: {  	_ =	swait.ge @!p1 [sflag:s22], $0x50  }
0x116: {  	[sflag:s22] =	ssyncset.done @!p1 $0x0  }
0x117: {  	[sflag:s22] =	ssyncadd.s32 @!p1 $0xFFFFFFB0  }
0x118: {  	p1 =	seq.s32 s19, $0xB3  }
.Ltmp10:
0x119: {  	_ = 	snop;
	(pc) =	sbr.rel @!p1 .LBB2_8-.Ltmp10, $4  }
.Ltmp11:
0x11a: {  	_ = 	snop;
	(pc) =	sbr.rel @p1 .LBB2_14-.Ltmp11, $4  }
0x11b: {  	_ = 	snop  }
0x11c: {  	_ = 	snop  }
0x11d: {  	_ = 	snop  }
0x11e: {  	_ = 	snop  }
.LBB2_15:
0x11f: {  	_ =	sfence.sel $0x180000  }
0x120: {  	[bflag:$0x0] =	sbarrier.arrive $0xFFFF  }
0x121: {  	_ =	strace $0x9000004A  }
0x122: {  	s0 =	stileid.u32;
	[bflag:$0x2] =	sbarrier.arrive $0xFFFF  }
0x123: {  	p0 =	sne.s32 s0, $0x0;
	s0 =	rddreg [dreg:$0x3]  }
0x124: {  	s0 =	sadd.s32 @!p0 $0x100000, s0  }
0x125: {  	[sflag:s0] =	ssyncadd.tile.s32 @!p0 $0x1;
	_ =	shalt  }
.Lfunc_end2:
_tile_overlayer_lowered:
.L_overlay_start_2:
0x126: {  	(tag) =	ssettag $0x2  }
0x127: {  	s0 =	rddreg [dreg:$0x0];
	s2 =	stileid.u32  }
0x128: {  	s1 =	rddreg [dreg:$0x1];
	p0 =	sne.s32 s2, $0x0  }
0x129: {  	s3 =	rddreg [dreg:$0x2];
	[bflag:$0x3] =	sbarrier.arrive $0xFFFF;
	s2 =	simm.s32 @!p0 $0x1C06  }
0x12a: {  	[timem:s3], [sflag:s2] =	dma.local @!p0 [hbm:s0], s1  }
0x12b: {  	s0 =	simm.s32 @!p0 $0x6  }
0x12c: {  	_ =	swait.ge @!p0 [sflag:s0], s1  }
0x12d: {  	s1 =	ssub.s32 @!p0 $0x0, s1;
	[sflag:s0] =	ssyncset.done @!p0 $0x0  }
0x12e: {  	[sflag:s0] =	ssyncadd.s32 @!p0 s1  }
0x12f: {  	[bflag:$0x3] =	sbarrier.arrive $0xFFFF  }
0x130: {  	_ =	shalt  }

// kernel: kernel.7.cloned.1.call-start
scs
__scs_entry_jumppad:
0x0: {  	(pc) =	sbr.rel $0x88, $3  }
0x1: {  	(tag) =	ssettag $0x0;
	lr =	simm.s32 $0x1  }
0x2: {  	[smem:$0x3F99] =	sst lr;
	_ =	strace $0xD0000000  }
0x3: {  	_ = 	snop  }
0x4: {  	_ = 	snop  }
0x5: {  	_ = 	snop  }
0x6: {  	_ = 	snop  }
0x7: {  	_ = 	snop  }
__scs_overlays_trampoline_lowered:
0x8: {  	[smem:$0x3FA8] =	sst s0  }
0x9: {  	[smem:$0x3FA9] =	sst s1  }
0xa: {  	[smem:$0x3FAA] =	sst s2  }
0xb: {  	[smem:$0x3FAB] =	sst s3  }
0xc: {  	[smem:$0x3FAC] =	sst s4  }
0xd: {  	[smem:$0x3FAD] =	sst s5  }
0xe: {  	[smem:$0x3FAE] =	sst s6  }
0xf: {  	[smem:$0x3FAF] =	sst s7  }
0x10: {  	[smem:$0x3FB0] =	sst s8  }
0x11: {  	[smem:$0x3FB1] =	sst s9;
	s0 =	simm.s32 @!p0 $0x0  }
0x12: {  	s1 =	sld [smem:$0x3F97];
	s0 =	simm.s32 @p0 $0x1  }
0x13: {  	[smem:$0x3FB2] =	sst s0;
	s0 =	simm.s32 @!p1 $0x0  }
0x14: {  	s2 =	sld [smem:$0x3F96];
	s0 =	simm.s32 @p1 $0x1  }
0x15: {  	[smem:$0x3FB3] =	sst s0;
	s0 =	simm.s32 @!p2 $0x0  }
0x16: {  	s3 =	sld [smem:$0x3FDB];
	s0 =	simm.s32 @p2 $0x1  }
0x17: {  	s4 =	simm.s32 $0x1BF5;
	[smem:$0x3FB5] =	sst s0  }
0x18: {  	s0 =	sld [smem:$0x3F98];
	_ =	swait.ge [sflag:s4], $0x0  }
0x19: {  	s7 =	sld [smem:$0x3F99]  }
0x1a: {  	s8 =	sadd.s32 $0xFFFFE003, lr  }
0x1b: {  	s9 =	sadd.s32 $0xFFFFFEF7, lr;
	s5 =	simm.s32 $0xFFFFFFFF;
	p2 =	slt.u32 s8, $0xFFFFF086  }
0x1c: {  	p1 =	slt.u32 s9, $0xF7A;
	s5 =	simm.s32 @!p2 $0x0  }
0x1d: {  	s5 =	simm.s32 @p1 $0x1;
	p0 =	seq.s32 s7, s2  }
0x1e: {  	s7 =	smul.u32 @!p0 $0xF7A, s2;
	p2 =	seq.s32 @!p0 s5, $0x0  }
0x1f: {  	s9 =	smul.u32 $0xF7A, s1;
	s8 =	simm.s32 @!p0 $0x1BF5;
	p2 =	por !p2, p0  }
0x20: {  	[sflag:s8] =	ssyncset.s32 @!p0 $0xFFFFF086;
	s6 =	sadd.s32 @!p0 s3, s7;
	s7 =	simm.s32 @!p0 $0x108  }
0x21: {  	s3 =	sadd.s32 s3, s9;
	s6 =	sadd.s32 @!p0 $0x88, s6;
	s7 =	simm.s32 @p2 $0x1082  }
0x22: {  	[simem:s7], [sflag:s8] =	dma.local @!p0 [hbm:s6], $0xF7A  }
0x23: {  	s9 =	sor.u32 $0xD0000000, s2;
	s6 =	simm.s32 $0x108;
	_ =	swait.ge @!p0 [sflag:s8], $0x0  }
0x24: {  	s3 =	sadd.s32 $0x88, s3;
	s6 =	simm.s32 @!p1 $0x1082;
	[sflag:s4] =	ssyncset.s32 $0xFFFFF086  }
0x25: {  	[simem:s6], [sflag:s4] =	dma.local [hbm:s3], $0xF7A  }
0x26: {  	[smem:$0x3F99] =	sst s1;
	(tag) =	ssettag s2;
	_ =	strace s9  }
0x27: {  	s1 =	sld [smem:$0x3FA9]  }
0x28: {  	s2 =	sld [smem:$0x3FAA]  }
0x29: {  	s4 =	sld [smem:$0x3FAC]  }
0x2a: {  	p0 =	seq.s32 s5, $0x0;
	s5 =	sld [smem:$0x3FAD]  }
0x2b: {  	s6 =	sld [smem:$0x3FAE]  }
0x2c: {  	s7 =	sld [smem:$0x3FAF]  }
0x2d: {  	s3 =	simm.s32 $0x108;
	s8 =	sld [smem:$0x3FB0]  }
0x2e: {  	s3 =	simm.s32 @!p0 $0x1082;
	s9 =	sld [smem:$0x3FB1]  }
0x2f: {  	lr =	sadd.s32 s0, s3;
	s0 =	sld [smem:$0x3FA8]  }
0x30: {  	s3 =	sld [smem:$0x3FAB]  }
0x31: {  	[smem:$0x3FB4] =	sst s10  }
0x32: {  	s10 =	sld [smem:$0x3FB2];
	_ =	sdelay $0x3  }
0x33: {  	p0 =	seq.s32 s10, $0x1;
	s10 =	sld [smem:$0x3FB4];
	_ =	sdelay $0x3  }
0x34: {  	[smem:$0x3FB4] =	sst s10  }
0x35: {  	s10 =	sld [smem:$0x3FB3];
	_ =	sdelay $0x3  }
0x36: {  	p1 =	seq.s32 s10, $0x1;
	s10 =	sld [smem:$0x3FB4];
	_ =	sdelay $0x3  }
0x37: {  	[smem:$0x3FB4] =	sst s10  }
0x38: {  	s10 =	sld [smem:$0x3FB5]  }
0x39: {  	_ = 	snop;
	(pc) =	sbr.ind lr, $3  }
0x3a: {  	_ = 	snop  }
0x3b: {  	_ = 	snop  }
0x3c: {  	p2 =	seq.s32 s10, $0x1;
	s10 =	sld [smem:$0x3FB4]  }
0x3d: {  	_ =	shalt  }
0x3e: {  	_ =	shalt  }
0x3f: {  	_ =	shalt  }
0x40: {  	_ =	shalt  }
0x41: {  	_ =	shalt  }
0x42: {  	_ =	shalt  }
0x43: {  	_ =	shalt  }
0x44: {  	_ =	shalt  }
0x45: {  	_ =	shalt  }
0x46: {  	_ =	shalt  }
0x47: {  	_ =	shalt  }
0x48: {  	_ =	shalt  }
0x49: {  	_ =	shalt  }
0x4a: {  	_ =	shalt  }
0x4b: {  	_ =	shalt  }
0x4c: {  	_ =	shalt  }
0x4d: {  	_ =	shalt  }
0x4e: {  	_ =	shalt  }
0x4f: {  	_ =	shalt  }
0x50: {  	_ =	shalt  }
0x51: {  	_ =	shalt  }
0x52: {  	_ =	shalt  }
0x53: {  	_ =	shalt  }
0x54: {  	_ =	shalt  }
0x55: {  	_ =	shalt  }
0x56: {  	_ =	shalt  }
0x57: {  	_ =	shalt  }
0x58: {  	_ =	shalt  }
0x59: {  	_ =	shalt  }
0x5a: {  	_ =	shalt  }
0x5b: {  	_ =	shalt  }
0x5c: {  	_ =	shalt  }
0x5d: {  	_ =	shalt  }
0x5e: {  	_ =	shalt  }
0x5f: {  	_ =	shalt  }
0x60: {  	_ =	shalt  }
0x61: {  	_ =	shalt  }
0x62: {  	_ =	shalt  }
0x63: {  	_ =	shalt  }
0x64: {  	_ =	shalt  }
0x65: {  	_ =	shalt  }
0x66: {  	_ =	shalt  }
0x67: {  	_ =	shalt  }
0x68: {  	_ =	shalt  }
0x69: {  	_ =	shalt  }
0x6a: {  	_ =	shalt  }
0x6b: {  	_ =	shalt  }
0x6c: {  	_ =	shalt  }
0x6d: {  	_ =	shalt  }
0x6e: {  	_ =	shalt  }
0x6f: {  	_ =	shalt  }
0x70: {  	_ =	shalt  }
0x71: {  	_ =	shalt  }
0x72: {  	_ =	shalt  }
0x73: {  	_ =	shalt  }
0x74: {  	_ =	shalt  }
0x75: {  	_ =	shalt  }
0x76: {  	_ =	shalt  }
0x77: {  	_ =	shalt  }
0x78: {  	_ =	shalt  }
0x79: {  	_ =	shalt  }
0x7a: {  	_ =	shalt  }
0x7b: {  	_ =	shalt  }
0x7c: {  	_ =	shalt  }
0x7d: {  	_ =	shalt  }
0x7e: {  	_ =	shalt  }
0x7f: {  	_ =	shalt  }
0x80: {  	_ =	shalt  }
0x81: {  	_ =	shalt  }
0x82: {  	_ =	shalt  }
0x83: {  	_ =	shalt  }
0x84: {  	_ =	shalt  }
0x85: {  	_ =	shalt  }
0x86: {  	_ =	shalt  }
0x87: {  	_ =	shalt  }
.Lfunc_end0:
.L_simem_size_0:
called_computation_lowered:
.L_overlay_start_0:
0x88: {  	s2 =	sld [smem:$0x3FD9]  }
0x89: {  	s3 =	sld [smem:$0x3FFE];
	_ =	sdelay $0x1  }
0x8a: {  	s1 =	srdreg.scid  }
0x8b: {  	s0 =	sand.u32 $0x1, s1  }
0x8c: {  	s16 =	sshll.u32 s0, $0xA;
	s2 =	sadd.s32 s3, s2  }
0x8d: {  	s2 =	sadd.s32 s2, s16  }
0x8e: {  	[smem:$0x3FC0] =	sst s2  }
0x8f: {  	_ = 	snop  }
0x90: {  	(tm) =	ssettm $0x1  }
0x91: {  	s17 =	sld [smem:$0x3FFB];
	_ =	sdelay $0x3  }
0x92: {  	_ =	strace s17  }
0x93: {  	s2 =	sld [smem:$0x3FFC];
	_ =	sdelay $0x3  }
0x94: {  	_ =	strace s2  }
0x95: {  	s2 =	sld [smem:$0x3FFD];
	_ =	sdelay $0x3  }
0x96: {  	_ =	strace s2  }
0x97: {  	_ =	strace $0x8FFFFFFF  }
0x98: {  	s18 =	sld [smem:$0x3FDB];
	_ =	sdelay $0x1  }
0x99: {  	s19 =	simm.s32 $_scs_section_size  }
0x9a: {  	s4 =	simm.s32 $_size__tile_overlayer_lowered;
	s5 =	simm.s32 $_tile_overlayer_lowered  }
0x9b: {  	s22 =	simm.s32 $0x1BFF;
	s21 =	sshll.u32 s5, $0x1;
	s2 =	sadd.s32 s19, s18  }
0x9c: {  	s6 =	simm.s32 $0x0;
	s20 =	sshll.u32 s4, $0x1;
	s4 =	sadd.s32 s21, s2  }
0x9d: {  	[timem:s6], [sflag:s22] =	dma.local [hbm:s4], s20  }
0x9e: {  	_ =	swait.ge [sflag:s22], s20  }
0x9f: {  	s3 =	ssub.s32 $0x0, s20;
	[sflag:s22] =	ssyncset.done $0x0  }
0xa0: {  	[sflag:s22] =	ssyncadd.s32 s3;
	_ =	sdelay $0x1  }
0xa1: {  	s23 =	simm.s32 $0x1B8B  }
0xa2: {  	_ =	swait.ge [sflag:s23], $0x1  }
0xa3: {  	[sflag:s23] =	ssyncset.done $0x0  }
0xa4: {  	s25 =	simm.s32 $0x1B8E;
	s24 =	sld [smem:$0x3FFE];
	[sflag:s23] =	ssyncadd.s32 $0xFFFFFFFF  }
0xa5: {  	s26 =	simm.s32 $execute0_lowered;
	[smem:$0x3FD2] =	sst s25  }
0xa6: {  	s4 =	sshll.u32 s26, $0x1;
	_ =	strace $0x80000046;
	[dreg:$0x1] =	wrdreg $0xFFFFFFFF  }
0xa7: {  	s28 =	simm.s32 $_size_execute0_lowered;
	s2 =	sadd.s32 s2, s4;
	[dreg:$0x0] =	wrdreg $0x0  }
0xa8: {  	s4 =	sshll.u32 s28, $0x1;
	[dreg:$0x2] =	wrdreg s2  }
0xa9: {  	[dreg:$0x3] =	wrdreg s4  }
0xaa: {  	[dreg:$0x4] =	wrdreg $0xC0  }
0xab: {  	_ =	task [dreg:s6], $0x5FFFF  }
0xac: {  	[dreg:$0x1] =	wrdreg $0xFFFFFFFF  }
0xad: {  	[dreg:$0x0] =	wrdreg $0x60  }
0xae: {  	[dreg:$0x2] =	wrdreg s24  }
0xaf: {  	[dreg:$0x3] =	wrdreg $0x0  }
0xb0: {  	[dreg:$0x4] =	wrdreg $0x9  }
0xb1: {  	_ =	task.clear_ibuf [dreg:s6], $0x5FFFF;
	_ =	strace $0x90000046  }
0xb2: {  	s29 =	simm.s32 $0x9;
	_ =	strace $0x80000048  }
0xb3: {  	_ =	swait.ge [sflag:s29], $0x1  }
0xb4: {  	[sflag:s29] =	ssyncadd.s32 $0xFFFFFFFF  }
0xb5: {  	_ =	strace $0x90000048  }
0xb6: {  	_ =	sfence  }
0xb7: {  	s30 =	sld [smem:$0x0];
	_ =	sdelay $0x2  }
0xb8: {  	s31 =	sshll.u32 s1, $0xD;
	s1 =	sshrl.u32 s1, $0x2  }
0xb9: {  	s3 =	sand.u32 $0x4000, s31;
	s1 =	sadd.s32 s1, s30  }
0xba: {  	s0 =	sor.u32 s3, s0;
	s1 =	sshll.u32 s1, $0x11  }
0xbb: {  	s0 =	sor.u32 s1, s0  }
0xbc: {  	s0 =	sadd.s32 $0x8F2B, s0  }
0xbd: {  	[sflag:s0] =	ssyncadd.remote.s32 $0x1  }
0xbe: {  	_ =	sfence.sel $0xFFFF  }
0xbf: {  	[dreg:$0x0] =	wrdreg $0xFFFFFFFF;
	(pc) =	sbr.abs _section_cstart, $3  }
0xc0: {  	[dreg:$0x1] =	wrdreg $0xFFFFFFFF  }
0xc1: {  	_ =	task.clear_ibuf [dreg:s6], $0x2FFFF;
	_ =	strace $0x9FFFFFFF  }
0xc2: {  	(tm) =	ssettm $0x7FFFFFFF  }
0xc3: {  	_ =	shalt  }
tec
execute0_lowered:
.L_overlay_start_1:
0x0: {  	(tag) =	ssettag $0x1  }
0x1: {  	s5 =	rddreg [dreg:$0x0]  }
0x2: {  	s2 =	rddreg [dreg:$0x1]  }
0x3: {  	s0 =	rddreg [dreg:$0x2]  }
0x4: {  	s3 =	simm.s32 $0x0;
	s1 =	stileid.u32;
	s4 =	srdreg.scid  }
0x5: {  	s16 =	simm.s32 $0x5A80;
	s17 =	simm.s32 $0x2;
	s18 =	simm.s32 $0x280  }
0x6: {  	s19 =	simm.s32 $0x1;
	s22 =	simm.s32 $0x20;
	s23 =	simm.s32 $0x10  }
0x7: {  	s24 =	simm.s32 $0x50;
	[smem:$0x7FF] =	sst s3;
	s6 =	smul.u32 $0x500, s1  }
0x8: {  	s7 =	sshll.u32 s1, $0xC;
	s12 =	sand.u32 $0x1, s4;
	s29 =	smul.u32 $0xA00, s1  }
0x9: {  	s20 =	sshll.u32 s1, $0x6;
	_ =	strace $0x80000047;
	s13 =	sadd.s32 s7, s5  }
0xa: {  	s30 =	sshll.u32 s12, $0x7;
	s31 =	ssub.s32 $0x2, s12;
	p0 =	seq.s32 s12, $0x1  }
0xb: {  	s20 =	sor.u32 $0x1C02, s20;
	s6 =	sor.u32 s30, s6;
	s4 =	sshrl.u32 s29, $0x2  }
0xc: {  	s8 =	sshrl.u32 s31, $0x1;
	s12 =	sadd.s32 $0x2200, s13;
	s13 =	sadd.s32 $0x2D00, s13  }
.Ltmp0:
0xd: {  	s6 =	sshrl.u32 s6, $0x3;
	s4 =	sadd.s32 s4, s2;
	(pc) =	sbr.rel .LBB2_1-.Ltmp0, $4  }
0xe: {  	s15 =	ssub.s32 s31, s8;
	s14 =	sadd.s32 s6, s5;
	s5 =	sadd.s32 $0x50, s4  }
0xf: {  	s6 =	sadd.s32 $0xA0, s4;
	s7 =	sadd.s32 $0xF0, s4;
	s8 =	sadd.s32 $0x140, s4  }
0x10: {  	s9 =	sadd.s32 $0x190, s4;
	s10 =	sadd.s32 $0x1E0, s4;
	s11 =	sadd.s32 $0x230, s4  }
0x11: {  	v0 =	vimm.f32 $0.0e+00;
	v1 =	vimm.f32 $1.000000000e+00;
	s15 =	smax.u32 s15, $0x1;
	s21 =	sshrl.u32 s4, $0x3;
	s14 =	sadd.s32 $0x12200, s14  }
.LBB2_11:
0x12: {  	[sflag:s19] =	ssyncadd.s32 $0xFFFFFFB0  }
.LBB2_12:
0x13: {  	s3 =	sadd.s32 $0x1, s3  }
0x14: {  	p1 =	sne.s32 s3, s15  }
.Ltmp1:
0x15: {  	[bflag:$0x0] =	sbarrier.arrive $0xFFFF;
	(pc) =	sbr.rel @!p1 .LBB2_13-.Ltmp1, $4  }
0x16: {  	[hbm:s14@s22], [sflag:s20] =	dma.strided [spmem:s21@s23], $0x50, s19, $0x10   }
0x17: {  	_ =	swait.ge [sflag:s17], $0x50  }
0x18: {  	[sflag:s17] =	ssyncset.done $0x0  }
0x19: {  	[sflag:s17] =	ssyncadd.s32 $0xFFFFFFB0  }
.LBB2_1:
0x1a: {  	[tilespmem:$0x5A80] =	vst v0  }
0x1b: {  	[tilespmem:$0x5A90] =	vst v0  }
0x1c: {  	[tilespmem:$0x5AA0] =	vst v0  }
0x1d: {  	[tilespmem:$0x5AB0] =	vst v0  }
0x1e: {  	[tilespmem:$0x5AC0] =	vst v0  }
0x1f: {  	[spmem:s4] =	stream.linear.scatter [tilespmem:s16], [sflag:$0x2], $0x50, $0x38;
	[tilespmem:$0x5B00] =	vst v63  }
0x20: {  	_ =	swait.ge [sflag:s17], $0x50  }
0x21: {  	[sflag:s17] =	ssyncset.done $0x0  }
0x22: {  	[sflag:s17] =	ssyncadd.s32 $0xFFFFFFB0  }
0x23: {  	[spmem:s5] =	stream.linear.scatter [tilespmem:s16], [sflag:$0x2], $0x50, $0x38;
	[tilespmem:$0x5B00] =	vst v63  }
0x24: {  	_ =	swait.ge [sflag:s17], $0x50  }
0x25: {  	[sflag:s17] =	ssyncset.done $0x0  }
0x26: {  	[sflag:s17] =	ssyncadd.s32 $0xFFFFFFB0  }
0x27: {  	[spmem:s6] =	stream.linear.scatter [tilespmem:s16], [sflag:$0x2], $0x50, $0x38;
	[tilespmem:$0x5B00] =	vst v63  }
0x28: {  	_ =	swait.ge [sflag:s17], $0x50  }
0x29: {  	[sflag:s17] =	ssyncset.done $0x0  }
0x2a: {  	[sflag:s17] =	ssyncadd.s32 $0xFFFFFFB0  }
0x2b: {  	[spmem:s7] =	stream.linear.scatter [tilespmem:s16], [sflag:$0x2], $0x50, $0x38;
	[tilespmem:$0x5B00] =	vst v63  }
0x2c: {  	_ =	swait.ge [sflag:s17], $0x50  }
0x2d: {  	[sflag:s17] =	ssyncset.done $0x0  }
0x2e: {  	[sflag:s17] =	ssyncadd.s32 $0xFFFFFFB0  }
0x2f: {  	[spmem:s8] =	stream.linear.scatter [tilespmem:s16], [sflag:$0x2], $0x50, $0x38;
	[tilespmem:$0x5B00] =	vst v63  }
0x30: {  	_ =	swait.ge [sflag:s17], $0x50  }
0x31: {  	[sflag:s17] =	ssyncset.done $0x0  }
0x32: {  	[sflag:s17] =	ssyncadd.s32 $0xFFFFFFB0  }
0x33: {  	[spmem:s9] =	stream.linear.scatter [tilespmem:s16], [sflag:$0x2], $0x50, $0x38;
	[tilespmem:$0x5B00] =	vst v63  }
0x34: {  	_ =	swait.ge [sflag:s17], $0x50  }
0x35: {  	[sflag:s17] =	ssyncset.done $0x0  }
0x36: {  	[sflag:s17] =	ssyncadd.s32 $0xFFFFFFB0  }
0x37: {  	[spmem:s10] =	stream.linear.scatter [tilespmem:s16], [sflag:$0x2], $0x50, $0x38;
	[tilespmem:$0x5B00] =	vst v63  }
0x38: {  	_ =	swait.ge [sflag:s17], $0x50  }
0x39: {  	[sflag:s17] =	ssyncset.done $0x0  }
0x3a: {  	[sflag:s17] =	ssyncadd.s32 $0xFFFFFFB0  }
0x3b: {  	[spmem:s11] =	stream.linear.scatter [tilespmem:s16], [sflag:$0x2], $0x50, $0x38;
	[tilespmem:$0x5B00] =	vst v63  }
0x3c: {  	_ =	swait.ge [sflag:s17], $0x50  }
0x3d: {  	[sflag:s17] =	ssyncset.done $0x0  }
0x3e: {  	[sflag:s17] =	ssyncadd.s32 $0xFFFFFFB0  }
0x3f: {  	[tilespmem:$0x5A80] =	vst v1  }
0x40: {  	[tilespmem:$0x5A90] =	vst v1  }
.Ltmp2:
0x41: {  	[tilespmem:$0x5AA0] =	vst v1;
	(pc) =	sbr.rel @!p0 .LBB2_2-.Ltmp2, $4  }
0x42: {  	[tilespmem:$0x5AB0] =	vst v1  }
0x43: {  	[tilespmem:$0x5AC0] =	vst v1  }
0x44: {  	[bflag:$0x0] =	sbarrier.arrive $0xFFFF  }
0x45: {  	s25 =	simm.s32 $0x0  }
0x46: {  	[tilespmem:s18], [sflag:$0x2] =	stream.linear.gather [hbm4b:s13+s25], $0x2800, $0x38;
	[tilespmem:$0x5B00] =	vst v63  }
0x47: {  	_ =	swait.ge [sflag:s17], $0x2800  }
0x48: {  	s25 =	simm.s32 $0x200;
	[sflag:s17] =	ssyncset.done $0x0  }
0x49: {  	s28 =	simm.s32 $0x280;
	s26 =	simm.s32 $0x50;
	[sflag:s17] =	ssyncadd.s32 $0xFFFFD800  }
.LBB2_8:
0x4a: {  	[spmem:s2] =	stream.indirect.scatter.add.f32 [tilespmem:s16], [sflag:$0x1], $0x1, s28, s26, $0xb8;
	[tilespmem:$0x5B00] =	vst v63  }
0x4b: {  	s28 =	smov.u32 s25;
	p1 =	sne.s32 s25, $0x9E00  }
.Ltmp3:
0x4c: {  	s25 =	sadd.s32 $0x200, s25;
	(pc) =	sbr.rel @p1 .LBB2_8-.Ltmp3, $3  }
0x4d: {  	_ =	sdelay $0x1  }
0x4e: {  	s28 =	sshra.s32 s28, $0x2  }
0x4f: {  	s28 =	sadd.s32 $0x280, s28  }
0x50: {  	[spmem:s2] =	stream.indirect.scatter.add.f32 [tilespmem:s16], [sflag:$0x1], $0x1, s28, s26, $0xb8;
	[tilespmem:$0x5B00] =	vst v63  }
0x51: {  	_ =	swait.ge [sflag:s19], $0x50  }
0x52: {  	s25 =	simm.s32 $0x4F;
	[sflag:s19] =	ssyncset.done $0x0  }
.LBB2_10:
0x53: {  	p1 =	sne.s32 s25, $0x1;
	s25 =	sadd.s32 $0xFFFFFFFF, s25;
	[sflag:s19] =	ssyncadd.s32 $0xFFFFFFB0  }
.Ltmp4:
0x54: {  	(pc) =	sbr.rel @p1 .LBB2_10-.Ltmp4, $3  }
0x55: {  	_ =	sdelay $0x1  }
0x56: {  	_ =	swait.ge [sflag:s19], $0x50  }
0x57: {  	[sflag:s19] =	ssyncset.done $0x0  }
.Ltmp5:
0x58: {  	_ = 	snop;
	(pc) =	sbr.rel .LBB2_11-.Ltmp5, $1  }
0x59: {  	_ =	sdelay $0x3  }
.LBB2_2:
0x5a: {  	[tilespmem:s18], [sflag:$0x2] =	stream.linear.gather [hbm4b:s12+s25], $0x5800, $0x38;
	[tilespmem:$0x5B00] =	vst v63  }
0x5b: {  	_ =	swait.ge [sflag:s17], $0x5800  }
0x5c: {  	[sflag:s17] =	ssyncset.done $0x0  }
0x5d: {  	[sflag:s17] =	ssyncadd.s32 $0xFFFFA800  }
.LBB2_3:
0x5e: {  	p1 =	sne.s32 s25, $0x15E00  }
.Ltmp6:
0x5f: {  	_ = 	snop;
	(pc) =	sbr.rel @p1 .LBB2_3-.Ltmp6, $4  }
0x60: {  	_ = 	snop  }
0x61: {  	s26 =	sshra.s32 s25, $0x2  }
0x62: {  	s25 =	sadd.s32 $0x200, s25;
	s26 =	sadd.s32 $0x280, s26  }
0x63: {  	[spmem:s2] =	stream.indirect.scatter.add.f32 [tilespmem:s16], [sflag:$0x1], $0x1, s26, s24, $0xb8;
	[tilespmem:$0x5B00] =	vst v63  }
0x64: {  	_ =	swait.ge [sflag:s19], $0x50  }
0x65: {  	s25 =	simm.s32 $0xAF;
	[sflag:s19] =	ssyncset.done $0x0  }
.LBB2_5:
0x66: {  	p1 =	seq.s32 s25, $0x1;
	s25 =	sadd.s32 $0xFFFFFFFF, s25;
	[sflag:s19] =	ssyncadd.s32 $0xFFFFFFB0  }
.Ltmp7:
0x67: {  	(pc) =	sbr.rel @!p1 .LBB2_5-.Ltmp7, $3  }
0x68: {  	_ =	sdelay $0x1  }
0x69: {  	_ =	swait.ge [sflag:s19], $0x50  }
0x6a: {  	[sflag:s19] =	ssyncset.done $0x0  }
.Ltmp8:
0x6b: {  	(pc) =	sbr.rel .LBB2_12-.Ltmp8, $2  }
0x6c: {  	_ =	sdelay $0x2  }
0x6d: {  	[sflag:s19] =	ssyncadd.s32 $0xFFFFFFB0  }
.LBB2_13:
0x6e: {  	_ =	sfence.sel $0x180000  }
0x6f: {  	[bflag:$0x0] =	sbarrier.arrive $0xFFFF  }
0x70: {  	p0 =	sne.s32 s1, $0x0;
	_ =	strace $0x90000047  }
0x71: {  	s0 =	sadd.s32 @!p0 $0x100000, s0;
	[bflag:$0x2] =	sbarrier.arrive $0xFFFF  }
0x72: {  	[sflag:s0] =	ssyncadd.tile.s32 @!p0 $0x1;
	_ =	shalt  }
.Lfunc_end2:
_tile_overlayer_lowered:
.L_overlay_start_2:
0x73: {  	(tag) =	ssettag $0x2  }
0x74: {  	s0 =	rddreg [dreg:$0x0];
	s2 =	stileid.u32  }
0x75: {  	s1 =	rddreg [dreg:$0x1];
	p0 =	sne.s32 s2, $0x0  }
0x76: {  	s3 =	rddreg [dreg:$0x2];
	[bflag:$0x3] =	sbarrier.arrive $0xFFFF;
	s2 =	simm.s32 @!p0 $0x1C02  }
0x77: {  	[timem:s3], [sflag:s2] =	dma.local @!p0 [hbm:s0], s1  }
0x78: {  	s0 =	simm.s32 @!p0 $0x2  }
0x79: {  	_ =	swait.ge @!p0 [sflag:s0], s1  }
0x7a: {  	s1 =	ssub.s32 @!p0 $0x0, s1;
	[sflag:s0] =	ssyncset.done @!p0 $0x0  }
0x7b: {  	[sflag:s0] =	ssyncadd.s32 @!p0 s1  }
0x7c: {  	[bflag:$0x3] =	sbarrier.arrive $0xFFFF  }
0x7d: {  	_ =	shalt  }

</sc_bundles>
